<compile_context>
chip_gen: v7x
topology: tpu7x:2x2x1
jax: 0.10.2.dev20260603
libtpu: 0.0.44.dev20260713+nightly
codegen_flags: <defaults>
</compile_context>

<pallas_src>
import functools

import jax
import jax.numpy as jnp
from jax import lax
from jax.experimental import pallas as pl
from jax.experimental.pallas import tpu as pltpu
from jax.experimental.pallas import tpu_sc as plsc

NUM_EXPERTS = 8
TOP_K = 2
D_MODEL = 1024
D_FF = 2048

TM = 512
LANES = 16
NW = 32
REORDER_CT = 64
COMBINE_CT = 32


def _group_body(sched_ref, x_ref, w1_ref, w3_ref, w2_ref, y_ref):
    g = pl.program_id(0)
    lo = sched_ref[2, g]
    hi = sched_ref[3, g]
    first = sched_ref[4, g]
    t = sched_ref[0, g]

    @pl.when(hi > lo)
    def _compute():
        xb = x_ref[...]
        h1 = jnp.dot(xb, w1_ref[0], preferred_element_type=jnp.float32)
        h3 = jnp.dot(xb, w3_ref[0], preferred_element_type=jnp.float32)
        h = (h1 * jax.nn.sigmoid(h1)) * h3
        y = jnp.dot(h, w2_ref[0], preferred_element_type=jnp.float32)
        rows = t * TM + jax.lax.broadcasted_iota(jnp.int32, (TM, 1), 0)
        mask = (rows >= lo) & (rows < hi)
        contrib = jnp.where(mask, y, 0.0)

        @pl.when(first == 1)
        def _init():
            y_ref[...] = contrib

        @pl.when(first == 0)
        def _acc():
            y_ref[...] += contrib


def _sc_mesh():
    return plsc.VectorSubcoreMesh(core_axis_name="c", subcore_axis_name="s")


def _sc_wid():
    return lax.axis_index("s") * 2 + lax.axis_index("c")


def _reorder_body(xf, pos2, xs, xrow_v, idxe_v, idxo_v, sem):
    T = xf.shape[0]
    per_w = T // NW
    wid = _sc_wid()

    def chunk(i, _):
        base = wid * per_w + i * REORDER_CT
        pltpu.sync_copy(pos2.at[0, pl.ds(base, REORDER_CT)], idxe_v)
        pltpu.sync_copy(pos2.at[1, pl.ds(base, REORDER_CT)], idxo_v)
        pltpu.sync_copy(xf.at[pl.ds(base, REORDER_CT)], xrow_v)
        c1 = pltpu.async_copy(xrow_v, xs.at[idxe_v], sem)
        c2 = pltpu.async_copy(xrow_v, xs.at[idxo_v], sem)
        c1.wait()
        c2.wait()
        return 0

    lax.fori_loop(0, per_w // REORDER_CT, chunk, 0)


def _combine_body(ys, pos2, wtb, out, idxe_v, idxo_v, wte_v, wto_v,
                  rows0_v, rows1_v, sem):
    T = out.shape[0]
    per_w = T // NW
    wid = _sc_wid()

    def chunk(i, _):
        base = wid * per_w + i * COMBINE_CT
        pltpu.sync_copy(pos2.at[0, pl.ds(base, COMBINE_CT)], idxe_v)
        pltpu.sync_copy(pos2.at[1, pl.ds(base, COMBINE_CT)], idxo_v)
        pltpu.sync_copy(wtb.at[0, pl.ds(base, COMBINE_CT)], wte_v)
        pltpu.sync_copy(wtb.at[1, pl.ds(base, COMBINE_CT)], wto_v)
        c1 = pltpu.async_copy(ys.at[idxe_v], rows0_v, sem)
        c2 = pltpu.async_copy(ys.at[idxo_v], rows1_v, sem)
        c1.wait()
        c2.wait()

        def row(r, _):
            w0 = wte_v[r, :]
            w1 = wto_v[r, :]
            for k in range(D_MODEL // LANES):
                sl = pl.ds(k * LANES, LANES)
                rows0_v[r, sl] = w0 * rows0_v[r, sl] + w1 * rows1_v[r, sl]
            return 0

        lax.fori_loop(0, COMBINE_CT, row, 0)
        pltpu.sync_copy(rows0_v, out.at[pl.ds(base, COMBINE_CT)])
        return 0

    lax.fori_loop(0, per_w // COMBINE_CT, chunk, 0)


def kernel(x, Wg, w1, w3, w2):
    B, S, D = x.shape
    T = B * S
    A = T * TOP_K
    nt = A // TM
    G = nt + NUM_EXPERTS - 1

    gate_logits = jnp.einsum('bsd,de->bse', x, Wg)
    weights, selected = jax.lax.top_k(gate_logits, TOP_K)
    weights = jax.nn.softmax(weights, axis=2)

    e_flat = selected.reshape(A).astype(jnp.int32)

    CH = 128
    nch = A // CH
    onehot = (jnp.arange(NUM_EXPERTS, dtype=jnp.int32)[:, None]
              == e_flat[None, :]).astype(jnp.float32)
    ohc = onehot.reshape(NUM_EXPERTS, nch, CH)
    ii = jnp.arange(CH)
    u_incl = (ii[:, None] <= ii[None, :]).astype(jnp.float32)
    within = jnp.einsum('enc,cd->end', ohc, u_incl)
    chunk_tot = within[..., -1]
    jj = jnp.arange(nch)
    u_excl = (jj[:, None] < jj[None, :]).astype(jnp.float32)
    chunk_base = jnp.einsum('en,nm->em', chunk_tot, u_excl)
    sizes_f = chunk_tot.sum(-1)
    starts_f = jnp.concatenate([jnp.zeros((1,), jnp.float32),
                                jnp.cumsum(sizes_f)[:-1]])
    posmap = within + chunk_base[:, :, None] - 1.0 \
        + starts_f[:, None, None]
    pos = jnp.sum(posmap.reshape(NUM_EXPERTS, A) * onehot,
                  axis=0).astype(jnp.int32)
    pos2 = pos.reshape(T, TOP_K).T
    sizes = sizes_f.astype(jnp.int32)
    ends = jnp.cumsum(sizes)
    starts = ends - sizes

    t_start = starts // TM
    t_last = jnp.maximum(ends - 1, 0) // TM
    touched = jnp.where(sizes > 0, t_last - t_start + 1, 0)
    pair_end = jnp.cumsum(touched)
    pair_start = pair_end - touched

    gidx = jnp.arange(G, dtype=jnp.int32)
    e_of_g = jnp.searchsorted(pair_end, gidx, side='right').astype(jnp.int32)
    valid = e_of_g < NUM_EXPERTS
    e_cl = jnp.minimum(e_of_g, NUM_EXPERTS - 1)
    last_e = jnp.searchsorted(pair_end, pair_end[-1] - 1,
                              side='right').astype(jnp.int32)
    e_g = jnp.where(valid, e_cl, last_e)
    t_g = jnp.where(valid, t_start[e_cl] + (gidx - pair_start[e_cl]), nt - 1)
    lo_g = jnp.where(valid, jnp.maximum(starts[e_g], t_g * TM), 0)
    hi_g = jnp.where(valid, jnp.minimum(ends[e_g], (t_g + 1) * TM), 0)
    first_g = jnp.concatenate([
        jnp.ones((1,), jnp.int32),
        (t_g[1:] != t_g[:-1]).astype(jnp.int32),
    ])
    sched = jnp.stack([t_g, e_g, lo_g, hi_g, first_g])

    xf = x.reshape(T, D)
    wtb = jnp.broadcast_to(
        weights.reshape(T, TOP_K).T[:, :, None], (TOP_K, T, LANES))

    reorder = functools.partial(
        pl.kernel,
        out_type=jax.ShapeDtypeStruct((A, D_MODEL), jnp.float32),
        mesh=_sc_mesh(),
        scratch_types=[
            pltpu.VMEM((REORDER_CT, D_MODEL), jnp.float32),
            pltpu.VMEM((REORDER_CT,), jnp.int32),
            pltpu.VMEM((REORDER_CT,), jnp.int32),
            pltpu.SemaphoreType.DMA,
        ],
    )(_reorder_body)
    x_sorted = reorder(xf, pos2)

    grid_spec = pltpu.PrefetchScalarGridSpec(
        num_scalar_prefetch=1,
        grid=(G,),
        in_specs=[
            pl.BlockSpec((TM, D_MODEL), lambda g, s: (s[0, g], 0)),
            pl.BlockSpec((1, D_MODEL, D_FF), lambda g, s: (s[1, g], 0, 0)),
            pl.BlockSpec((1, D_MODEL, D_FF), lambda g, s: (s[1, g], 0, 0)),
            pl.BlockSpec((1, D_FF, D_MODEL), lambda g, s: (s[1, g], 0, 0)),
        ],
        out_specs=pl.BlockSpec((TM, D_MODEL), lambda g, s: (s[0, g], 0)),
    )
    y_sorted = pl.pallas_call(
        _group_body,
        grid_spec=grid_spec,
        out_shape=jax.ShapeDtypeStruct((A, D_MODEL), jnp.float32),
        compiler_params=pltpu.CompilerParams(
            vmem_limit_bytes=100 * 1024 * 1024),
    )(sched, x_sorted, w1, w3, w2)

    combine = functools.partial(
        pl.kernel,
        out_type=jax.ShapeDtypeStruct((T, D_MODEL), jnp.float32),
        mesh=_sc_mesh(),
        scratch_types=[
            pltpu.VMEM((COMBINE_CT,), jnp.int32),
            pltpu.VMEM((COMBINE_CT,), jnp.int32),
            pltpu.VMEM((COMBINE_CT, LANES), jnp.float32),
            pltpu.VMEM((COMBINE_CT, LANES), jnp.float32),
            pltpu.VMEM((COMBINE_CT, D_MODEL), jnp.float32),
            pltpu.VMEM((COMBINE_CT, D_MODEL), jnp.float32),
            pltpu.SemaphoreType.DMA,
        ],
    )(_combine_body)
    out = combine(y_sorted, pos2, wtb)

    return out.reshape(B, S, D)

# --- scband reference (transcript-rebuilt; emitter-appended) ---
"""Pipeline reference for scband-mo-e-1795296330049 (READ-ONLY COPY).

The authoritative reference and input builder live on the scoring server;
editing this copy changes nothing except your own understanding.
"""

import jax, jax.numpy as jnp
import numpy as np

NUM_EXPERTS = 8
TOP_K = 2
D_MODEL = 1024
D_FF = 2048
B, S = 2, 4096


def setup_inputs(seed: int = 0) -> dict:
    key = jax.random.key(seed)
    ks = jax.random.split(key, 5)
    x = jax.random.normal(ks[0], (B, S, D_MODEL), dtype=jnp.float32)
    Wg = jax.random.normal(ks[1], (D_MODEL, NUM_EXPERTS), dtype=jnp.float32) * (D_MODEL ** -0.5)
    w1 = jax.random.normal(ks[2], (NUM_EXPERTS, D_MODEL, D_FF), dtype=jnp.float32) * (D_MODEL ** -0.5)
    w3 = jax.random.normal(ks[3], (NUM_EXPERTS, D_MODEL, D_FF), dtype=jnp.float32) * (D_MODEL ** -0.5)
    w2 = jax.random.normal(ks[4], (NUM_EXPERTS, D_FF, D_MODEL), dtype=jnp.float32) * (D_FF ** -0.5)
    return {"x": x, "Wg": Wg, "w1": w1, "w3": w3, "w2": w2}


def reference(x, Wg, w1, w3, w2):
    # gate: Linear(d_model -> num_experts), no bias
    gate_logits = jnp.einsum('bsd,de->bse', x, Wg)
    # topk over expert dim, softmax over selected weights (dim=2)
    weights, selected_experts = jax.lax.top_k(gate_logits, TOP_K)
    weights = jax.nn.softmax(weights, axis=2)
    output = jnp.zeros_like(x)
    # dense-mask equivalent of the torch per-expert gather/scatter loop:
    # for each expert i, tokens where selected_experts == i receive
    # weight[b, s, nth_expert] * expert_i(x[b, s])
    for i in range(NUM_EXPERTS):
        mask = (selected_experts == i)  # [B, S, K]
        w_i = jnp.sum(weights * mask.astype(weights.dtype), axis=2)  # [B, S]
        # expert: SwiGLU FFN  w2(silu(x @ w1) * (x @ w3))
        h = jax.nn.silu(jnp.einsum('bsd,df->bsf', x, w1[i])) * jnp.einsum('bsd,df->bsf', x, w3[i])
        y = jnp.einsum('bsf,fd->bsd', h, w2[i])
        output = output + w_i[..., None] * y
    return output

if __name__ == "__main__":
    import jax
    _d = setup_inputs()
    print(jax.jit(kernel)(*tuple(_d.values())))

</pallas_src>

<mosaic_0001>
#map = affine_map<(d0, d1) -> (0, 0)>
#map1 = affine_map<(d0, d1) -> (0, 0, 0)>
module attributes {stable_mosaic.version = 14 : i64} {
  func.func @_combine_body(%arg0: i32, %arg1: i32, %arg2: memref<16384x1024xf32, #tpu.memory_space<hbm>>, %arg3: memref<2x8192xi32, #tpu.memory_space<hbm>>, %arg4: memref<2x8192x16xf32, #tpu.memory_space<hbm>>, %arg5: memref<8192x1024xf32, #tpu.memory_space<hbm>>, %arg6: memref<32xi32, #tpu.memory_space<vmem>>, %arg7: memref<32xi32, #tpu.memory_space<vmem>>, %arg8: memref<32x16xf32, #tpu.memory_space<vmem>>, %arg9: memref<32x16xf32, #tpu.memory_space<vmem>>, %arg10: memref<32x1024xf32, #tpu.memory_space<vmem>>, %arg11: memref<32x1024xf32, #tpu.memory_space<vmem>>, %arg12: memref<!tpu.dma_semaphore, #tpu.memory_space<semaphore_mem>>) attributes {dimension_semantics = [#tpu.dimension_semantics<core_parallel>, #tpu.dimension_semantics<subcore_parallel>], iteration_bounds = array<i64: 2, 16>, scalar_prefetch = 0 : i64, scratch_operands = 7 : i64, tpu.core_type = #tpu.core_type<sc_vector_subcore>, window_params = [{transform_indices = #map}, {transform_indices = #map}, {transform_indices = #map1}, {transform_indices = #map}]} {
    %mul3A = arith.constant 2 : i32
    %mul3A_0 = arith.muli %arg1, %mul3A : i32
    %add3A = arith.addi %mul3A_0, %arg0 : i32
    %scan3A = arith.constant 0 : i32
    %scan3A_1 = arith.constant 0 : i32
    %scan3A_2 = arith.constant 8 : i32
    %scan3A_3 = arith.addi %scan3A_1, %scan3A_2 : i32
    %scan3A_4 = arith.constant 1 : i32
    %scan3A_5 = scf.for %scan3A_7 = %scan3A_1 to %scan3A_3 step %scan3A_4 iter_args(%scan3A_8 = %scan3A) -> (i32)  : i32 {
      %mul3A_9 = arith.constant 256 : i32
      %mul3A_10 = arith.muli %add3A, %mul3A_9 : i32
      %mul3A_11 = arith.constant 32 : i32
      %mul3A_12 = arith.muli %scan3A_7, %mul3A_11 : i32
      %add3A_13 = arith.addi %mul3A_10, %mul3A_12 : i32
      %run_scoped3A = arith.constant 0 : i32
      "tpu.region"() ({
        %run_scoped3A_35 = tpu.sem_alloc : memref<!tpu.dma_semaphore, #tpu.memory_space<semaphore_mem>>
        %dma_start3A_36 = tpu.memref_slice %arg3[%run_scoped3A, %add3A_13] : memref<2x8192xi32, #tpu.memory_space<hbm>> -> memref<1x32xi32, #tpu.memory_space<hbm>>
        %dma_start3A_37 = tpu.memref_squeeze %dma_start3A_36 : memref<1x32xi32, #tpu.memory_space<hbm>> -> memref<32xi32, #tpu.memory_space<hbm>>
        %dma_start3A_38 = tpu.memref_slice %arg3[%run_scoped3A, %add3A_13] : memref<2x8192xi32, #tpu.memory_space<hbm>> -> memref<1x32xi32, #tpu.memory_space<hbm>>
        %dma_start3A_39 = tpu.memref_squeeze %dma_start3A_38 : memref<1x32xi32, #tpu.memory_space<hbm>> -> memref<32xi32, #tpu.memory_space<hbm>>
        tpu.enqueue_dma source(%dma_start3A_39 : memref<32xi32, #tpu.memory_space<hbm>>) target(%arg6 : memref<32xi32, #tpu.memory_space<vmem>>) target_semaphore(%run_scoped3A_35 : memref<!tpu.dma_semaphore, #tpu.memory_space<semaphore_mem>>)
        %dma_wait3A_40 = tpu.memref_slice %arg3[%run_scoped3A, %add3A_13] : memref<2x8192xi32, #tpu.memory_space<hbm>> -> memref<1x32xi32, #tpu.memory_space<hbm>>
        %dma_wait3A_41 = tpu.memref_squeeze %dma_wait3A_40 : memref<1x32xi32, #tpu.memory_space<hbm>> -> memref<32xi32, #tpu.memory_space<hbm>>
        %dma_wait3A_42 = tpu.memref_slice %arg3[%run_scoped3A, %add3A_13] : memref<2x8192xi32, #tpu.memory_space<hbm>> -> memref<1x32xi32, #tpu.memory_space<hbm>>
        %dma_wait3A_43 = tpu.memref_squeeze %dma_wait3A_42 : memref<1x32xi32, #tpu.memory_space<hbm>> -> memref<32xi32, #tpu.memory_space<hbm>>
        tpu.wait_dma2 semaphore(%run_scoped3A_35 : memref<!tpu.dma_semaphore, #tpu.memory_space<semaphore_mem>>) src(%dma_wait3A_43 : memref<32xi32, #tpu.memory_space<hbm>>) dst(%arg6 : memref<32xi32, #tpu.memory_space<vmem>>)
        tpu.yield
      }) : () -> ()
      %run_scoped3A_14 = arith.constant 1 : i32
      "tpu.region"() ({
        %run_scoped3A_35 = tpu.sem_alloc : memref<!tpu.dma_semaphore, #tpu.memory_space<semaphore_mem>>
        %dma_start3A_36 = tpu.memref_slice %arg3[%run_scoped3A_14, %add3A_13] : memref<2x8192xi32, #tpu.memory_space<hbm>> -> memref<1x32xi32, #tpu.memory_space<hbm>>
        %dma_start3A_37 = tpu.memref_squeeze %dma_start3A_36 : memref<1x32xi32, #tpu.memory_space<hbm>> -> memref<32xi32, #tpu.memory_space<hbm>>
        %dma_start3A_38 = tpu.memref_slice %arg3[%run_scoped3A_14, %add3A_13] : memref<2x8192xi32, #tpu.memory_space<hbm>> -> memref<1x32xi32, #tpu.memory_space<hbm>>
        %dma_start3A_39 = tpu.memref_squeeze %dma_start3A_38 : memref<1x32xi32, #tpu.memory_space<hbm>> -> memref<32xi32, #tpu.memory_space<hbm>>
        tpu.enqueue_dma source(%dma_start3A_39 : memref<32xi32, #tpu.memory_space<hbm>>) target(%arg7 : memref<32xi32, #tpu.memory_space<vmem>>) target_semaphore(%run_scoped3A_35 : memref<!tpu.dma_semaphore, #tpu.memory_space<semaphore_mem>>)
        %dma_wait3A_40 = tpu.memref_slice %arg3[%run_scoped3A_14, %add3A_13] : memref<2x8192xi32, #tpu.memory_space<hbm>> -> memref<1x32xi32, #tpu.memory_space<hbm>>
        %dma_wait3A_41 = tpu.memref_squeeze %dma_wait3A_40 : memref<1x32xi32, #tpu.memory_space<hbm>> -> memref<32xi32, #tpu.memory_space<hbm>>
        %dma_wait3A_42 = tpu.memref_slice %arg3[%run_scoped3A_14, %add3A_13] : memref<2x8192xi32, #tpu.memory_space<hbm>> -> memref<1x32xi32, #tpu.memory_space<hbm>>
        %dma_wait3A_43 = tpu.memref_squeeze %dma_wait3A_42 : memref<1x32xi32, #tpu.memory_space<hbm>> -> memref<32xi32, #tpu.memory_space<hbm>>
        tpu.wait_dma2 semaphore(%run_scoped3A_35 : memref<!tpu.dma_semaphore, #tpu.memory_space<semaphore_mem>>) src(%dma_wait3A_43 : memref<32xi32, #tpu.memory_space<hbm>>) dst(%arg7 : memref<32xi32, #tpu.memory_space<vmem>>)
        tpu.yield
      }) : () -> ()
      %run_scoped3A_15 = arith.constant 0 : i32
      "tpu.region"() ({
        %run_scoped3A_35 = tpu.sem_alloc : memref<!tpu.dma_semaphore, #tpu.memory_space<semaphore_mem>>
        %dma_start3A_36 = arith.constant 0 : i32
        %dma_start3A_37 = tpu.memref_slice %arg4[%run_scoped3A_15, %add3A_13, %dma_start3A_36] : memref<2x8192x16xf32, #tpu.memory_space<hbm>> -> memref<1x32x16xf32, #tpu.memory_space<hbm>>
        %dma_start3A_38 = tpu.memref_squeeze %dma_start3A_37 : memref<1x32x16xf32, #tpu.memory_space<hbm>> -> memref<32x16xf32, #tpu.memory_space<hbm>>
        %dma_start3A_39 = arith.constant 0 : i32
        %dma_start3A_40 = tpu.memref_slice %arg4[%run_scoped3A_15, %add3A_13, %dma_start3A_39] : memref<2x8192x16xf32, #tpu.memory_space<hbm>> -> memref<1x32x16xf32, #tpu.memory_space<hbm>>
        %dma_start3A_41 = tpu.memref_squeeze %dma_start3A_40 : memref<1x32x16xf32, #tpu.memory_space<hbm>> -> memref<32x16xf32, #tpu.memory_space<hbm>>
        tpu.enqueue_dma source(%dma_start3A_41 : memref<32x16xf32, #tpu.memory_space<hbm>>) target(%arg8 : memref<32x16xf32, #tpu.memory_space<vmem>>) target_semaphore(%run_scoped3A_35 : memref<!tpu.dma_semaphore, #tpu.memory_space<semaphore_mem>>)
        %dma_wait3A_42 = arith.constant 0 : i32
        %dma_wait3A_43 = tpu.memref_slice %arg4[%run_scoped3A_15, %add3A_13, %dma_wait3A_42] : memref<2x8192x16xf32, #tpu.memory_space<hbm>> -> memref<1x32x16xf32, #tpu.memory_space<hbm>>
        %dma_wait3A_44 = tpu.memref_squeeze %dma_wait3A_43 : memref<1x32x16xf32, #tpu.memory_space<hbm>> -> memref<32x16xf32, #tpu.memory_space<hbm>>
        %dma_wait3A_45 = arith.constant 0 : i32
        %dma_wait3A_46 = tpu.memref_slice %arg4[%run_scoped3A_15, %add3A_13, %dma_wait3A_45] : memref<2x8192x16xf32, #tpu.memory_space<hbm>> -> memref<1x32x16xf32, #tpu.memory_space<hbm>>
        %dma_wait3A_47 = tpu.memref_squeeze %dma_wait3A_46 : memref<1x32x16xf32, #tpu.memory_space<hbm>> -> memref<32x16xf32, #tpu.memory_space<hbm>>
        tpu.wait_dma2 semaphore(%run_scoped3A_35 : memref<!tpu.dma_semaphore, #tpu.memory_space<semaphore_mem>>) src(%dma_wait3A_47 : memref<32x16xf32, #tpu.memory_space<hbm>>) dst(%arg8 : memref<32x16xf32, #tpu.memory_space<vmem>>)
        tpu.yield
      }) : () -> ()
      %run_scoped3A_16 = arith.constant 1 : i32
      "tpu.region"() ({
        %run_scoped3A_35 = tpu.sem_alloc : memref<!tpu.dma_semaphore, #tpu.memory_space<semaphore_mem>>
        %dma_start3A_36 = arith.constant 0 : i32
        %dma_start3A_37 = tpu.memref_slice %arg4[%run_scoped3A_16, %add3A_13, %dma_start3A_36] : memref<2x8192x16xf32, #tpu.memory_space<hbm>> -> memref<1x32x16xf32, #tpu.memory_space<hbm>>
        %dma_start3A_38 = tpu.memref_squeeze %dma_start3A_37 : memref<1x32x16xf32, #tpu.memory_space<hbm>> -> memref<32x16xf32, #tpu.memory_space<hbm>>
        %dma_start3A_39 = arith.constant 0 : i32
        %dma_start3A_40 = tpu.memref_slice %arg4[%run_scoped3A_16, %add3A_13, %dma_start3A_39] : memref<2x8192x16xf32, #tpu.memory_space<hbm>> -> memref<1x32x16xf32, #tpu.memory_space<hbm>>
        %dma_start3A_41 = tpu.memref_squeeze %dma_start3A_40 : memref<1x32x16xf32, #tpu.memory_space<hbm>> -> memref<32x16xf32, #tpu.memory_space<hbm>>
        tpu.enqueue_dma source(%dma_start3A_41 : memref<32x16xf32, #tpu.memory_space<hbm>>) target(%arg9 : memref<32x16xf32, #tpu.memory_space<vmem>>) target_semaphore(%run_scoped3A_35 : memref<!tpu.dma_semaphore, #tpu.memory_space<semaphore_mem>>)
        %dma_wait3A_42 = arith.constant 0 : i32
        %dma_wait3A_43 = tpu.memref_slice %arg4[%run_scoped3A_16, %add3A_13, %dma_wait3A_42] : memref<2x8192x16xf32, #tpu.memory_space<hbm>> -> memref<1x32x16xf32, #tpu.memory_space<hbm>>
        %dma_wait3A_44 = tpu.memref_squeeze %dma_wait3A_43 : memref<1x32x16xf32, #tpu.memory_space<hbm>> -> memref<32x16xf32, #tpu.memory_space<hbm>>
        %dma_wait3A_45 = arith.constant 0 : i32
        %dma_wait3A_46 = tpu.memref_slice %arg4[%run_scoped3A_16, %add3A_13, %dma_wait3A_45] : memref<2x8192x16xf32, #tpu.memory_space<hbm>> -> memref<1x32x16xf32, #tpu.memory_space<hbm>>
        %dma_wait3A_47 = tpu.memref_squeeze %dma_wait3A_46 : memref<1x32x16xf32, #tpu.memory_space<hbm>> -> memref<32x16xf32, #tpu.memory_space<hbm>>
        tpu.wait_dma2 semaphore(%run_scoped3A_35 : memref<!tpu.dma_semaphore, #tpu.memory_space<semaphore_mem>>) src(%dma_wait3A_47 : memref<32x16xf32, #tpu.memory_space<hbm>>) dst(%arg9 : memref<32x16xf32, #tpu.memory_space<vmem>>)
        tpu.yield
      }) : () -> ()
      %dma_start3A = arith.constant 0 : i32
      %dma_start3A_17 = arith.constant 0 : i32
      %dma_start3A_18 = tpu.memref_slice %arg2[%dma_start3A, %dma_start3A_17] : memref<16384x1024xf32, #tpu.memory_space<hbm>> -> memref<16384x1024xf32, #tpu.memory_space<hbm>>
      tpu.enqueue_indirect_dma source(%dma_start3A_18 : memref<16384x1024xf32, #tpu.memory_space<hbm>>) target(%arg10 : memref<32x1024xf32, #tpu.memory_space<vmem>>) offsets(%arg6 : memref<32xi32, #tpu.memory_space<vmem>>) semaphore(%arg12 : memref<!tpu.dma_semaphore, #tpu.memory_space<semaphore_mem>>)
      %dma_start3A_19 = arith.constant 0 : i32
      %dma_start3A_20 = arith.constant 0 : i32
      %dma_start3A_21 = tpu.memref_slice %arg2[%dma_start3A_19, %dma_start3A_20] : memref<16384x1024xf32, #tpu.memory_space<hbm>> -> memref<16384x1024xf32, #tpu.memory_space<hbm>>
      tpu.enqueue_indirect_dma source(%dma_start3A_21 : memref<16384x1024xf32, #tpu.memory_space<hbm>>) target(%arg11 : memref<32x1024xf32, #tpu.memory_space<vmem>>) offsets(%arg7 : memref<32xi32, #tpu.memory_space<vmem>>) semaphore(%arg12 : memref<!tpu.dma_semaphore, #tpu.memory_space<semaphore_mem>>)
      %dma_wait3A = arith.constant 0 : i32
      %dma_wait3A_22 = arith.constant 0 : i32
      %dma_wait3A_23 = tpu.memref_slice %arg2[%dma_wait3A, %dma_wait3A_22] : memref<16384x1024xf32, #tpu.memory_space<hbm>> -> memref<16384x1024xf32, #tpu.memory_space<hbm>>
      tpu.wait_indirect_dma semaphore(%arg12 : memref<!tpu.dma_semaphore, #tpu.memory_space<semaphore_mem>>) src(%dma_wait3A_23 : memref<16384x1024xf32, #tpu.memory_space<hbm>>) dst(%arg10 : memref<32x1024xf32, #tpu.memory_space<vmem>>)
      %dma_wait3A_24 = arith.constant 0 : i32
      %dma_wait3A_25 = arith.constant 0 : i32
      %dma_wait3A_26 = tpu.memref_slice %arg2[%dma_wait3A_24, %dma_wait3A_25] : memref<16384x1024xf32, #tpu.memory_space<hbm>> -> memref<16384x1024xf32, #tpu.memory_space<hbm>>
      tpu.wait_indirect_dma semaphore(%arg12 : memref<!tpu.dma_semaphore, #tpu.memory_space<semaphore_mem>>) src(%dma_wait3A_26 : memref<16384x1024xf32, #tpu.memory_space<hbm>>) dst(%arg11 : memref<32x1024xf32, #tpu.memory_space<vmem>>)
      %scan3A_27 = arith.constant 0 : i32
      %scan3A_28 = arith.constant 0 : i32
      %scan3A_29 = arith.constant 32 : i32
      %scan3A_30 = arith.addi %scan3A_28, %scan3A_29 : i32
      %scan3A_31 = arith.constant 1 : i32
      %scan3A_32 = scf.for %scan3A_35 = %scan3A_28 to %scan3A_30 step %scan3A_31 iter_args(%scan3A_36 = %scan3A_27) -> (i32)  : i32 {
        %get3A = arith.index_cast %scan3A_35 : i32 to index
        %get3A_37 = arith.constant 0 : index
        %get3A_38 = tpu.vector_load %arg8[%get3A, %get3A_37] {strides = array<i32>} : memref<32x16xf32, #tpu.memory_space<vmem>>, vector<1x16xf32>,
        %get3A_39 = vector.shape_cast %get3A_38 : vector<1x16xf32> to vector<16xf32>
        %get3A_40 = arith.index_cast %scan3A_35 : i32 to index
        %get3A_41 = arith.constant 0 : index
        %get3A_42 = tpu.vector_load %arg9[%get3A_40, %get3A_41] {strides = array<i32>} : memref<32x16xf32, #tpu.memory_space<vmem>>, vector<1x16xf32>,
        %get3A_43 = vector.shape_cast %get3A_42 : vector<1x16xf32> to vector<16xf32>
        %get3A_44 = arith.index_cast %scan3A_35 : i32 to index
        %get3A_45 = arith.constant 0 : index
        %get3A_46 = tpu.vector_load %arg10[%get3A_44, %get3A_45] {strides = array<i32>} : memref<32x1024xf32, #tpu.memory_space<vmem>>, vector<1x16xf32>,
        %get3A_47 = vector.shape_cast %get3A_46 : vector<1x16xf32> to vector<16xf32>
        %mul3A_48 = arith.mulf %get3A_39, %get3A_47 : vector<16xf32>
        %get3A_49 = arith.index_cast %scan3A_35 : i32 to index
        %get3A_50 = arith.constant 0 : index
        %get3A_51 = tpu.vector_load %arg11[%get3A_49, %get3A_50] {strides = array<i32>} : memref<32x1024xf32, #tpu.memory_space<vmem>>, vector<1x16xf32>,
        %get3A_52 = vector.shape_cast %get3A_51 : vector<1x16xf32> to vector<16xf32>
        %mul3A_53 = arith.mulf %get3A_43, %get3A_52 : vector<16xf32>
        %add3A_54 = arith.addf %mul3A_48, %mul3A_53 : vector<16xf32>
        %swap3A = arith.index_cast %scan3A_35 : i32 to index
        %swap3A_55 = arith.constant 0 : index
        %swap3A_56 = tpu.vector_load %arg10[%swap3A, %swap3A_55] {strides = array<i32>} : memref<32x1024xf32, #tpu.memory_space<vmem>>, vector<1x16xf32>,
        %swap3A_57 = vector.shape_cast %swap3A_56 : vector<1x16xf32> to vector<16xf32>
        %swap3A_58 = vector.shape_cast %add3A_54 : vector<16xf32> to vector<1x16xf32>
        tpu.vector_store %arg10[%swap3A, %swap3A_55], %swap3A_58 {strides = array<i32>} : memref<32x1024xf32, #tpu.memory_space<vmem>>, vector<1x16xf32>,
        %get3A_59 = arith.index_cast %scan3A_35 : i32 to index
        %get3A_60 = arith.constant 16 : index
        %get3A_61 = tpu.vector_load %arg10[%get3A_59, %get3A_60] {strides = array<i32>} : memref<32x1024xf32, #tpu.memory_space<vmem>>, vector<1x16xf32>,
        %get3A_62 = vector.shape_cast %get3A_61 : vector<1x16xf32> to vector<16xf32>
        %mul3A_63 = arith.mulf %get3A_39, %get3A_62 : vector<16xf32>
        %get3A_64 = arith.index_cast %scan3A_35 : i32 to index
        %get3A_65 = arith.constant 16 : index
        %get3A_66 = tpu.vector_load %arg11[%get3A_64, %get3A_65] {strides = array<i32>} : memref<32x1024xf32, #tpu.memory_space<vmem>>, vector<1x16xf32>,
        %get3A_67 = vector.shape_cast %get3A_66 : vector<1x16xf32> to vector<16xf32>
        %mul3A_68 = arith.mulf %get3A_43, %get3A_67 : vector<16xf32>
        %add3A_69 = arith.addf %mul3A_63, %mul3A_68 : vector<16xf32>
        %swap3A_70 = arith.index_cast %scan3A_35 : i32 to index
        %swap3A_71 = arith.constant 16 : index
        %swap3A_72 = tpu.vector_load %arg10[%swap3A_70, %swap3A_71] {strides = array<i32>} : memref<32x1024xf32, #tpu.memory_space<vmem>>, vector<1x16xf32>,
        %swap3A_73 = vector.shape_cast %swap3A_72 : vector<1x16xf32> to vector<16xf32>
        %swap3A_74 = vector.shape_cast %add3A_69 : vector<16xf32> to vector<1x16xf32>
        tpu.vector_store %arg10[%swap3A_70, %swap3A_71], %swap3A_74 {strides = array<i32>} : memref<32x1024xf32, #tpu.memory_space<vmem>>, vector<1x16xf32>,
        %get3A_75 = arith.index_cast %scan3A_35 : i32 to index
        %get3A_76 = arith.constant 32 : index
        %get3A_77 = tpu.vector_load %arg10[%get3A_75, %get3A_76] {strides = array<i32>} : memref<32x1024xf32, #tpu.memory_space<vmem>>, vector<1x16xf32>,
        %get3A_78 = vector.shape_cast %get3A_77 : vector<1x16xf32> to vector<16xf32>
        %mul3A_79 = arith.mulf %get3A_39, %get3A_78 : vector<16xf32>
        %get3A_80 = arith.index_cast %scan3A_35 : i32 to index
        %get3A_81 = arith.constant 32 : index
        %get3A_82 = tpu.vector_load %arg11[%get3A_80, %get3A_81] {strides = array<i32>} : memref<32x1024xf32, #tpu.memory_space<vmem>>, vector<1x16xf32>,
        %get3A_83 = vector.shape_cast %get3A_82 : vector<1x16xf32> to vector<16xf32>
        %mul3A_84 = arith.mulf %get3A_43, %get3A_83 : vector<16xf32>
        %add3A_85 = arith.addf %mul3A_79, %mul3A_84 : vector<16xf32>
        %swap3A_86 = arith.index_cast %scan3A_35 : i32 to index
        %swap3A_87 = arith.constant 32 : index
        %swap3A_88 = tpu.vector_load %arg10[%swap3A_86, %swap3A_87] {strides = array<i32>} : memref<32x1024xf32, #tpu.memory_space<vmem>>, vector<1x16xf32>,
        %swap3A_89 = vector.shape_cast %swap3A_88 : vector<1x16xf32> to vector<16xf32>
        %swap3A_90 = vector.shape_cast %add3A_85 : vector<16xf32> to vector<1x16xf32>
        tpu.vector_store %arg10[%swap3A_86, %swap3A_87], %swap3A_90 {strides = array<i32>} : memref<32x1024xf32, #tpu.memory_space<vmem>>, vector<1x16xf32>,
        %get3A_91 = arith.index_cast %scan3A_35 : i32 to index
        %get3A_92 = arith.constant 48 : index
        %get3A_93 = tpu.vector_load %arg10[%get3A_91, %get3A_92] {strides = array<i32>} : memref<32x1024xf32, #tpu.memory_space<vmem>>, vector<1x16xf32>,
        %get3A_94 = vector.shape_cast %get3A_93 : vector<1x16xf32> to vector<16xf32>
        %mul3A_95 = arith.mulf %get3A_39, %get3A_94 : vector<16xf32>
        %get3A_96 = arith.index_cast %scan3A_35 : i32 to index
        %get3A_97 = arith.constant 48 : index
        %get3A_98 = tpu.vector_load %arg11[%get3A_96, %get3A_97] {strides = array<i32>} : memref<32x1024xf32, #tpu.memory_space<vmem>>, vector<1x16xf32>,
        %get3A_99 = vector.shape_cast %get3A_98 : vector<1x16xf32> to vector<16xf32>
        %mul3A_100 = arith.mulf %get3A_43, %get3A_99 : vector<16xf32>
        %add3A_101 = arith.addf %mul3A_95, %mul3A_100 : vector<16xf32>
        %swap3A_102 = arith.index_cast %scan3A_35 : i32 to index
        %swap3A_103 = arith.constant 48 : index
        %swap3A_104 = tpu.vector_load %arg10[%swap3A_102, %swap3A_103] {strides = array<i32>} : memref<32x1024xf32, #tpu.memory_space<vmem>>, vector<1x16xf32>,
        %swap3A_105 = vector.shape_cast %swap3A_104 : vector<1x16xf32> to vector<16xf32>
        %swap3A_106 = vector.shape_cast %add3A_101 : vector<16xf32> to vector<1x16xf32>
        tpu.vector_store %arg10[%swap3A_102, %swap3A_103], %swap3A_106 {strides = array<i32>} : memref<32x1024xf32, #tpu.memory_space<vmem>>, vector<1x16xf32>,
        %get3A_107 = arith.index_cast %scan3A_35 : i32 to index
        %get3A_108 = arith.constant 64 : index
        %get3A_109 = tpu.vector_load %arg10[%get3A_107, %get3A_108] {strides = array<i32>} : memref<32x1024xf32, #tpu.memory_space<vmem>>, vector<1x16xf32>,
        %get3A_110 = vector.shape_cast %get3A_109 : vector<1x16xf32> to vector<16xf32>
        %mul3A_111 = arith.mulf %get3A_39, %get3A_110 : vector<16xf32>
        %get3A_112 = arith.index_cast %scan3A_35 : i32 to index
        %get3A_113 = arith.constant 64 : index
        %get3A_114 = tpu.vector_load %arg11[%get3A_112, %get3A_113] {strides = array<i32>} : memref<32x1024xf32, #tpu.memory_space<vmem>>, vector<1x16xf32>,
        %get3A_115 = vector.shape_cast %get3A_114 : vector<1x16xf32> to vector<16xf32>
        %mul3A_116 = arith.mulf %get3A_43, %get3A_115 : vector<16xf32>
        %add3A_117 = arith.addf %mul3A_111, %mul3A_116 : vector<16xf32>
        %swap3A_118 = arith.index_cast %scan3A_35 : i32 to index
        %swap3A_119 = arith.constant 64 : index
        %swap3A_120 = tpu.vector_load %arg10[%swap3A_118, %swap3A_119] {strides = array<i32>} : memref<32x1024xf32, #tpu.memory_space<vmem>>, vector<1x16xf32>,
        %swap3A_121 = vector.shape_cast %swap3A_120 : vector<1x16xf32> to vector<16xf32>
        %swap3A_122 = vector.shape_cast %add3A_117 : vector<16xf32> to vector<1x16xf32>
        tpu.vector_store %arg10[%swap3A_118, %swap3A_119], %swap3A_122 {strides = array<i32>} : memref<32x1024xf32, #tpu.memory_space<vmem>>, vector<1x16xf32>,
        %get3A_123 = arith.index_cast %scan3A_35 : i32 to index
        %get3A_124 = arith.constant 80 : index
        %get3A_125 = tpu.vector_load %arg10[%get3A_123, %get3A_124] {strides = array<i32>} : memref<32x1024xf32, #tpu.memory_space<vmem>>, vector<1x16xf32>,
        %get3A_126 = vector.shape_cast %get3A_125 : vector<1x16xf32> to vector<16xf32>
        %mul3A_127 = arith.mulf %get3A_39, %get3A_126 : vector<16xf32>
        %get3A_128 = arith.index_cast %scan3A_35 : i32 to index
        %get3A_129 = arith.constant 80 : index
        %get3A_130 = tpu.vector_load %arg11[%get3A_128, %get3A_129] {strides = array<i32>} : memref<32x1024xf32, #tpu.memory_space<vmem>>, vector<1x16xf32>,
        %get3A_131 = vector.shape_cast %get3A_130 : vector<1x16xf32> to vector<16xf32>
        %mul3A_132 = arith.mulf %get3A_43, %get3A_131 : vector<16xf32>
        %add3A_133 = arith.addf %mul3A_127, %mul3A_132 : vector<16xf32>
        %swap3A_134 = arith.index_cast %scan3A_35 : i32 to index
        %swap3A_135 = arith.constant 80 : index
        %swap3A_136 = tpu.vector_load %arg10[%swap3A_134, %swap3A_135] {strides = array<i32>} : memref<32x1024xf32, #tpu.memory_space<vmem>>, vector<1x16xf32>,
        %swap3A_137 = vector.shape_cast %swap3A_136 : vector<1x16xf32> to vector<16xf32>
        %swap3A_138 = vector.shape_cast %add3A_133 : vector<16xf32> to vector<1x16xf32>
        tpu.vector_store %arg10[%swap3A_134, %swap3A_135], %swap3A_138 {strides = array<i32>} : memref<32x1024xf32, #tpu.memory_space<vmem>>, vector<1x16xf32>,
        %get3A_139 = arith.index_cast %scan3A_35 : i32 to index
        %get3A_140 = arith.constant 96 : index
        %get3A_141 = tpu.vector_load %arg10[%get3A_139, %get3A_140] {strides = array<i32>} : memref<32x1024xf32, #tpu.memory_space<vmem>>, vector<1x16xf32>,
        %get3A_142 = vector.shape_cast %get3A_141 : vector<1x16xf32> to vector<16xf32>
        %mul3A_143 = arith.mulf %get3A_39, %get3A_142 : vector<16xf32>
        %get3A_144 = arith.index_cast %scan3A_35 : i32 to index
        %get3A_145 = arith.constant 96 : index
        %get3A_146 = tpu.vector_load %arg11[%get3A_144, %get3A_145] {strides = array<i32>} : memref<32x1024xf32, #tpu.memory_space<vmem>>, vector<1x16xf32>,
        %get3A_147 = vector.shape_cast %get3A_146 : vector<1x16xf32> to vector<16xf32>
        %mul3A_148 = arith.mulf %get3A_43, %get3A_147 : vector<16xf32>
        %add3A_149 = arith.addf %mul3A_143, %mul3A_148 : vector<16xf32>
        %swap3A_150 = arith.index_cast %scan3A_35 : i32 to index
        %swap3A_151 = arith.constant 96 : index
        %swap3A_152 = tpu.vector_load %arg10[%swap3A_150, %swap3A_151] {strides = array<i32>} : memref<32x1024xf32, #tpu.memory_space<vmem>>, vector<1x16xf32>,
        %swap3A_153 = vector.shape_cast %swap3A_152 : vector<1x16xf32> to vector<16xf32>
        %swap3A_154 = vector.shape_cast %add3A_149 : vector<16xf32> to vector<1x16xf32>
        tpu.vector_store %arg10[%swap3A_150, %swap3A_151], %swap3A_154 {strides = array<i32>} : memref<32x1024xf32, #tpu.memory_space<vmem>>, vector<1x16xf32>,
        %get3A_155 = arith.index_cast %scan3A_35 : i32 to index
        %get3A_156 = arith.constant 112 : index
        %get3A_157 = tpu.vector_load %arg10[%get3A_155, %get3A_156] {strides = array<i32>} : memref<32x1024xf32, #tpu.memory_space<vmem>>, vector<1x16xf32>,
        %get3A_158 = vector.shape_cast %get3A_157 : vector<1x16xf32> to vector<16xf32>
        %mul3A_159 = arith.mulf %get3A_39, %get3A_158 : vector<16xf32>
        %get3A_160 = arith.index_cast %scan3A_35 : i32 to index
        %get3A_161 = arith.constant 112 : index
        %get3A_162 = tpu.vector_load %arg11[%get3A_160, %get3A_161] {strides = array<i32>} : memref<32x1024xf32, #tpu.memory_space<vmem>>, vector<1x16xf32>,
        %get3A_163 = vector.shape_cast %get3A_162 : vector<1x16xf32> to vector<16xf32>
        %mul3A_164 = arith.mulf %get3A_43, %get3A_163 : vector<16xf32>
        %add3A_165 = arith.addf %mul3A_159, %mul3A_164 : vector<16xf32>
        %swap3A_166 = arith.index_cast %scan3A_35 : i32 to index
        %swap3A_167 = arith.constant 112 : index
        %swap3A_168 = tpu.vector_load %arg10[%swap3A_166, %swap3A_167] {strides = array<i32>} : memref<32x1024xf32, #tpu.memory_space<vmem>>, vector<1x16xf32>,
        %swap3A_169 = vector.shape_cast %swap3A_168 : vector<1x16xf32> to vector<16xf32>
        %swap3A_170 = vector.shape_cast %add3A_165 : vector<16xf32> to vector<1x16xf32>
        tpu.vector_store %arg10[%swap3A_166, %swap3A_167], %swap3A_170 {strides = array<i32>} : memref<32x1024xf32, #tpu.memory_space<vmem>>, vector<1x16xf32>,
        %get3A_171 = arith.index_cast %scan3A_35 : i32 to index
        %get3A_172 = arith.constant 128 : index
        %get3A_173 = tpu.vector_load %arg10[%get3A_171, %get3A_172] {strides = array<i32>} : memref<32x1024xf32, #tpu.memory_space<vmem>>, vector<1x16xf32>,
        %get3A_174 = vector.shape_cast %get3A_173 : vector<1x16xf32> to vector<16xf32>
        %mul3A_175 = arith.mulf %get3A_39, %get3A_174 : vector<16xf32>
        %get3A_176 = arith.index_cast %scan3A_35 : i32 to index
        %get3A_177 = arith.constant 128 : index
        %get3A_178 = tpu.vector_load %arg11[%get3A_176, %get3A_177] {strides = array<i32>} : memref<32x1024xf32, #tpu.memory_space<vmem>>, vector<1x16xf32>,
        %get3A_179 = vector.shape_cast %get3A_178 : vector<1x16xf32> to vector<16xf32>
        %mul3A_180 = arith.mulf %get3A_43, %get3A_179 : vector<16xf32>
        %add3A_181 = arith.addf %mul3A_175, %mul3A_180 : vector<16xf32>
        %swap3A_182 = arith.index_cast %scan3A_35 : i32 to index
        %swap3A_183 = arith.constant 128 : index
        %swap3A_184 = tpu.vector_load %arg10[%swap3A_182, %swap3A_183] {strides = array<i32>} : memref<32x1024xf32, #tpu.memory_space<vmem>>, vector<1x16xf32>,
        %swap3A_185 = vector.shape_cast %swap3A_184 : vector<1x16xf32> to vector<16xf32>
        %swap3A_186 = vector.shape_cast %add3A_181 : vector<16xf32> to vector<1x16xf32>
        tpu.vector_store %arg10[%swap3A_182, %swap3A_183], %swap3A_186 {strides = array<i32>} : memref<32x1024xf32, #tpu.memory_space<vmem>>, vector<1x16xf32>,
        %get3A_187 = arith.index_cast %scan3A_35 : i32 to index
        %get3A_188 = arith.constant 144 : index
        %get3A_189 = tpu.vector_load %arg10[%get3A_187, %get3A_188] {strides = array<i32>} : memref<32x1024xf32, #tpu.memory_space<vmem>>, vector<1x16xf32>,
        %get3A_190 = vector.shape_cast %get3A_189 : vector<1x16xf32> to vector<16xf32>
        %mul3A_191 = arith.mulf %get3A_39, %get3A_190 : vector<16xf32>
        %get3A_192 = arith.index_cast %scan3A_35 : i32 to index
        %get3A_193 = arith.constant 144 : index
        %get3A_194 = tpu.vector_load %arg11[%get3A_192, %get3A_193] {strides = array<i32>} : memref<32x1024xf32, #tpu.memory_space<vmem>>, vector<1x16xf32>,
        %get3A_195 = vector.shape_cast %get3A_194 : vector<1x16xf32> to vector<16xf32>
        %mul3A_196 = arith.mulf %get3A_43, %get3A_195 : vector<16xf32>
        %add3A_197 = arith.addf %mul3A_191, %mul3A_196 : vector<16xf32>
        %swap3A_198 = arith.index_cast %scan3A_35 : i32 to index
        %swap3A_199 = arith.constant 144 : index
        %swap3A_200 = tpu.vector_load %arg10[%swap3A_198, %swap3A_199] {strides = array<i32>} : memref<32x1024xf32, #tpu.memory_space<vmem>>, vector<1x16xf32>,
        %swap3A_201 = vector.shape_cast %swap3A_200 : vector<1x16xf32> to vector<16xf32>
        %swap3A_202 = vector.shape_cast %add3A_197 : vector<16xf32> to vector<1x16xf32>
        tpu.vector_store %arg10[%swap3A_198, %swap3A_199], %swap3A_202 {strides = array<i32>} : memref<32x1024xf32, #tpu.memory_space<vmem>>, vector<1x16xf32>,
        %get3A_203 = arith.index_cast %scan3A_35 : i32 to index
        %get3A_204 = arith.constant 160 : index
        %get3A_205 = tpu.vector_load %arg10[%get3A_203, %get3A_204] {strides = array<i32>} : memref<32x1024xf32, #tpu.memory_space<vmem>>, vector<1x16xf32>,
        %get3A_206 = vector.shape_cast %get3A_205 : vector<1x16xf32> to vector<16xf32>
        %mul3A_207 = arith.mulf %get3A_39, %get3A_206 : vector<16xf32>
        %get3A_208 = arith.index_cast %scan3A_35 : i32 to index
        %get3A_209 = arith.constant 160 : index
        %get3A_210 = tpu.vector_load %arg11[%get3A_208, %get3A_209] {strides = array<i32>} : memref<32x1024xf32, #tpu.memory_space<vmem>>, vector<1x16xf32>,
        %get3A_211 = vector.shape_cast %get3A_210 : vector<1x16xf32> to vector<16xf32>
        %mul3A_212 = arith.mulf %get3A_43, %get3A_211 : vector<16xf32>
        %add3A_213 = arith.addf %mul3A_207, %mul3A_212 : vector<16xf32>
        %swap3A_214 = arith.index_cast %scan3A_35 : i32 to index
        %swap3A_215 = arith.constant 160 : index
        %swap3A_216 = tpu.vector_load %arg10[%swap3A_214, %swap3A_215] {strides = array<i32>} : memref<32x1024xf32, #tpu.memory_space<vmem>>, vector<1x16xf32>,
        %swap3A_217 = vector.shape_cast %swap3A_216 : vector<1x16xf32> to vector<16xf32>
        %swap3A_218 = vector.shape_cast %add3A_213 : vector<16xf32> to vector<1x16xf32>
        tpu.vector_store %arg10[%swap3A_214, %swap3A_215], %swap3A_218 {strides = array<i32>} : memref<32x1024xf32, #tpu.memory_space<vmem>>, vector<1x16xf32>,
        %get3A_219 = arith.index_cast %scan3A_35 : i32 to index
        %get3A_220 = arith.constant 176 : index
        %get3A_221 = tpu.vector_load %arg10[%get3A_219, %get3A_220] {strides = array<i32>} : memref<32x1024xf32, #tpu.memory_space<vmem>>, vector<1x16xf32>,
        %get3A_222 = vector.shape_cast %get3A_221 : vector<1x16xf32> to vector<16xf32>
        %mul3A_223 = arith.mulf %get3A_39, %get3A_222 : vector<16xf32>
        %get3A_224 = arith.index_cast %scan3A_35 : i32 to index
        %get3A_225 = arith.constant 176 : index
        %get3A_226 = tpu.vector_load %arg11[%get3A_224, %get3A_225] {strides = array<i32>} : memref<32x1024xf32, #tpu.memory_space<vmem>>, vector<1x16xf32>,
        %get3A_227 = vector.shape_cast %get3A_226 : vector<1x16xf32> to vector<16xf32>
        %mul3A_228 = arith.mulf %get3A_43, %get3A_227 : vector<16xf32>
        %add3A_229 = arith.addf %mul3A_223, %mul3A_228 : vector<16xf32>
        %swap3A_230 = arith.index_cast %scan3A_35 : i32 to index
        %swap3A_231 = arith.constant 176 : index
        %swap3A_232 = tpu.vector_load %arg10[%swap3A_230, %swap3A_231] {strides = array<i32>} : memref<32x1024xf32, #tpu.memory_space<vmem>>, vector<1x16xf32>,
        %swap3A_233 = vector.shape_cast %swap3A_232 : vector<1x16xf32> to vector<16xf32>
        %swap3A_234 = vector.shape_cast %add3A_229 : vector<16xf32> to vector<1x16xf32>
        tpu.vector_store %arg10[%swap3A_230, %swap3A_231], %swap3A_234 {strides = array<i32>} : memref<32x1024xf32, #tpu.memory_space<vmem>>, vector<1x16xf32>,
        %get3A_235 = arith.index_cast %scan3A_35 : i32 to index
        %get3A_236 = arith.constant 192 : index
        %get3A_237 = tpu.vector_load %arg10[%get3A_235, %get3A_236] {strides = array<i32>} : memref<32x1024xf32, #tpu.memory_space<vmem>>, vector<1x16xf32>,
        %get3A_238 = vector.shape_cast %get3A_237 : vector<1x16xf32> to vector<16xf32>
        %mul3A_239 = arith.mulf %get3A_39, %get3A_238 : vector<16xf32>
        %get3A_240 = arith.index_cast %scan3A_35 : i32 to index
        %get3A_241 = arith.constant 192 : index
        %get3A_242 = tpu.vector_load %arg11[%get3A_240, %get3A_241] {strides = array<i32>} : memref<32x1024xf32, #tpu.memory_space<vmem>>, vector<1x16xf32>,
        %get3A_243 = vector.shape_cast %get3A_242 : vector<1x16xf32> to vector<16xf32>
        %mul3A_244 = arith.mulf %get3A_43, %get3A_243 : vector<16xf32>
        %add3A_245 = arith.addf %mul3A_239, %mul3A_244 : vector<16xf32>
        %swap3A_246 = arith.index_cast %scan3A_35 : i32 to index
        %swap3A_247 = arith.constant 192 : index
        %swap3A_248 = tpu.vector_load %arg10[%swap3A_246, %swap3A_247] {strides = array<i32>} : memref<32x1024xf32, #tpu.memory_space<vmem>>, vector<1x16xf32>,
        %swap3A_249 = vector.shape_cast %swap3A_248 : vector<1x16xf32> to vector<16xf32>
        %swap3A_250 = vector.shape_cast %add3A_245 : vector<16xf32> to vector<1x16xf32>
        tpu.vector_store %arg10[%swap3A_246, %swap3A_247], %swap3A_250 {strides = array<i32>} : memref<32x1024xf32, #tpu.memory_space<vmem>>, vector<1x16xf32>,
        %get3A_251 = arith.index_cast %scan3A_35 : i32 to index
        %get3A_252 = arith.constant 208 : index
        %get3A_253 = tpu.vector_load %arg10[%get3A_251, %get3A_252] {strides = array<i32>} : memref<32x1024xf32, #tpu.memory_space<vmem>>, vector<1x16xf32>,
        %get3A_254 = vector.shape_cast %get3A_253 : vector<1x16xf32> to vector<16xf32>
        %mul3A_255 = arith.mulf %get3A_39, %get3A_254 : vector<16xf32>
        %get3A_256 = arith.index_cast %scan3A_35 : i32 to index
        %get3A_257 = arith.constant 208 : index
        %get3A_258 = tpu.vector_load %arg11[%get3A_256, %get3A_257] {strides = array<i32>} : memref<32x1024xf32, #tpu.memory_space<vmem>>, vector<1x16xf32>,
        %get3A_259 = vector.shape_cast %get3A_258 : vector<1x16xf32> to vector<16xf32>
        %mul3A_260 = arith.mulf %get3A_43, %get3A_259 : vector<16xf32>
        %add3A_261 = arith.addf %mul3A_255, %mul3A_260 : vector<16xf32>
        %swap3A_262 = arith.index_cast %scan3A_35 : i32 to index
        %swap3A_263 = arith.constant 208 : index
        %swap3A_264 = tpu.vector_load %arg10[%swap3A_262, %swap3A_263] {strides = array<i32>} : memref<32x1024xf32, #tpu.memory_space<vmem>>, vector<1x16xf32>,
        %swap3A_265 = vector.shape_cast %swap3A_264 : vector<1x16xf32> to vector<16xf32>
        %swap3A_266 = vector.shape_cast %add3A_261 : vector<16xf32> to vector<1x16xf32>
        tpu.vector_store %arg10[%swap3A_262, %swap3A_263], %swap3A_266 {strides = array<i32>} : memref<32x1024xf32, #tpu.memory_space<vmem>>, vector<1x16xf32>,
        %get3A_267 = arith.index_cast %scan3A_35 : i32 to index
        %get3A_268 = arith.constant 224 : index
        %get3A_269 = tpu.vector_load %arg10[%get3A_267, %get3A_268] {strides = array<i32>} : memref<32x1024xf32, #tpu.memory_space<vmem>>, vector<1x16xf32>,
        %get3A_270 = vector.shape_cast %get3A_269 : vector<1x16xf32> to vector<16xf32>
        %mul3A_271 = arith.mulf %get3A_39, %get3A_270 : vector<16xf32>
        %get3A_272 = arith.index_cast %scan3A_35 : i32 to index
        %get3A_273 = arith.constant 224 : index
        %get3A_274 = tpu.vector_load %arg11[%get3A_272, %get3A_273] {strides = array<i32>} : memref<32x1024xf32, #tpu.memory_space<vmem>>, vector<1x16xf32>,
        %get3A_275 = vector.shape_cast %get3A_274 : vector<1x16xf32> to vector<16xf32>
        %mul3A_276 = arith.mulf %get3A_43, %get3A_275 : vector<16xf32>
        %add3A_277 = arith.addf %mul3A_271, %mul3A_276 : vector<16xf32>
        %swap3A_278 = arith.index_cast %scan3A_35 : i32 to index
        %swap3A_279 = arith.constant 224 : index
        %swap3A_280 = tpu.vector_load %arg10[%swap3A_278, %swap3A_279] {strides = array<i32>} : memref<32x1024xf32, #tpu.memory_space<vmem>>, vector<1x16xf32>,
        %swap3A_281 = vector.shape_cast %swap3A_280 : vector<1x16xf32> to vector<16xf32>
        %swap3A_282 = vector.shape_cast %add3A_277 : vector<16xf32> to vector<1x16xf32>
        tpu.vector_store %arg10[%swap3A_278, %swap3A_279], %swap3A_282 {strides = array<i32>} : memref<32x1024xf32, #tpu.memory_space<vmem>>, vector<1x16xf32>,
        %get3A_283 = arith.index_cast %scan3A_35 : i32 to index
        %get3A_284 = arith.constant 240 : index
        %get3A_285 = tpu.vector_load %arg10[%get3A_283, %get3A_284] {strides = array<i32>} : memref<32x1024xf32, #tpu.memory_space<vmem>>, vector<1x16xf32>,
        %get3A_286 = vector.shape_cast %get3A_285 : vector<1x16xf32> to vector<16xf32>
        %mul3A_287 = arith.mulf %get3A_39, %get3A_286 : vector<16xf32>
        %get3A_288 = arith.index_cast %scan3A_35 : i32 to index
        %get3A_289 = arith.constant 240 : index
        %get3A_290 = tpu.vector_load %arg11[%get3A_288, %get3A_289] {strides = array<i32>} : memref<32x1024xf32, #tpu.memory_space<vmem>>, vector<1x16xf32>,
        %get3A_291 = vector.shape_cast %get3A_290 : vector<1x16xf32> to vector<16xf32>
        %mul3A_292 = arith.mulf %get3A_43, %get3A_291 : vector<16xf32>
        %add3A_293 = arith.addf %mul3A_287, %mul3A_292 : vector<16xf32>
        %swap3A_294 = arith.index_cast %scan3A_35 : i32 to index
        %swap3A_295 = arith.constant 240 : index
        %swap3A_296 = tpu.vector_load %arg10[%swap3A_294, %swap3A_295] {strides = array<i32>} : memref<32x1024xf32, #tpu.memory_space<vmem>>, vector<1x16xf32>,
        %swap3A_297 = vector.shape_cast %swap3A_296 : vector<1x16xf32> to vector<16xf32>
        %swap3A_298 = vector.shape_cast %add3A_293 : vector<16xf32> to vector<1x16xf32>
        tpu.vector_store %arg10[%swap3A_294, %swap3A_295], %swap3A_298 {strides = array<i32>} : memref<32x1024xf32, #tpu.memory_space<vmem>>, vector<1x16xf32>,
        %get3A_299 = arith.index_cast %scan3A_35 : i32 to index
        %get3A_300 = arith.constant 256 : index
        %get3A_301 = tpu.vector_load %arg10[%get3A_299, %get3A_300] {strides = array<i32>} : memref<32x1024xf32, #tpu.memory_space<vmem>>, vector<1x16xf32>,
        %get3A_302 = vector.shape_cast %get3A_301 : vector<1x16xf32> to vector<16xf32>
        %mul3A_303 = arith.mulf %get3A_39, %get3A_302 : vector<16xf32>
        %get3A_304 = arith.index_cast %scan3A_35 : i32 to index
        %get3A_305 = arith.constant 256 : index
        %get3A_306 = tpu.vector_load %arg11[%get3A_304, %get3A_305] {strides = array<i32>} : memref<32x1024xf32, #tpu.memory_space<vmem>>, vector<1x16xf32>,
        %get3A_307 = vector.shape_cast %get3A_306 : vector<1x16xf32> to vector<16xf32>
        %mul3A_308 = arith.mulf %get3A_43, %get3A_307 : vector<16xf32>
        %add3A_309 = arith.addf %mul3A_303, %mul3A_308 : vector<16xf32>
        %swap3A_310 = arith.index_cast %scan3A_35 : i32 to index
        %swap3A_311 = arith.constant 256 : index
        %swap3A_312 = tpu.vector_load %arg10[%swap3A_310, %swap3A_311] {strides = array<i32>} : memref<32x1024xf32, #tpu.memory_space<vmem>>, vector<1x16xf32>,
        %swap3A_313 = vector.shape_cast %swap3A_312 : vector<1x16xf32> to vector<16xf32>
        %swap3A_314 = vector.shape_cast %add3A_309 : vector<16xf32> to vector<1x16xf32>
        tpu.vector_store %arg10[%swap3A_310, %swap3A_311], %swap3A_314 {strides = array<i32>} : memref<32x1024xf32, #tpu.memory_space<vmem>>, vector<1x16xf32>,
        %get3A_315 = arith.index_cast %scan3A_35 : i32 to index
        %get3A_316 = arith.constant 272 : index
        %get3A_317 = tpu.vector_load %arg10[%get3A_315, %get3A_316] {strides = array<i32>} : memref<32x1024xf32, #tpu.memory_space<vmem>>, vector<1x16xf32>,
        %get3A_318 = vector.shape_cast %get3A_317 : vector<1x16xf32> to vector<16xf32>
        %mul3A_319 = arith.mulf %get3A_39, %get3A_318 : vector<16xf32>
        %get3A_320 = arith.index_cast %scan3A_35 : i32 to index
        %get3A_321 = arith.constant 272 : index
        %get3A_322 = tpu.vector_load %arg11[%get3A_320, %get3A_321] {strides = array<i32>} : memref<32x1024xf32, #tpu.memory_space<vmem>>, vector<1x16xf32>,
        %get3A_323 = vector.shape_cast %get3A_322 : vector<1x16xf32> to vector<16xf32>
        %mul3A_324 = arith.mulf %get3A_43, %get3A_323 : vector<16xf32>
        %add3A_325 = arith.addf %mul3A_319, %mul3A_324 : vector<16xf32>
        %swap3A_326 = arith.index_cast %scan3A_35 : i32 to index
        %swap3A_327 = arith.constant 272 : index
        %swap3A_328 = tpu.vector_load %arg10[%swap3A_326, %swap3A_327] {strides = array<i32>} : memref<32x1024xf32, #tpu.memory_space<vmem>>, vector<1x16xf32>,
        %swap3A_329 = vector.shape_cast %swap3A_328 : vector<1x16xf32> to vector<16xf32>
        %swap3A_330 = vector.shape_cast %add3A_325 : vector<16xf32> to vector<1x16xf32>
        tpu.vector_store %arg10[%swap3A_326, %swap3A_327], %swap3A_330 {strides = array<i32>} : memref<32x1024xf32, #tpu.memory_space<vmem>>, vector<1x16xf32>,
        %get3A_331 = arith.index_cast %scan3A_35 : i32 to index
        %get3A_332 = arith.constant 288 : index
        %get3A_333 = tpu.vector_load %arg10[%get3A_331, %get3A_332] {strides = array<i32>} : memref<32x1024xf32, #tpu.memory_space<vmem>>, vector<1x16xf32>,
        %get3A_334 = vector.shape_cast %get3A_333 : vector<1x16xf32> to vector<16xf32>
        %mul3A_335 = arith.mulf %get3A_39, %get3A_334 : vector<16xf32>
        %get3A_336 = arith.index_cast %scan3A_35 : i32 to index
        %get3A_337 = arith.constant 288 : index
        %get3A_338 = tpu.vector_load %arg11[%get3A_336, %get3A_337] {strides = array<i32>} : memref<32x1024xf32, #tpu.memory_space<vmem>>, vector<1x16xf32>,
        %get3A_339 = vector.shape_cast %get3A_338 : vector<1x16xf32> to vector<16xf32>
        %mul3A_340 = arith.mulf %get3A_43, %get3A_339 : vector<16xf32>
        %add3A_341 = arith.addf %mul3A_335, %mul3A_340 : vector<16xf32>
        %swap3A_342 = arith.index_cast %scan3A_35 : i32 to index
        %swap3A_343 = arith.constant 288 : index
        %swap3A_344 = tpu.vector_load %arg10[%swap3A_342, %swap3A_343] {strides = array<i32>} : memref<32x1024xf32, #tpu.memory_space<vmem>>, vector<1x16xf32>,
        %swap3A_345 = vector.shape_cast %swap3A_344 : vector<1x16xf32> to vector<16xf32>
        %swap3A_346 = vector.shape_cast %add3A_341 : vector<16xf32> to vector<1x16xf32>
        tpu.vector_store %arg10[%swap3A_342, %swap3A_343], %swap3A_346 {strides = array<i32>} : memref<32x1024xf32, #tpu.memory_space<vmem>>, vector<1x16xf32>,
        %get3A_347 = arith.index_cast %scan3A_35 : i32 to index
        %get3A_348 = arith.constant 304 : index
        %get3A_349 = tpu.vector_load %arg10[%get3A_347, %get3A_348] {strides = array<i32>} : memref<32x1024xf32, #tpu.memory_space<vmem>>, vector<1x16xf32>,
        %get3A_350 = vector.shape_cast %get3A_349 : vector<1x16xf32> to vector<16xf32>
        %mul3A_351 = arith.mulf %get3A_39, %get3A_350 : vector<16xf32>
        %get3A_352 = arith.index_cast %scan3A_35 : i32 to index
        %get3A_353 = arith.constant 304 : index
        %get3A_354 = tpu.vector_load %arg11[%get3A_352, %get3A_353] {strides = array<i32>} : memref<32x1024xf32, #tpu.memory_space<vmem>>, vector<1x16xf32>,
        %get3A_355 = vector.shape_cast %get3A_354 : vector<1x16xf32> to vector<16xf32>
        %mul3A_356 = arith.mulf %get3A_43, %get3A_355 : vector<16xf32>
        %add3A_357 = arith.addf %mul3A_351, %mul3A_356 : vector<16xf32>
        %swap3A_358 = arith.index_cast %scan3A_35 : i32 to index
        %swap3A_359 = arith.constant 304 : index
        %swap3A_360 = tpu.vector_load %arg10[%swap3A_358, %swap3A_359] {strides = array<i32>} : memref<32x1024xf32, #tpu.memory_space<vmem>>, vector<1x16xf32>,
        %swap3A_361 = vector.shape_cast %swap3A_360 : vector<1x16xf32> to vector<16xf32>
        %swap3A_362 = vector.shape_cast %add3A_357 : vector<16xf32> to vector<1x16xf32>
        tpu.vector_store %arg10[%swap3A_358, %swap3A_359], %swap3A_362 {strides = array<i32>} : memref<32x1024xf32, #tpu.memory_space<vmem>>, vector<1x16xf32>,
        %get3A_363 = arith.index_cast %scan3A_35 : i32 to index
        %get3A_364 = arith.constant 320 : index
        %get3A_365 = tpu.vector_load %arg10[%get3A_363, %get3A_364] {strides = array<i32>} : memref<32x1024xf32, #tpu.memory_space<vmem>>, vector<1x16xf32>,
        %get3A_366 = vector.shape_cast %get3A_365 : vector<1x16xf32> to vector<16xf32>
        %mul3A_367 = arith.mulf %get3A_39, %get3A_366 : vector<16xf32>
        %get3A_368 = arith.index_cast %scan3A_35 : i32 to index
        %get3A_369 = arith.constant 320 : index
        %get3A_370 = tpu.vector_load %arg11[%get3A_368, %get3A_369] {strides = array<i32>} : memref<32x1024xf32, #tpu.memory_space<vmem>>, vector<1x16xf32>,
        %get3A_371 = vector.shape_cast %get3A_370 : vector<1x16xf32> to vector<16xf32>
        %mul3A_372 = arith.mulf %get3A_43, %get3A_371 : vector<16xf32>
        %add3A_373 = arith.addf %mul3A_367, %mul3A_372 : vector<16xf32>
        %swap3A_374 = arith.index_cast %scan3A_35 : i32 to index
        %swap3A_375 = arith.constant 320 : index
        %swap3A_376 = tpu.vector_load %arg10[%swap3A_374, %swap3A_375] {strides = array<i32>} : memref<32x1024xf32, #tpu.memory_space<vmem>>, vector<1x16xf32>,
        %swap3A_377 = vector.shape_cast %swap3A_376 : vector<1x16xf32> to vector<16xf32>
        %swap3A_378 = vector.shape_cast %add3A_373 : vector<16xf32> to vector<1x16xf32>
        tpu.vector_store %arg10[%swap3A_374, %swap3A_375], %swap3A_378 {strides = array<i32>} : memref<32x1024xf32, #tpu.memory_space<vmem>>, vector<1x16xf32>,
        %get3A_379 = arith.index_cast %scan3A_35 : i32 to index
        %get3A_380 = arith.constant 336 : index
        %get3A_381 = tpu.vector_load %arg10[%get3A_379, %get3A_380] {strides = array<i32>} : memref<32x1024xf32, #tpu.memory_space<vmem>>, vector<1x16xf32>,
        %get3A_382 = vector.shape_cast %get3A_381 : vector<1x16xf32> to vector<16xf32>
        %mul3A_383 = arith.mulf %get3A_39, %get3A_382 : vector<16xf32>
        %get3A_384 = arith.index_cast %scan3A_35 : i32 to index
        %get3A_385 = arith.constant 336 : index
        %get3A_386 = tpu.vector_load %arg11[%get3A_384, %get3A_385] {strides = array<i32>} : memref<32x1024xf32, #tpu.memory_space<vmem>>, vector<1x16xf32>,
        %get3A_387 = vector.shape_cast %get3A_386 : vector<1x16xf32> to vector<16xf32>
        %mul3A_388 = arith.mulf %get3A_43, %get3A_387 : vector<16xf32>
        %add3A_389 = arith.addf %mul3A_383, %mul3A_388 : vector<16xf32>
        %swap3A_390 = arith.index_cast %scan3A_35 : i32 to index
        %swap3A_391 = arith.constant 336 : index
        %swap3A_392 = tpu.vector_load %arg10[%swap3A_390, %swap3A_391] {strides = array<i32>} : memref<32x1024xf32, #tpu.memory_space<vmem>>, vector<1x16xf32>,
        %swap3A_393 = vector.shape_cast %swap3A_392 : vector<1x16xf32> to vector<16xf32>
        %swap3A_394 = vector.shape_cast %add3A_389 : vector<16xf32> to vector<1x16xf32>
        tpu.vector_store %arg10[%swap3A_390, %swap3A_391], %swap3A_394 {strides = array<i32>} : memref<32x1024xf32, #tpu.memory_space<vmem>>, vector<1x16xf32>,
        %get3A_395 = arith.index_cast %scan3A_35 : i32 to index
        %get3A_396 = arith.constant 352 : index
        %get3A_397 = tpu.vector_load %arg10[%get3A_395, %get3A_396] {strides = array<i32>} : memref<32x1024xf32, #tpu.memory_space<vmem>>, vector<1x16xf32>,
        %get3A_398 = vector.shape_cast %get3A_397 : vector<1x16xf32> to vector<16xf32>
        %mul3A_399 = arith.mulf %get3A_39, %get3A_398 : vector<16xf32>
        %get3A_400 = arith.index_cast %scan3A_35 : i32 to index
        %get3A_401 = arith.constant 352 : index
        %get3A_402 = tpu.vector_load %arg11[%get3A_400, %get3A_401] {strides = array<i32>} : memref<32x1024xf32, #tpu.memory_space<vmem>>, vector<1x16xf32>,
        %get3A_403 = vector.shape_cast %get3A_402 : vector<1x16xf32> to vector<16xf32>
        %mul3A_404 = arith.mulf %get3A_43, %get3A_403 : vector<16xf32>
        %add3A_405 = arith.addf %mul3A_399, %mul3A_404 : vector<16xf32>
        %swap3A_406 = arith.index_cast %scan3A_35 : i32 to index
        %swap3A_407 = arith.constant 352 : index
        %swap3A_408 = tpu.vector_load %arg10[%swap3A_406, %swap3A_407] {strides = array<i32>} : memref<32x1024xf32, #tpu.memory_space<vmem>>, vector<1x16xf32>,
        %swap3A_409 = vector.shape_cast %swap3A_408 : vector<1x16xf32> to vector<16xf32>
        %swap3A_410 = vector.shape_cast %add3A_405 : vector<16xf32> to vector<1x16xf32>
        tpu.vector_store %arg10[%swap3A_406, %swap3A_407], %swap3A_410 {strides = array<i32>} : memref<32x1024xf32, #tpu.memory_space<vmem>>, vector<1x16xf32>,
        %get3A_411 = arith.index_cast %scan3A_35 : i32 to index
        %get3A_412 = arith.constant 368 : index
        %get3A_413 = tpu.vector_load %arg10[%get3A_411, %get3A_412] {strides = array<i32>} : memref<32x1024xf32, #tpu.memory_space<vmem>>, vector<1x16xf32>,
        %get3A_414 = vector.shape_cast %get3A_413 : vector<1x16xf32> to vector<16xf32>
        %mul3A_415 = arith.mulf %get3A_39, %get3A_414 : vector<16xf32>
        %get3A_416 = arith.index_cast %scan3A_35 : i32 to index
        %get3A_417 = arith.constant 368 : index
        %get3A_418 = tpu.vector_load %arg11[%get3A_416, %get3A_417] {strides = array<i32>} : memref<32x1024xf32, #tpu.memory_space<vmem>>, vector<1x16xf32>,
        %get3A_419 = vector.shape_cast %get3A_418 : vector<1x16xf32> to vector<16xf32>
        %mul3A_420 = arith.mulf %get3A_43, %get3A_419 : vector<16xf32>
        %add3A_421 = arith.addf %mul3A_415, %mul3A_420 : vector<16xf32>
        %swap3A_422 = arith.index_cast %scan3A_35 : i32 to index
        %swap3A_423 = arith.constant 368 : index
        %swap3A_424 = tpu.vector_load %arg10[%swap3A_422, %swap3A_423] {strides = array<i32>} : memref<32x1024xf32, #tpu.memory_space<vmem>>, vector<1x16xf32>,
        %swap3A_425 = vector.shape_cast %swap3A_424 : vector<1x16xf32> to vector<16xf32>
        %swap3A_426 = vector.shape_cast %add3A_421 : vector<16xf32> to vector<1x16xf32>
        tpu.vector_store %arg10[%swap3A_422, %swap3A_423], %swap3A_426 {strides = array<i32>} : memref<32x1024xf32, #tpu.memory_space<vmem>>, vector<1x16xf32>,
        %get3A_427 = arith.index_cast %scan3A_35 : i32 to index
        %get3A_428 = arith.constant 384 : index
        %get3A_429 = tpu.vector_load %arg10[%get3A_427, %get3A_428] {strides = array<i32>} : memref<32x1024xf32, #tpu.memory_space<vmem>>, vector<1x16xf32>,
        %get3A_430 = vector.shape_cast %get3A_429 : vector<1x16xf32> to vector<16xf32>
        %mul3A_431 = arith.mulf %get3A_39, %get3A_430 : vector<16xf32>
        %get3A_432 = arith.index_cast %scan3A_35 : i32 to index
        %get3A_433 = arith.constant 384 : index
        %get3A_434 = tpu.vector_load %arg11[%get3A_432, %get3A_433] {strides = array<i32>} : memref<32x1024xf32, #tpu.memory_space<vmem>>, vector<1x16xf32>,
        %get3A_435 = vector.shape_cast %get3A_434 : vector<1x16xf32> to vector<16xf32>
        %mul3A_436 = arith.mulf %get3A_43, %get3A_435 : vector<16xf32>
        %add3A_437 = arith.addf %mul3A_431, %mul3A_436 : vector<16xf32>
        %swap3A_438 = arith.index_cast %scan3A_35 : i32 to index
        %swap3A_439 = arith.constant 384 : index
        %swap3A_440 = tpu.vector_load %arg10[%swap3A_438, %swap3A_439] {strides = array<i32>} : memref<32x1024xf32, #tpu.memory_space<vmem>>, vector<1x16xf32>,
        %swap3A_441 = vector.shape_cast %swap3A_440 : vector<1x16xf32> to vector<16xf32>
        %swap3A_442 = vector.shape_cast %add3A_437 : vector<16xf32> to vector<1x16xf32>
        tpu.vector_store %arg10[%swap3A_438, %swap3A_439], %swap3A_442 {strides = array<i32>} : memref<32x1024xf32, #tpu.memory_space<vmem>>, vector<1x16xf32>,
        %get3A_443 = arith.index_cast %scan3A_35 : i32 to index
        %get3A_444 = arith.constant 400 : index
        %get3A_445 = tpu.vector_load %arg10[%get3A_443, %get3A_444] {strides = array<i32>} : memref<32x1024xf32, #tpu.memory_space<vmem>>, vector<1x16xf32>,
        %get3A_446 = vector.shape_cast %get3A_445 : vector<1x16xf32> to vector<16xf32>
        %mul3A_447 = arith.mulf %get3A_39, %get3A_446 : vector<16xf32>
        %get3A_448 = arith.index_cast %scan3A_35 : i32 to index
        %get3A_449 = arith.constant 400 : index
        %get3A_450 = tpu.vector_load %arg11[%get3A_448, %get3A_449] {strides = array<i32>} : memref<32x1024xf32, #tpu.memory_space<vmem>>, vector<1x16xf32>,
        %get3A_451 = vector.shape_cast %get3A_450 : vector<1x16xf32> to vector<16xf32>
        %mul3A_452 = arith.mulf %get3A_43, %get3A_451 : vector<16xf32>
        %add3A_453 = arith.addf %mul3A_447, %mul3A_452 : vector<16xf32>
        %swap3A_454 = arith.index_cast %scan3A_35 : i32 to index
        %swap3A_455 = arith.constant 400 : index
        %swap3A_456 = tpu.vector_load %arg10[%swap3A_454, %swap3A_455] {strides = array<i32>} : memref<32x1024xf32, #tpu.memory_space<vmem>>, vector<1x16xf32>,
        %swap3A_457 = vector.shape_cast %swap3A_456 : vector<1x16xf32> to vector<16xf32>
        %swap3A_458 = vector.shape_cast %add3A_453 : vector<16xf32> to vector<1x16xf32>
        tpu.vector_store %arg10[%swap3A_454, %swap3A_455], %swap3A_458 {strides = array<i32>} : memref<32x1024xf32, #tpu.memory_space<vmem>>, vector<1x16xf32>,
        %get3A_459 = arith.index_cast %scan3A_35 : i32 to index
        %get3A_460 = arith.constant 416 : index
        %get3A_461 = tpu.vector_load %arg10[%get3A_459, %get3A_460] {strides = array<i32>} : memref<32x1024xf32, #tpu.memory_space<vmem>>, vector<1x16xf32>,
        %get3A_462 = vector.shape_cast %get3A_461 : vector<1x16xf32> to vector<16xf32>
        %mul3A_463 = arith.mulf %get3A_39, %get3A_462 : vector<16xf32>
        %get3A_464 = arith.index_cast %scan3A_35 : i32 to index
        %get3A_465 = arith.constant 416 : index
        %get3A_466 = tpu.vector_load %arg11[%get3A_464, %get3A_465] {strides = array<i32>} : memref<32x1024xf32, #tpu.memory_space<vmem>>, vector<1x16xf32>,
        %get3A_467 = vector.shape_cast %get3A_466 : vector<1x16xf32> to vector<16xf32>
        %mul3A_468 = arith.mulf %get3A_43, %get3A_467 : vector<16xf32>
        %add3A_469 = arith.addf %mul3A_463, %mul3A_468 : vector<16xf32>
        %swap3A_470 = arith.index_cast %scan3A_35 : i32 to index
        %swap3A_471 = arith.constant 416 : index
        %swap3A_472 = tpu.vector_load %arg10[%swap3A_470, %swap3A_471] {strides = array<i32>} : memref<32x1024xf32, #tpu.memory_space<vmem>>, vector<1x16xf32>,
        %swap3A_473 = vector.shape_cast %swap3A_472 : vector<1x16xf32> to vector<16xf32>
        %swap3A_474 = vector.shape_cast %add3A_469 : vector<16xf32> to vector<1x16xf32>
        tpu.vector_store %arg10[%swap3A_470, %swap3A_471], %swap3A_474 {strides = array<i32>} : memref<32x1024xf32, #tpu.memory_space<vmem>>, vector<1x16xf32>,
        %get3A_475 = arith.index_cast %scan3A_35 : i32 to index
        %get3A_476 = arith.constant 432 : index
        %get3A_477 = tpu.vector_load %arg10[%get3A_475, %get3A_476] {strides = array<i32>} : memref<32x1024xf32, #tpu.memory_space<vmem>>, vector<1x16xf32>,
        %get3A_478 = vector.shape_cast %get3A_477 : vector<1x16xf32> to vector<16xf32>
        %mul3A_479 = arith.mulf %get3A_39, %get3A_478 : vector<16xf32>
        %get3A_480 = arith.index_cast %scan3A_35 : i32 to index
        %get3A_481 = arith.constant 432 : index
        %get3A_482 = tpu.vector_load %arg11[%get3A_480, %get3A_481] {strides = array<i32>} : memref<32x1024xf32, #tpu.memory_space<vmem>>, vector<1x16xf32>,
        %get3A_483 = vector.shape_cast %get3A_482 : vector<1x16xf32> to vector<16xf32>
        %mul3A_484 = arith.mulf %get3A_43, %get3A_483 : vector<16xf32>
        %add3A_485 = arith.addf %mul3A_479, %mul3A_484 : vector<16xf32>
        %swap3A_486 = arith.index_cast %scan3A_35 : i32 to index
        %swap3A_487 = arith.constant 432 : index
        %swap3A_488 = tpu.vector_load %arg10[%swap3A_486, %swap3A_487] {strides = array<i32>} : memref<32x1024xf32, #tpu.memory_space<vmem>>, vector<1x16xf32>,
        %swap3A_489 = vector.shape_cast %swap3A_488 : vector<1x16xf32> to vector<16xf32>
        %swap3A_490 = vector.shape_cast %add3A_485 : vector<16xf32> to vector<1x16xf32>
        tpu.vector_store %arg10[%swap3A_486, %swap3A_487], %swap3A_490 {strides = array<i32>} : memref<32x1024xf32, #tpu.memory_space<vmem>>, vector<1x16xf32>,
        %get3A_491 = arith.index_cast %scan3A_35 : i32 to index
        %get3A_492 = arith.constant 448 : index
        %get3A_493 = tpu.vector_load %arg10[%get3A_491, %get3A_492] {strides = array<i32>} : memref<32x1024xf32, #tpu.memory_space<vmem>>, vector<1x16xf32>,
        %get3A_494 = vector.shape_cast %get3A_493 : vector<1x16xf32> to vector<16xf32>
        %mul3A_495 = arith.mulf %get3A_39, %get3A_494 : vector<16xf32>
        %get3A_496 = arith.index_cast %scan3A_35 : i32 to index
        %get3A_497 = arith.constant 448 : index
        %get3A_498 = tpu.vector_load %arg11[%get3A_496, %get3A_497] {strides = array<i32>} : memref<32x1024xf32, #tpu.memory_space<vmem>>, vector<1x16xf32>,
        %get3A_499 = vector.shape_cast %get3A_498 : vector<1x16xf32> to vector<16xf32>
        %mul3A_500 = arith.mulf %get3A_43, %get3A_499 : vector<16xf32>
        %add3A_501 = arith.addf %mul3A_495, %mul3A_500 : vector<16xf32>
        %swap3A_502 = arith.index_cast %scan3A_35 : i32 to index
        %swap3A_503 = arith.constant 448 : index
        %swap3A_504 = tpu.vector_load %arg10[%swap3A_502, %swap3A_503] {strides = array<i32>} : memref<32x1024xf32, #tpu.memory_space<vmem>>, vector<1x16xf32>,
        %swap3A_505 = vector.shape_cast %swap3A_504 : vector<1x16xf32> to vector<16xf32>
        %swap3A_506 = vector.shape_cast %add3A_501 : vector<16xf32> to vector<1x16xf32>
        tpu.vector_store %arg10[%swap3A_502, %swap3A_503], %swap3A_506 {strides = array<i32>} : memref<32x1024xf32, #tpu.memory_space<vmem>>, vector<1x16xf32>,
        %get3A_507 = arith.index_cast %scan3A_35 : i32 to index
        %get3A_508 = arith.constant 464 : index
        %get3A_509 = tpu.vector_load %arg10[%get3A_507, %get3A_508] {strides = array<i32>} : memref<32x1024xf32, #tpu.memory_space<vmem>>, vector<1x16xf32>,
        %get3A_510 = vector.shape_cast %get3A_509 : vector<1x16xf32> to vector<16xf32>
        %mul3A_511 = arith.mulf %get3A_39, %get3A_510 : vector<16xf32>
        %get3A_512 = arith.index_cast %scan3A_35 : i32 to index
        %get3A_513 = arith.constant 464 : index
        %get3A_514 = tpu.vector_load %arg11[%get3A_512, %get3A_513] {strides = array<i32>} : memref<32x1024xf32, #tpu.memory_space<vmem>>, vector<1x16xf32>,
        %get3A_515 = vector.shape_cast %get3A_514 : vector<1x16xf32> to vector<16xf32>
        %mul3A_516 = arith.mulf %get3A_43, %get3A_515 : vector<16xf32>
        %add3A_517 = arith.addf %mul3A_511, %mul3A_516 : vector<16xf32>
        %swap3A_518 = arith.index_cast %scan3A_35 : i32 to index
        %swap3A_519 = arith.constant 464 : index
        %swap3A_520 = tpu.vector_load %arg10[%swap3A_518, %swap3A_519] {strides = array<i32>} : memref<32x1024xf32, #tpu.memory_space<vmem>>, vector<1x16xf32>,
        %swap3A_521 = vector.shape_cast %swap3A_520 : vector<1x16xf32> to vector<16xf32>
        %swap3A_522 = vector.shape_cast %add3A_517 : vector<16xf32> to vector<1x16xf32>
        tpu.vector_store %arg10[%swap3A_518, %swap3A_519], %swap3A_522 {strides = array<i32>} : memref<32x1024xf32, #tpu.memory_space<vmem>>, vector<1x16xf32>,
        %get3A_523 = arith.index_cast %scan3A_35 : i32 to index
        %get3A_524 = arith.constant 480 : index
        %get3A_525 = tpu.vector_load %arg10[%get3A_523, %get3A_524] {strides = array<i32>} : memref<32x1024xf32, #tpu.memory_space<vmem>>, vector<1x16xf32>,
        %get3A_526 = vector.shape_cast %get3A_525 : vector<1x16xf32> to vector<16xf32>
        %mul3A_527 = arith.mulf %get3A_39, %get3A_526 : vector<16xf32>
        %get3A_528 = arith.index_cast %scan3A_35 : i32 to index
        %get3A_529 = arith.constant 480 : index
        %get3A_530 = tpu.vector_load %arg11[%get3A_528, %get3A_529] {strides = array<i32>} : memref<32x1024xf32, #tpu.memory_space<vmem>>, vector<1x16xf32>,
        %get3A_531 = vector.shape_cast %get3A_530 : vector<1x16xf32> to vector<16xf32>
        %mul3A_532 = arith.mulf %get3A_43, %get3A_531 : vector<16xf32>
        %add3A_533 = arith.addf %mul3A_527, %mul3A_532 : vector<16xf32>
        %swap3A_534 = arith.index_cast %scan3A_35 : i32 to index
        %swap3A_535 = arith.constant 480 : index
        %swap3A_536 = tpu.vector_load %arg10[%swap3A_534, %swap3A_535] {strides = array<i32>} : memref<32x1024xf32, #tpu.memory_space<vmem>>, vector<1x16xf32>,
        %swap3A_537 = vector.shape_cast %swap3A_536 : vector<1x16xf32> to vector<16xf32>
        %swap3A_538 = vector.shape_cast %add3A_533 : vector<16xf32> to vector<1x16xf32>
        tpu.vector_store %arg10[%swap3A_534, %swap3A_535], %swap3A_538 {strides = array<i32>} : memref<32x1024xf32, #tpu.memory_space<vmem>>, vector<1x16xf32>,
        %get3A_539 = arith.index_cast %scan3A_35 : i32 to index
        %get3A_540 = arith.constant 496 : index
        %get3A_541 = tpu.vector_load %arg10[%get3A_539, %get3A_540] {strides = array<i32>} : memref<32x1024xf32, #tpu.memory_space<vmem>>, vector<1x16xf32>,
        %get3A_542 = vector.shape_cast %get3A_541 : vector<1x16xf32> to vector<16xf32>
        %mul3A_543 = arith.mulf %get3A_39, %get3A_542 : vector<16xf32>
        %get3A_544 = arith.index_cast %scan3A_35 : i32 to index
        %get3A_545 = arith.constant 496 : index
        %get3A_546 = tpu.vector_load %arg11[%get3A_544, %get3A_545] {strides = array<i32>} : memref<32x1024xf32, #tpu.memory_space<vmem>>, vector<1x16xf32>,
        %get3A_547 = vector.shape_cast %get3A_546 : vector<1x16xf32> to vector<16xf32>
        %mul3A_548 = arith.mulf %get3A_43, %get3A_547 : vector<16xf32>
        %add3A_549 = arith.addf %mul3A_543, %mul3A_548 : vector<16xf32>
        %swap3A_550 = arith.index_cast %scan3A_35 : i32 to index
        %swap3A_551 = arith.constant 496 : index
        %swap3A_552 = tpu.vector_load %arg10[%swap3A_550, %swap3A_551] {strides = array<i32>} : memref<32x1024xf32, #tpu.memory_space<vmem>>, vector<1x16xf32>,
        %swap3A_553 = vector.shape_cast %swap3A_552 : vector<1x16xf32> to vector<16xf32>
        %swap3A_554 = vector.shape_cast %add3A_549 : vector<16xf32> to vector<1x16xf32>
        tpu.vector_store %arg10[%swap3A_550, %swap3A_551], %swap3A_554 {strides = array<i32>} : memref<32x1024xf32, #tpu.memory_space<vmem>>, vector<1x16xf32>,
        %get3A_555 = arith.index_cast %scan3A_35 : i32 to index
        %get3A_556 = arith.constant 512 : index
        %get3A_557 = tpu.vector_load %arg10[%get3A_555, %get3A_556] {strides = array<i32>} : memref<32x1024xf32, #tpu.memory_space<vmem>>, vector<1x16xf32>,
        %get3A_558 = vector.shape_cast %get3A_557 : vector<1x16xf32> to vector<16xf32>
        %mul3A_559 = arith.mulf %get3A_39, %get3A_558 : vector<16xf32>
        %get3A_560 = arith.index_cast %scan3A_35 : i32 to index
        %get3A_561 = arith.constant 512 : index
        %get3A_562 = tpu.vector_load %arg11[%get3A_560, %get3A_561] {strides = array<i32>} : memref<32x1024xf32, #tpu.memory_space<vmem>>, vector<1x16xf32>,
        %get3A_563 = vector.shape_cast %get3A_562 : vector<1x16xf32> to vector<16xf32>
        %mul3A_564 = arith.mulf %get3A_43, %get3A_563 : vector<16xf32>
        %add3A_565 = arith.addf %mul3A_559, %mul3A_564 : vector<16xf32>
        %swap3A_566 = arith.index_cast %scan3A_35 : i32 to index
        %swap3A_567 = arith.constant 512 : index
        %swap3A_568 = tpu.vector_load %arg10[%swap3A_566, %swap3A_567] {strides = array<i32>} : memref<32x1024xf32, #tpu.memory_space<vmem>>, vector<1x16xf32>,
        %swap3A_569 = vector.shape_cast %swap3A_568 : vector<1x16xf32> to vector<16xf32>
        %swap3A_570 = vector.shape_cast %add3A_565 : vector<16xf32> to vector<1x16xf32>
        tpu.vector_store %arg10[%swap3A_566, %swap3A_567], %swap3A_570 {strides = array<i32>} : memref<32x1024xf32, #tpu.memory_space<vmem>>, vector<1x16xf32>,
        %get3A_571 = arith.index_cast %scan3A_35 : i32 to index
        %get3A_572 = arith.constant 528 : index
        %get3A_573 = tpu.vector_load %arg10[%get3A_571, %get3A_572] {strides = array<i32>} : memref<32x1024xf32, #tpu.memory_space<vmem>>, vector<1x16xf32>,
        %get3A_574 = vector.shape_cast %get3A_573 : vector<1x16xf32> to vector<16xf32>
        %mul3A_575 = arith.mulf %get3A_39, %get3A_574 : vector<16xf32>
        %get3A_576 = arith.index_cast %scan3A_35 : i32 to index
        %get3A_577 = arith.constant 528 : index
        %get3A_578 = tpu.vector_load %arg11[%get3A_576, %get3A_577] {strides = array<i32>} : memref<32x1024xf32, #tpu.memory_space<vmem>>, vector<1x16xf32>,
        %get3A_579 = vector.shape_cast %get3A_578 : vector<1x16xf32> to vector<16xf32>
        %mul3A_580 = arith.mulf %get3A_43, %get3A_579 : vector<16xf32>
        %add3A_581 = arith.addf %mul3A_575, %mul3A_580 : vector<16xf32>
        %swap3A_582 = arith.index_cast %scan3A_35 : i32 to index
        %swap3A_583 = arith.constant 528 : index
        %swap3A_584 = tpu.vector_load %arg10[%swap3A_582, %swap3A_583] {strides = array<i32>} : memref<32x1024xf32, #tpu.memory_space<vmem>>, vector<1x16xf32>,
        %swap3A_585 = vector.shape_cast %swap3A_584 : vector<1x16xf32> to vector<16xf32>
        %swap3A_586 = vector.shape_cast %add3A_581 : vector<16xf32> to vector<1x16xf32>
        tpu.vector_store %arg10[%swap3A_582, %swap3A_583], %swap3A_586 {strides = array<i32>} : memref<32x1024xf32, #tpu.memory_space<vmem>>, vector<1x16xf32>,
        %get3A_587 = arith.index_cast %scan3A_35 : i32 to index
        %get3A_588 = arith.constant 544 : index
        %get3A_589 = tpu.vector_load %arg10[%get3A_587, %get3A_588] {strides = array<i32>} : memref<32x1024xf32, #tpu.memory_space<vmem>>, vector<1x16xf32>,
        %get3A_590 = vector.shape_cast %get3A_589 : vector<1x16xf32> to vector<16xf32>
        %mul3A_591 = arith.mulf %get3A_39, %get3A_590 : vector<16xf32>
        %get3A_592 = arith.index_cast %scan3A_35 : i32 to index
        %get3A_593 = arith.constant 544 : index
        %get3A_594 = tpu.vector_load %arg11[%get3A_592, %get3A_593] {strides = array<i32>} : memref<32x1024xf32, #tpu.memory_space<vmem>>, vector<1x16xf32>,
        %get3A_595 = vector.shape_cast %get3A_594 : vector<1x16xf32> to vector<16xf32>
        %mul3A_596 = arith.mulf %get3A_43, %get3A_595 : vector<16xf32>
        %add3A_597 = arith.addf %mul3A_591, %mul3A_596 : vector<16xf32>
        %swap3A_598 = arith.index_cast %scan3A_35 : i32 to index
        %swap3A_599 = arith.constant 544 : index
        %swap3A_600 = tpu.vector_load %arg10[%swap3A_598, %swap3A_599] {strides = array<i32>} : memref<32x1024xf32, #tpu.memory_space<vmem>>, vector<1x16xf32>,
        %swap3A_601 = vector.shape_cast %swap3A_600 : vector<1x16xf32> to vector<16xf32>
        %swap3A_602 = vector.shape_cast %add3A_597 : vector<16xf32> to vector<1x16xf32>
        tpu.vector_store %arg10[%swap3A_598, %swap3A_599], %swap3A_602 {strides = array<i32>} : memref<32x1024xf32, #tpu.memory_space<vmem>>, vector<1x16xf32>,
        %get3A_603 = arith.index_cast %scan3A_35 : i32 to index
        %get3A_604 = arith.constant 560 : index
        %get3A_605 = tpu.vector_load %arg10[%get3A_603, %get3A_604] {strides = array<i32>} : memref<32x1024xf32, #tpu.memory_space<vmem>>, vector<1x16xf32>,
        %get3A_606 = vector.shape_cast %get3A_605 : vector<1x16xf32> to vector<16xf32>
        %mul3A_607 = arith.mulf %get3A_39, %get3A_606 : vector<16xf32>
        %get3A_608 = arith.index_cast %scan3A_35 : i32 to index
        %get3A_609 = arith.constant 560 : index
        %get3A_610 = tpu.vector_load %arg11[%get3A_608, %get3A_609] {strides = array<i32>} : memref<32x1024xf32, #tpu.memory_space<vmem>>, vector<1x16xf32>,
        %get3A_611 = vector.shape_cast %get3A_610 : vector<1x16xf32> to vector<16xf32>
        %mul3A_612 = arith.mulf %get3A_43, %get3A_611 : vector<16xf32>
        %add3A_613 = arith.addf %mul3A_607, %mul3A_612 : vector<16xf32>
        %swap3A_614 = arith.index_cast %scan3A_35 : i32 to index
        %swap3A_615 = arith.constant 560 : index
        %swap3A_616 = tpu.vector_load %arg10[%swap3A_614, %swap3A_615] {strides = array<i32>} : memref<32x1024xf32, #tpu.memory_space<vmem>>, vector<1x16xf32>,
        %swap3A_617 = vector.shape_cast %swap3A_616 : vector<1x16xf32> to vector<16xf32>
        %swap3A_618 = vector.shape_cast %add3A_613 : vector<16xf32> to vector<1x16xf32>
        tpu.vector_store %arg10[%swap3A_614, %swap3A_615], %swap3A_618 {strides = array<i32>} : memref<32x1024xf32, #tpu.memory_space<vmem>>, vector<1x16xf32>,
        %get3A_619 = arith.index_cast %scan3A_35 : i32 to index
        %get3A_620 = arith.constant 576 : index
        %get3A_621 = tpu.vector_load %arg10[%get3A_619, %get3A_620] {strides = array<i32>} : memref<32x1024xf32, #tpu.memory_space<vmem>>, vector<1x16xf32>,
        %get3A_622 = vector.shape_cast %get3A_621 : vector<1x16xf32> to vector<16xf32>
        %mul3A_623 = arith.mulf %get3A_39, %get3A_622 : vector<16xf32>
        %get3A_624 = arith.index_cast %scan3A_35 : i32 to index
        %get3A_625 = arith.constant 576 : index
        %get3A_626 = tpu.vector_load %arg11[%get3A_624, %get3A_625] {strides = array<i32>} : memref<32x1024xf32, #tpu.memory_space<vmem>>, vector<1x16xf32>,
        %get3A_627 = vector.shape_cast %get3A_626 : vector<1x16xf32> to vector<16xf32>
        %mul3A_628 = arith.mulf %get3A_43, %get3A_627 : vector<16xf32>
        %add3A_629 = arith.addf %mul3A_623, %mul3A_628 : vector<16xf32>
        %swap3A_630 = arith.index_cast %scan3A_35 : i32 to index
        %swap3A_631 = arith.constant 576 : index
        %swap3A_632 = tpu.vector_load %arg10[%swap3A_630, %swap3A_631] {strides = array<i32>} : memref<32x1024xf32, #tpu.memory_space<vmem>>, vector<1x16xf32>,
        %swap3A_633 = vector.shape_cast %swap3A_632 : vector<1x16xf32> to vector<16xf32>
        %swap3A_634 = vector.shape_cast %add3A_629 : vector<16xf32> to vector<1x16xf32>
        tpu.vector_store %arg10[%swap3A_630, %swap3A_631], %swap3A_634 {strides = array<i32>} : memref<32x1024xf32, #tpu.memory_space<vmem>>, vector<1x16xf32>,
        %get3A_635 = arith.index_cast %scan3A_35 : i32 to index
        %get3A_636 = arith.constant 592 : index
        %get3A_637 = tpu.vector_load %arg10[%get3A_635, %get3A_636] {strides = array<i32>} : memref<32x1024xf32, #tpu.memory_space<vmem>>, vector<1x16xf32>,
        %get3A_638 = vector.shape_cast %get3A_637 : vector<1x16xf32> to vector<16xf32>
        %mul3A_639 = arith.mulf %get3A_39, %get3A_638 : vector<16xf32>
        %get3A_640 = arith.index_cast %scan3A_35 : i32 to index
        %get3A_641 = arith.constant 592 : index
        %get3A_642 = tpu.vector_load %arg11[%get3A_640, %get3A_641] {strides = array<i32>} : memref<32x1024xf32, #tpu.memory_space<vmem>>, vector<1x16xf32>,
        %get3A_643 = vector.shape_cast %get3A_642 : vector<1x16xf32> to vector<16xf32>
        %mul3A_644 = arith.mulf %get3A_43, %get3A_643 : vector<16xf32>
        %add3A_645 = arith.addf %mul3A_639, %mul3A_644 : vector<16xf32>
        %swap3A_646 = arith.index_cast %scan3A_35 : i32 to index
        %swap3A_647 = arith.constant 592 : index
        %swap3A_648 = tpu.vector_load %arg10[%swap3A_646, %swap3A_647] {strides = array<i32>} : memref<32x1024xf32, #tpu.memory_space<vmem>>, vector<1x16xf32>,
        %swap3A_649 = vector.shape_cast %swap3A_648 : vector<1x16xf32> to vector<16xf32>
        %swap3A_650 = vector.shape_cast %add3A_645 : vector<16xf32> to vector<1x16xf32>
        tpu.vector_store %arg10[%swap3A_646, %swap3A_647], %swap3A_650 {strides = array<i32>} : memref<32x1024xf32, #tpu.memory_space<vmem>>, vector<1x16xf32>,
        %get3A_651 = arith.index_cast %scan3A_35 : i32 to index
        %get3A_652 = arith.constant 608 : index
        %get3A_653 = tpu.vector_load %arg10[%get3A_651, %get3A_652] {strides = array<i32>} : memref<32x1024xf32, #tpu.memory_space<vmem>>, vector<1x16xf32>,
        %get3A_654 = vector.shape_cast %get3A_653 : vector<1x16xf32> to vector<16xf32>
        %mul3A_655 = arith.mulf %get3A_39, %get3A_654 : vector<16xf32>
        %get3A_656 = arith.index_cast %scan3A_35 : i32 to index
        %get3A_657 = arith.constant 608 : index
        %get3A_658 = tpu.vector_load %arg11[%get3A_656, %get3A_657] {strides = array<i32>} : memref<32x1024xf32, #tpu.memory_space<vmem>>, vector<1x16xf32>,
        %get3A_659 = vector.shape_cast %get3A_658 : vector<1x16xf32> to vector<16xf32>
        %mul3A_660 = arith.mulf %get3A_43, %get3A_659 : vector<16xf32>
        %add3A_661 = arith.addf %mul3A_655, %mul3A_660 : vector<16xf32>
        %swap3A_662 = arith.index_cast %scan3A_35 : i32 to index
        %swap3A_663 = arith.constant 608 : index
        %swap3A_664 = tpu.vector_load %arg10[%swap3A_662, %swap3A_663] {strides = array<i32>} : memref<32x1024xf32, #tpu.memory_space<vmem>>, vector<1x16xf32>,
        %swap3A_665 = vector.shape_cast %swap3A_664 : vector<1x16xf32> to vector<16xf32>
        %swap3A_666 = vector.shape_cast %add3A_661 : vector<16xf32> to vector<1x16xf32>
        tpu.vector_store %arg10[%swap3A_662, %swap3A_663], %swap3A_666 {strides = array<i32>} : memref<32x1024xf32, #tpu.memory_space<vmem>>, vector<1x16xf32>,
        %get3A_667 = arith.index_cast %scan3A_35 : i32 to index
        %get3A_668 = arith.constant 624 : index
        %get3A_669 = tpu.vector_load %arg10[%get3A_667, %get3A_668] {strides = array<i32>} : memref<32x1024xf32, #tpu.memory_space<vmem>>, vector<1x16xf32>,
        %get3A_670 = vector.shape_cast %get3A_669 : vector<1x16xf32> to vector<16xf32>
        %mul3A_671 = arith.mulf %get3A_39, %get3A_670 : vector<16xf32>
        %get3A_672 = arith.index_cast %scan3A_35 : i32 to index
        %get3A_673 = arith.constant 624 : index
        %get3A_674 = tpu.vector_load %arg11[%get3A_672, %get3A_673] {strides = array<i32>} : memref<32x1024xf32, #tpu.memory_space<vmem>>, vector<1x16xf32>,
        %get3A_675 = vector.shape_cast %get3A_674 : vector<1x16xf32> to vector<16xf32>
        %mul3A_676 = arith.mulf %get3A_43, %get3A_675 : vector<16xf32>
        %add3A_677 = arith.addf %mul3A_671, %mul3A_676 : vector<16xf32>
        %swap3A_678 = arith.index_cast %scan3A_35 : i32 to index
        %swap3A_679 = arith.constant 624 : index
        %swap3A_680 = tpu.vector_load %arg10[%swap3A_678, %swap3A_679] {strides = array<i32>} : memref<32x1024xf32, #tpu.memory_space<vmem>>, vector<1x16xf32>,
        %swap3A_681 = vector.shape_cast %swap3A_680 : vector<1x16xf32> to vector<16xf32>
        %swap3A_682 = vector.shape_cast %add3A_677 : vector<16xf32> to vector<1x16xf32>
        tpu.vector_store %arg10[%swap3A_678, %swap3A_679], %swap3A_682 {strides = array<i32>} : memref<32x1024xf32, #tpu.memory_space<vmem>>, vector<1x16xf32>,
        %get3A_683 = arith.index_cast %scan3A_35 : i32 to index
        %get3A_684 = arith.constant 640 : index
        %get3A_685 = tpu.vector_load %arg10[%get3A_683, %get3A_684] {strides = array<i32>} : memref<32x1024xf32, #tpu.memory_space<vmem>>, vector<1x16xf32>,
        %get3A_686 = vector.shape_cast %get3A_685 : vector<1x16xf32> to vector<16xf32>
        %mul3A_687 = arith.mulf %get3A_39, %get3A_686 : vector<16xf32>
        %get3A_688 = arith.index_cast %scan3A_35 : i32 to index
        %get3A_689 = arith.constant 640 : index
        %get3A_690 = tpu.vector_load %arg11[%get3A_688, %get3A_689] {strides = array<i32>} : memref<32x1024xf32, #tpu.memory_space<vmem>>, vector<1x16xf32>,
        %get3A_691 = vector.shape_cast %get3A_690 : vector<1x16xf32> to vector<16xf32>
        %mul3A_692 = arith.mulf %get3A_43, %get3A_691 : vector<16xf32>
        %add3A_693 = arith.addf %mul3A_687, %mul3A_692 : vector<16xf32>
        %swap3A_694 = arith.index_cast %scan3A_35 : i32 to index
        %swap3A_695 = arith.constant 640 : index
        %swap3A_696 = tpu.vector_load %arg10[%swap3A_694, %swap3A_695] {strides = array<i32>} : memref<32x1024xf32, #tpu.memory_space<vmem>>, vector<1x16xf32>,
        %swap3A_697 = vector.shape_cast %swap3A_696 : vector<1x16xf32> to vector<16xf32>
        %swap3A_698 = vector.shape_cast %add3A_693 : vector<16xf32> to vector<1x16xf32>
        tpu.vector_store %arg10[%swap3A_694, %swap3A_695], %swap3A_698 {strides = array<i32>} : memref<32x1024xf32, #tpu.memory_space<vmem>>, vector<1x16xf32>,
        %get3A_699 = arith.index_cast %scan3A_35 : i32 to index
        %get3A_700 = arith.constant 656 : index
        %get3A_701 = tpu.vector_load %arg10[%get3A_699, %get3A_700] {strides = array<i32>} : memref<32x1024xf32, #tpu.memory_space<vmem>>, vector<1x16xf32>,
        %get3A_702 = vector.shape_cast %get3A_701 : vector<1x16xf32> to vector<16xf32>
        %mul3A_703 = arith.mulf %get3A_39, %get3A_702 : vector<16xf32>
        %get3A_704 = arith.index_cast %scan3A_35 : i32 to index
        %get3A_705 = arith.constant 656 : index
        %get3A_706 = tpu.vector_load %arg11[%get3A_704, %get3A_705] {strides = array<i32>} : memref<32x1024xf32, #tpu.memory_space<vmem>>, vector<1x16xf32>,
        %get3A_707 = vector.shape_cast %get3A_706 : vector<1x16xf32> to vector<16xf32>
        %mul3A_708 = arith.mulf %get3A_43, %get3A_707 : vector<16xf32>
        %add3A_709 = arith.addf %mul3A_703, %mul3A_708 : vector<16xf32>
        %swap3A_710 = arith.index_cast %scan3A_35 : i32 to index
        %swap3A_711 = arith.constant 656 : index
        %swap3A_712 = tpu.vector_load %arg10[%swap3A_710, %swap3A_711] {strides = array<i32>} : memref<32x1024xf32, #tpu.memory_space<vmem>>, vector<1x16xf32>,
        %swap3A_713 = vector.shape_cast %swap3A_712 : vector<1x16xf32> to vector<16xf32>
        %swap3A_714 = vector.shape_cast %add3A_709 : vector<16xf32> to vector<1x16xf32>
        tpu.vector_store %arg10[%swap3A_710, %swap3A_711], %swap3A_714 {strides = array<i32>} : memref<32x1024xf32, #tpu.memory_space<vmem>>, vector<1x16xf32>,
        %get3A_715 = arith.index_cast %scan3A_35 : i32 to index
        %get3A_716 = arith.constant 672 : index
        %get3A_717 = tpu.vector_load %arg10[%get3A_715, %get3A_716] {strides = array<i32>} : memref<32x1024xf32, #tpu.memory_space<vmem>>, vector<1x16xf32>,
        %get3A_718 = vector.shape_cast %get3A_717 : vector<1x16xf32> to vector<16xf32>
        %mul3A_719 = arith.mulf %get3A_39, %get3A_718 : vector<16xf32>
        %get3A_720 = arith.index_cast %scan3A_35 : i32 to index
        %get3A_721 = arith.constant 672 : index
        %get3A_722 = tpu.vector_load %arg11[%get3A_720, %get3A_721] {strides = array<i32>} : memref<32x1024xf32, #tpu.memory_space<vmem>>, vector<1x16xf32>,
        %get3A_723 = vector.shape_cast %get3A_722 : vector<1x16xf32> to vector<16xf32>
        %mul3A_724 = arith.mulf %get3A_43, %get3A_723 : vector<16xf32>
        %add3A_725 = arith.addf %mul3A_719, %mul3A_724 : vector<16xf32>
        %swap3A_726 = arith.index_cast %scan3A_35 : i32 to index
        %swap3A_727 = arith.constant 672 : index
        %swap3A_728 = tpu.vector_load %arg10[%swap3A_726, %swap3A_727] {strides = array<i32>} : memref<32x1024xf32, #tpu.memory_space<vmem>>, vector<1x16xf32>,
        %swap3A_729 = vector.shape_cast %swap3A_728 : vector<1x16xf32> to vector<16xf32>
        %swap3A_730 = vector.shape_cast %add3A_725 : vector<16xf32> to vector<1x16xf32>
        tpu.vector_store %arg10[%swap3A_726, %swap3A_727], %swap3A_730 {strides = array<i32>} : memref<32x1024xf32, #tpu.memory_space<vmem>>, vector<1x16xf32>,
        %get3A_731 = arith.index_cast %scan3A_35 : i32 to index
        %get3A_732 = arith.constant 688 : index
        %get3A_733 = tpu.vector_load %arg10[%get3A_731, %get3A_732] {strides = array<i32>} : memref<32x1024xf32, #tpu.memory_space<vmem>>, vector<1x16xf32>,
        %get3A_734 = vector.shape_cast %get3A_733 : vector<1x16xf32> to vector<16xf32>
        %mul3A_735 = arith.mulf %get3A_39, %get3A_734 : vector<16xf32>
        %get3A_736 = arith.index_cast %scan3A_35 : i32 to index
        %get3A_737 = arith.constant 688 : index
        %get3A_738 = tpu.vector_load %arg11[%get3A_736, %get3A_737] {strides = array<i32>} : memref<32x1024xf32, #tpu.memory_space<vmem>>, vector<1x16xf32>,
        %get3A_739 = vector.shape_cast %get3A_738 : vector<1x16xf32> to vector<16xf32>
        %mul3A_740 = arith.mulf %get3A_43, %get3A_739 : vector<16xf32>
        %add3A_741 = arith.addf %mul3A_735, %mul3A_740 : vector<16xf32>
        %swap3A_742 = arith.index_cast %scan3A_35 : i32 to index
        %swap3A_743 = arith.constant 688 : index
        %swap3A_744 = tpu.vector_load %arg10[%swap3A_742, %swap3A_743] {strides = array<i32>} : memref<32x1024xf32, #tpu.memory_space<vmem>>, vector<1x16xf32>,
        %swap3A_745 = vector.shape_cast %swap3A_744 : vector<1x16xf32> to vector<16xf32>
        %swap3A_746 = vector.shape_cast %add3A_741 : vector<16xf32> to vector<1x16xf32>
        tpu.vector_store %arg10[%swap3A_742, %swap3A_743], %swap3A_746 {strides = array<i32>} : memref<32x1024xf32, #tpu.memory_space<vmem>>, vector<1x16xf32>,
        %get3A_747 = arith.index_cast %scan3A_35 : i32 to index
        %get3A_748 = arith.constant 704 : index
        %get3A_749 = tpu.vector_load %arg10[%get3A_747, %get3A_748] {strides = array<i32>} : memref<32x1024xf32, #tpu.memory_space<vmem>>, vector<1x16xf32>,
        %get3A_750 = vector.shape_cast %get3A_749 : vector<1x16xf32> to vector<16xf32>
        %mul3A_751 = arith.mulf %get3A_39, %get3A_750 : vector<16xf32>
        %get3A_752 = arith.index_cast %scan3A_35 : i32 to index
        %get3A_753 = arith.constant 704 : index
        %get3A_754 = tpu.vector_load %arg11[%get3A_752, %get3A_753] {strides = array<i32>} : memref<32x1024xf32, #tpu.memory_space<vmem>>, vector<1x16xf32>,
        %get3A_755 = vector.shape_cast %get3A_754 : vector<1x16xf32> to vector<16xf32>
        %mul3A_756 = arith.mulf %get3A_43, %get3A_755 : vector<16xf32>
        %add3A_757 = arith.addf %mul3A_751, %mul3A_756 : vector<16xf32>
        %swap3A_758 = arith.index_cast %scan3A_35 : i32 to index
        %swap3A_759 = arith.constant 704 : index
        %swap3A_760 = tpu.vector_load %arg10[%swap3A_758, %swap3A_759] {strides = array<i32>} : memref<32x1024xf32, #tpu.memory_space<vmem>>, vector<1x16xf32>,
        %swap3A_761 = vector.shape_cast %swap3A_760 : vector<1x16xf32> to vector<16xf32>
        %swap3A_762 = vector.shape_cast %add3A_757 : vector<16xf32> to vector<1x16xf32>
        tpu.vector_store %arg10[%swap3A_758, %swap3A_759], %swap3A_762 {strides = array<i32>} : memref<32x1024xf32, #tpu.memory_space<vmem>>, vector<1x16xf32>,
        %get3A_763 = arith.index_cast %scan3A_35 : i32 to index
        %get3A_764 = arith.constant 720 : index
        %get3A_765 = tpu.vector_load %arg10[%get3A_763, %get3A_764] {strides = array<i32>} : memref<32x1024xf32, #tpu.memory_space<vmem>>, vector<1x16xf32>,
        %get3A_766 = vector.shape_cast %get3A_765 : vector<1x16xf32> to vector<16xf32>
        %mul3A_767 = arith.mulf %get3A_39, %get3A_766 : vector<16xf32>
        %get3A_768 = arith.index_cast %scan3A_35 : i32 to index
        %get3A_769 = arith.constant 720 : index
        %get3A_770 = tpu.vector_load %arg11[%get3A_768, %get3A_769] {strides = array<i32>} : memref<32x1024xf32, #tpu.memory_space<vmem>>, vector<1x16xf32>,
        %get3A_771 = vector.shape_cast %get3A_770 : vector<1x16xf32> to vector<16xf32>
        %mul3A_772 = arith.mulf %get3A_43, %get3A_771 : vector<16xf32>
        %add3A_773 = arith.addf %mul3A_767, %mul3A_772 : vector<16xf32>
        %swap3A_774 = arith.index_cast %scan3A_35 : i32 to index
        %swap3A_775 = arith.constant 720 : index
        %swap3A_776 = tpu.vector_load %arg10[%swap3A_774, %swap3A_775] {strides = array<i32>} : memref<32x1024xf32, #tpu.memory_space<vmem>>, vector<1x16xf32>,
        %swap3A_777 = vector.shape_cast %swap3A_776 : vector<1x16xf32> to vector<16xf32>
        %swap3A_778 = vector.shape_cast %add3A_773 : vector<16xf32> to vector<1x16xf32>
        tpu.vector_store %arg10[%swap3A_774, %swap3A_775], %swap3A_778 {strides = array<i32>} : memref<32x1024xf32, #tpu.memory_space<vmem>>, vector<1x16xf32>,
        %get3A_779 = arith.index_cast %scan3A_35 : i32 to index
        %get3A_780 = arith.constant 736 : index
        %get3A_781 = tpu.vector_load %arg10[%get3A_779, %get3A_780] {strides = array<i32>} : memref<32x1024xf32, #tpu.memory_space<vmem>>, vector<1x16xf32>,
        %get3A_782 = vector.shape_cast %get3A_781 : vector<1x16xf32> to vector<16xf32>
        %mul3A_783 = arith.mulf %get3A_39, %get3A_782 : vector<16xf32>
        %get3A_784 = arith.index_cast %scan3A_35 : i32 to index
        %get3A_785 = arith.constant 736 : index
        %get3A_786 = tpu.vector_load %arg11[%get3A_784, %get3A_785] {strides = array<i32>} : memref<32x1024xf32, #tpu.memory_space<vmem>>, vector<1x16xf32>,
        %get3A_787 = vector.shape_cast %get3A_786 : vector<1x16xf32> to vector<16xf32>
        %mul3A_788 = arith.mulf %get3A_43, %get3A_787 : vector<16xf32>
        %add3A_789 = arith.addf %mul3A_783, %mul3A_788 : vector<16xf32>
        %swap3A_790 = arith.index_cast %scan3A_35 : i32 to index
        %swap3A_791 = arith.constant 736 : index
        %swap3A_792 = tpu.vector_load %arg10[%swap3A_790, %swap3A_791] {strides = array<i32>} : memref<32x1024xf32, #tpu.memory_space<vmem>>, vector<1x16xf32>,
        %swap3A_793 = vector.shape_cast %swap3A_792 : vector<1x16xf32> to vector<16xf32>
        %swap3A_794 = vector.shape_cast %add3A_789 : vector<16xf32> to vector<1x16xf32>
        tpu.vector_store %arg10[%swap3A_790, %swap3A_791], %swap3A_794 {strides = array<i32>} : memref<32x1024xf32, #tpu.memory_space<vmem>>, vector<1x16xf32>,
        %get3A_795 = arith.index_cast %scan3A_35 : i32 to index
        %get3A_796 = arith.constant 752 : index
        %get3A_797 = tpu.vector_load %arg10[%get3A_795, %get3A_796] {strides = array<i32>} : memref<32x1024xf32, #tpu.memory_space<vmem>>, vector<1x16xf32>,
        %get3A_798 = vector.shape_cast %get3A_797 : vector<1x16xf32> to vector<16xf32>
        %mul3A_799 = arith.mulf %get3A_39, %get3A_798 : vector<16xf32>
        %get3A_800 = arith.index_cast %scan3A_35 : i32 to index
        %get3A_801 = arith.constant 752 : index
        %get3A_802 = tpu.vector_load %arg11[%get3A_800, %get3A_801] {strides = array<i32>} : memref<32x1024xf32, #tpu.memory_space<vmem>>, vector<1x16xf32>,
        %get3A_803 = vector.shape_cast %get3A_802 : vector<1x16xf32> to vector<16xf32>
        %mul3A_804 = arith.mulf %get3A_43, %get3A_803 : vector<16xf32>
        %add3A_805 = arith.addf %mul3A_799, %mul3A_804 : vector<16xf32>
        %swap3A_806 = arith.index_cast %scan3A_35 : i32 to index
        %swap3A_807 = arith.constant 752 : index
        %swap3A_808 = tpu.vector_load %arg10[%swap3A_806, %swap3A_807] {strides = array<i32>} : memref<32x1024xf32, #tpu.memory_space<vmem>>, vector<1x16xf32>,
        %swap3A_809 = vector.shape_cast %swap3A_808 : vector<1x16xf32> to vector<16xf32>
        %swap3A_810 = vector.shape_cast %add3A_805 : vector<16xf32> to vector<1x16xf32>
        tpu.vector_store %arg10[%swap3A_806, %swap3A_807], %swap3A_810 {strides = array<i32>} : memref<32x1024xf32, #tpu.memory_space<vmem>>, vector<1x16xf32>,
        %get3A_811 = arith.index_cast %scan3A_35 : i32 to index
        %get3A_812 = arith.constant 768 : index
        %get3A_813 = tpu.vector_load %arg10[%get3A_811, %get3A_812] {strides = array<i32>} : memref<32x1024xf32, #tpu.memory_space<vmem>>, vector<1x16xf32>,
        %get3A_814 = vector.shape_cast %get3A_813 : vector<1x16xf32> to vector<16xf32>
        %mul3A_815 = arith.mulf %get3A_39, %get3A_814 : vector<16xf32>
        %get3A_816 = arith.index_cast %scan3A_35 : i32 to index
        %get3A_817 = arith.constant 768 : index
        %get3A_818 = tpu.vector_load %arg11[%get3A_816, %get3A_817] {strides = array<i32>} : memref<32x1024xf32, #tpu.memory_space<vmem>>, vector<1x16xf32>,
        %get3A_819 = vector.shape_cast %get3A_818 : vector<1x16xf32> to vector<16xf32>
        %mul3A_820 = arith.mulf %get3A_43, %get3A_819 : vector<16xf32>
        %add3A_821 = arith.addf %mul3A_815, %mul3A_820 : vector<16xf32>
        %swap3A_822 = arith.index_cast %scan3A_35 : i32 to index
        %swap3A_823 = arith.constant 768 : index
        %swap3A_824 = tpu.vector_load %arg10[%swap3A_822, %swap3A_823] {strides = array<i32>} : memref<32x1024xf32, #tpu.memory_space<vmem>>, vector<1x16xf32>,
        %swap3A_825 = vector.shape_cast %swap3A_824 : vector<1x16xf32> to vector<16xf32>
        %swap3A_826 = vector.shape_cast %add3A_821 : vector<16xf32> to vector<1x16xf32>
        tpu.vector_store %arg10[%swap3A_822, %swap3A_823], %swap3A_826 {strides = array<i32>} : memref<32x1024xf32, #tpu.memory_space<vmem>>, vector<1x16xf32>,
        %get3A_827 = arith.index_cast %scan3A_35 : i32 to index
        %get3A_828 = arith.constant 784 : index
        %get3A_829 = tpu.vector_load %arg10[%get3A_827, %get3A_828] {strides = array<i32>} : memref<32x1024xf32, #tpu.memory_space<vmem>>, vector<1x16xf32>,
        %get3A_830 = vector.shape_cast %get3A_829 : vector<1x16xf32> to vector<16xf32>
        %mul3A_831 = arith.mulf %get3A_39, %get3A_830 : vector<16xf32>
        %get3A_832 = arith.index_cast %scan3A_35 : i32 to index
        %get3A_833 = arith.constant 784 : index
        %get3A_834 = tpu.vector_load %arg11[%get3A_832, %get3A_833] {strides = array<i32>} : memref<32x1024xf32, #tpu.memory_space<vmem>>, vector<1x16xf32>,
        %get3A_835 = vector.shape_cast %get3A_834 : vector<1x16xf32> to vector<16xf32>
        %mul3A_836 = arith.mulf %get3A_43, %get3A_835 : vector<16xf32>
        %add3A_837 = arith.addf %mul3A_831, %mul3A_836 : vector<16xf32>
        %swap3A_838 = arith.index_cast %scan3A_35 : i32 to index
        %swap3A_839 = arith.constant 784 : index
        %swap3A_840 = tpu.vector_load %arg10[%swap3A_838, %swap3A_839] {strides = array<i32>} : memref<32x1024xf32, #tpu.memory_space<vmem>>, vector<1x16xf32>,
        %swap3A_841 = vector.shape_cast %swap3A_840 : vector<1x16xf32> to vector<16xf32>
        %swap3A_842 = vector.shape_cast %add3A_837 : vector<16xf32> to vector<1x16xf32>
        tpu.vector_store %arg10[%swap3A_838, %swap3A_839], %swap3A_842 {strides = array<i32>} : memref<32x1024xf32, #tpu.memory_space<vmem>>, vector<1x16xf32>,
        %get3A_843 = arith.index_cast %scan3A_35 : i32 to index
        %get3A_844 = arith.constant 800 : index
        %get3A_845 = tpu.vector_load %arg10[%get3A_843, %get3A_844] {strides = array<i32>} : memref<32x1024xf32, #tpu.memory_space<vmem>>, vector<1x16xf32>,
        %get3A_846 = vector.shape_cast %get3A_845 : vector<1x16xf32> to vector<16xf32>
        %mul3A_847 = arith.mulf %get3A_39, %get3A_846 : vector<16xf32>
        %get3A_848 = arith.index_cast %scan3A_35 : i32 to index
        %get3A_849 = arith.constant 800 : index
        %get3A_850 = tpu.vector_load %arg11[%get3A_848, %get3A_849] {strides = array<i32>} : memref<32x1024xf32, #tpu.memory_space<vmem>>, vector<1x16xf32>,
        %get3A_851 = vector.shape_cast %get3A_850 : vector<1x16xf32> to vector<16xf32>
        %mul3A_852 = arith.mulf %get3A_43, %get3A_851 : vector<16xf32>
        %add3A_853 = arith.addf %mul3A_847, %mul3A_852 : vector<16xf32>
        %swap3A_854 = arith.index_cast %scan3A_35 : i32 to index
        %swap3A_855 = arith.constant 800 : index
        %swap3A_856 = tpu.vector_load %arg10[%swap3A_854, %swap3A_855] {strides = array<i32>} : memref<32x1024xf32, #tpu.memory_space<vmem>>, vector<1x16xf32>,
        %swap3A_857 = vector.shape_cast %swap3A_856 : vector<1x16xf32> to vector<16xf32>
        %swap3A_858 = vector.shape_cast %add3A_853 : vector<16xf32> to vector<1x16xf32>
        tpu.vector_store %arg10[%swap3A_854, %swap3A_855], %swap3A_858 {strides = array<i32>} : memref<32x1024xf32, #tpu.memory_space<vmem>>, vector<1x16xf32>,
        %get3A_859 = arith.index_cast %scan3A_35 : i32 to index
        %get3A_860 = arith.constant 816 : index
        %get3A_861 = tpu.vector_load %arg10[%get3A_859, %get3A_860] {strides = array<i32>} : memref<32x1024xf32, #tpu.memory_space<vmem>>, vector<1x16xf32>,
        %get3A_862 = vector.shape_cast %get3A_861 : vector<1x16xf32> to vector<16xf32>
        %mul3A_863 = arith.mulf %get3A_39, %get3A_862 : vector<16xf32>
        %get3A_864 = arith.index_cast %scan3A_35 : i32 to index
        %get3A_865 = arith.constant 816 : index
        %get3A_866 = tpu.vector_load %arg11[%get3A_864, %get3A_865] {strides = array<i32>} : memref<32x1024xf32, #tpu.memory_space<vmem>>, vector<1x16xf32>,
        %get3A_867 = vector.shape_cast %get3A_866 : vector<1x16xf32> to vector<16xf32>
        %mul3A_868 = arith.mulf %get3A_43, %get3A_867 : vector<16xf32>
        %add3A_869 = arith.addf %mul3A_863, %mul3A_868 : vector<16xf32>
        %swap3A_870 = arith.index_cast %scan3A_35 : i32 to index
        %swap3A_871 = arith.constant 816 : index
        %swap3A_872 = tpu.vector_load %arg10[%swap3A_870, %swap3A_871] {strides = array<i32>} : memref<32x1024xf32, #tpu.memory_space<vmem>>, vector<1x16xf32>,
        %swap3A_873 = vector.shape_cast %swap3A_872 : vector<1x16xf32> to vector<16xf32>
        %swap3A_874 = vector.shape_cast %add3A_869 : vector<16xf32> to vector<1x16xf32>
        tpu.vector_store %arg10[%swap3A_870, %swap3A_871], %swap3A_874 {strides = array<i32>} : memref<32x1024xf32, #tpu.memory_space<vmem>>, vector<1x16xf32>,
        %get3A_875 = arith.index_cast %scan3A_35 : i32 to index
        %get3A_876 = arith.constant 832 : index
        %get3A_877 = tpu.vector_load %arg10[%get3A_875, %get3A_876] {strides = array<i32>} : memref<32x1024xf32, #tpu.memory_space<vmem>>, vector<1x16xf32>,
        %get3A_878 = vector.shape_cast %get3A_877 : vector<1x16xf32> to vector<16xf32>
        %mul3A_879 = arith.mulf %get3A_39, %get3A_878 : vector<16xf32>
        %get3A_880 = arith.index_cast %scan3A_35 : i32 to index
        %get3A_881 = arith.constant 832 : index
        %get3A_882 = tpu.vector_load %arg11[%get3A_880, %get3A_881] {strides = array<i32>} : memref<32x1024xf32, #tpu.memory_space<vmem>>, vector<1x16xf32>,
        %get3A_883 = vector.shape_cast %get3A_882 : vector<1x16xf32> to vector<16xf32>
        %mul3A_884 = arith.mulf %get3A_43, %get3A_883 : vector<16xf32>
        %add3A_885 = arith.addf %mul3A_879, %mul3A_884 : vector<16xf32>
        %swap3A_886 = arith.index_cast %scan3A_35 : i32 to index
        %swap3A_887 = arith.constant 832 : index
        %swap3A_888 = tpu.vector_load %arg10[%swap3A_886, %swap3A_887] {strides = array<i32>} : memref<32x1024xf32, #tpu.memory_space<vmem>>, vector<1x16xf32>,
        %swap3A_889 = vector.shape_cast %swap3A_888 : vector<1x16xf32> to vector<16xf32>
        %swap3A_890 = vector.shape_cast %add3A_885 : vector<16xf32> to vector<1x16xf32>
        tpu.vector_store %arg10[%swap3A_886, %swap3A_887], %swap3A_890 {strides = array<i32>} : memref<32x1024xf32, #tpu.memory_space<vmem>>, vector<1x16xf32>,
        %get3A_891 = arith.index_cast %scan3A_35 : i32 to index
        %get3A_892 = arith.constant 848 : index
        %get3A_893 = tpu.vector_load %arg10[%get3A_891, %get3A_892] {strides = array<i32>} : memref<32x1024xf32, #tpu.memory_space<vmem>>, vector<1x16xf32>,
        %get3A_894 = vector.shape_cast %get3A_893 : vector<1x16xf32> to vector<16xf32>
        %mul3A_895 = arith.mulf %get3A_39, %get3A_894 : vector<16xf32>
        %get3A_896 = arith.index_cast %scan3A_35 : i32 to index
        %get3A_897 = arith.constant 848 : index
        %get3A_898 = tpu.vector_load %arg11[%get3A_896, %get3A_897] {strides = array<i32>} : memref<32x1024xf32, #tpu.memory_space<vmem>>, vector<1x16xf32>,
        %get3A_899 = vector.shape_cast %get3A_898 : vector<1x16xf32> to vector<16xf32>
        %mul3A_900 = arith.mulf %get3A_43, %get3A_899 : vector<16xf32>
        %add3A_901 = arith.addf %mul3A_895, %mul3A_900 : vector<16xf32>
        %swap3A_902 = arith.index_cast %scan3A_35 : i32 to index
        %swap3A_903 = arith.constant 848 : index
        %swap3A_904 = tpu.vector_load %arg10[%swap3A_902, %swap3A_903] {strides = array<i32>} : memref<32x1024xf32, #tpu.memory_space<vmem>>, vector<1x16xf32>,
        %swap3A_905 = vector.shape_cast %swap3A_904 : vector<1x16xf32> to vector<16xf32>
        %swap3A_906 = vector.shape_cast %add3A_901 : vector<16xf32> to vector<1x16xf32>
        tpu.vector_store %arg10[%swap3A_902, %swap3A_903], %swap3A_906 {strides = array<i32>} : memref<32x1024xf32, #tpu.memory_space<vmem>>, vector<1x16xf32>,
        %get3A_907 = arith.index_cast %scan3A_35 : i32 to index
        %get3A_908 = arith.constant 864 : index
        %get3A_909 = tpu.vector_load %arg10[%get3A_907, %get3A_908] {strides = array<i32>} : memref<32x1024xf32, #tpu.memory_space<vmem>>, vector<1x16xf32>,
        %get3A_910 = vector.shape_cast %get3A_909 : vector<1x16xf32> to vector<16xf32>
        %mul3A_911 = arith.mulf %get3A_39, %get3A_910 : vector<16xf32>
        %get3A_912 = arith.index_cast %scan3A_35 : i32 to index
        %get3A_913 = arith.constant 864 : index
        %get3A_914 = tpu.vector_load %arg11[%get3A_912, %get3A_913] {strides = array<i32>} : memref<32x1024xf32, #tpu.memory_space<vmem>>, vector<1x16xf32>,
        %get3A_915 = vector.shape_cast %get3A_914 : vector<1x16xf32> to vector<16xf32>
        %mul3A_916 = arith.mulf %get3A_43, %get3A_915 : vector<16xf32>
        %add3A_917 = arith.addf %mul3A_911, %mul3A_916 : vector<16xf32>
        %swap3A_918 = arith.index_cast %scan3A_35 : i32 to index
        %swap3A_919 = arith.constant 864 : index
        %swap3A_920 = tpu.vector_load %arg10[%swap3A_918, %swap3A_919] {strides = array<i32>} : memref<32x1024xf32, #tpu.memory_space<vmem>>, vector<1x16xf32>,
        %swap3A_921 = vector.shape_cast %swap3A_920 : vector<1x16xf32> to vector<16xf32>
        %swap3A_922 = vector.shape_cast %add3A_917 : vector<16xf32> to vector<1x16xf32>
        tpu.vector_store %arg10[%swap3A_918, %swap3A_919], %swap3A_922 {strides = array<i32>} : memref<32x1024xf32, #tpu.memory_space<vmem>>, vector<1x16xf32>,
        %get3A_923 = arith.index_cast %scan3A_35 : i32 to index
        %get3A_924 = arith.constant 880 : index
        %get3A_925 = tpu.vector_load %arg10[%get3A_923, %get3A_924] {strides = array<i32>} : memref<32x1024xf32, #tpu.memory_space<vmem>>, vector<1x16xf32>,
        %get3A_926 = vector.shape_cast %get3A_925 : vector<1x16xf32> to vector<16xf32>
        %mul3A_927 = arith.mulf %get3A_39, %get3A_926 : vector<16xf32>
        %get3A_928 = arith.index_cast %scan3A_35 : i32 to index
        %get3A_929 = arith.constant 880 : index
        %get3A_930 = tpu.vector_load %arg11[%get3A_928, %get3A_929] {strides = array<i32>} : memref<32x1024xf32, #tpu.memory_space<vmem>>, vector<1x16xf32>,
        %get3A_931 = vector.shape_cast %get3A_930 : vector<1x16xf32> to vector<16xf32>
        %mul3A_932 = arith.mulf %get3A_43, %get3A_931 : vector<16xf32>
        %add3A_933 = arith.addf %mul3A_927, %mul3A_932 : vector<16xf32>
        %swap3A_934 = arith.index_cast %scan3A_35 : i32 to index
        %swap3A_935 = arith.constant 880 : index
        %swap3A_936 = tpu.vector_load %arg10[%swap3A_934, %swap3A_935] {strides = array<i32>} : memref<32x1024xf32, #tpu.memory_space<vmem>>, vector<1x16xf32>,
        %swap3A_937 = vector.shape_cast %swap3A_936 : vector<1x16xf32> to vector<16xf32>
        %swap3A_938 = vector.shape_cast %add3A_933 : vector<16xf32> to vector<1x16xf32>
        tpu.vector_store %arg10[%swap3A_934, %swap3A_935], %swap3A_938 {strides = array<i32>} : memref<32x1024xf32, #tpu.memory_space<vmem>>, vector<1x16xf32>,
        %get3A_939 = arith.index_cast %scan3A_35 : i32 to index
        %get3A_940 = arith.constant 896 : index
        %get3A_941 = tpu.vector_load %arg10[%get3A_939, %get3A_940] {strides = array<i32>} : memref<32x1024xf32, #tpu.memory_space<vmem>>, vector<1x16xf32>,
        %get3A_942 = vector.shape_cast %get3A_941 : vector<1x16xf32> to vector<16xf32>
        %mul3A_943 = arith.mulf %get3A_39, %get3A_942 : vector<16xf32>
        %get3A_944 = arith.index_cast %scan3A_35 : i32 to index
        %get3A_945 = arith.constant 896 : index
        %get3A_946 = tpu.vector_load %arg11[%get3A_944, %get3A_945] {strides = array<i32>} : memref<32x1024xf32, #tpu.memory_space<vmem>>, vector<1x16xf32>,
        %get3A_947 = vector.shape_cast %get3A_946 : vector<1x16xf32> to vector<16xf32>
        %mul3A_948 = arith.mulf %get3A_43, %get3A_947 : vector<16xf32>
        %add3A_949 = arith.addf %mul3A_943, %mul3A_948 : vector<16xf32>
        %swap3A_950 = arith.index_cast %scan3A_35 : i32 to index
        %swap3A_951 = arith.constant 896 : index
        %swap3A_952 = tpu.vector_load %arg10[%swap3A_950, %swap3A_951] {strides = array<i32>} : memref<32x1024xf32, #tpu.memory_space<vmem>>, vector<1x16xf32>,
        %swap3A_953 = vector.shape_cast %swap3A_952 : vector<1x16xf32> to vector<16xf32>
        %swap3A_954 = vector.shape_cast %add3A_949 : vector<16xf32> to vector<1x16xf32>
        tpu.vector_store %arg10[%swap3A_950, %swap3A_951], %swap3A_954 {strides = array<i32>} : memref<32x1024xf32, #tpu.memory_space<vmem>>, vector<1x16xf32>,
        %get3A_955 = arith.index_cast %scan3A_35 : i32 to index
        %get3A_956 = arith.constant 912 : index
        %get3A_957 = tpu.vector_load %arg10[%get3A_955, %get3A_956] {strides = array<i32>} : memref<32x1024xf32, #tpu.memory_space<vmem>>, vector<1x16xf32>,
        %get3A_958 = vector.shape_cast %get3A_957 : vector<1x16xf32> to vector<16xf32>
        %mul3A_959 = arith.mulf %get3A_39, %get3A_958 : vector<16xf32>
        %get3A_960 = arith.index_cast %scan3A_35 : i32 to index
        %get3A_961 = arith.constant 912 : index
        %get3A_962 = tpu.vector_load %arg11[%get3A_960, %get3A_961] {strides = array<i32>} : memref<32x1024xf32, #tpu.memory_space<vmem>>, vector<1x16xf32>,
        %get3A_963 = vector.shape_cast %get3A_962 : vector<1x16xf32> to vector<16xf32>
        %mul3A_964 = arith.mulf %get3A_43, %get3A_963 : vector<16xf32>
        %add3A_965 = arith.addf %mul3A_959, %mul3A_964 : vector<16xf32>
        %swap3A_966 = arith.index_cast %scan3A_35 : i32 to index
        %swap3A_967 = arith.constant 912 : index
        %swap3A_968 = tpu.vector_load %arg10[%swap3A_966, %swap3A_967] {strides = array<i32>} : memref<32x1024xf32, #tpu.memory_space<vmem>>, vector<1x16xf32>,
        %swap3A_969 = vector.shape_cast %swap3A_968 : vector<1x16xf32> to vector<16xf32>
        %swap3A_970 = vector.shape_cast %add3A_965 : vector<16xf32> to vector<1x16xf32>
        tpu.vector_store %arg10[%swap3A_966, %swap3A_967], %swap3A_970 {strides = array<i32>} : memref<32x1024xf32, #tpu.memory_space<vmem>>, vector<1x16xf32>,
        %get3A_971 = arith.index_cast %scan3A_35 : i32 to index
        %get3A_972 = arith.constant 928 : index
        %get3A_973 = tpu.vector_load %arg10[%get3A_971, %get3A_972] {strides = array<i32>} : memref<32x1024xf32, #tpu.memory_space<vmem>>, vector<1x16xf32>,
        %get3A_974 = vector.shape_cast %get3A_973 : vector<1x16xf32> to vector<16xf32>
        %mul3A_975 = arith.mulf %get3A_39, %get3A_974 : vector<16xf32>
        %get3A_976 = arith.index_cast %scan3A_35 : i32 to index
        %get3A_977 = arith.constant 928 : index
        %get3A_978 = tpu.vector_load %arg11[%get3A_976, %get3A_977] {strides = array<i32>} : memref<32x1024xf32, #tpu.memory_space<vmem>>, vector<1x16xf32>,
        %get3A_979 = vector.shape_cast %get3A_978 : vector<1x16xf32> to vector<16xf32>
        %mul3A_980 = arith.mulf %get3A_43, %get3A_979 : vector<16xf32>
        %add3A_981 = arith.addf %mul3A_975, %mul3A_980 : vector<16xf32>
        %swap3A_982 = arith.index_cast %scan3A_35 : i32 to index
        %swap3A_983 = arith.constant 928 : index
        %swap3A_984 = tpu.vector_load %arg10[%swap3A_982, %swap3A_983] {strides = array<i32>} : memref<32x1024xf32, #tpu.memory_space<vmem>>, vector<1x16xf32>,
        %swap3A_985 = vector.shape_cast %swap3A_984 : vector<1x16xf32> to vector<16xf32>
        %swap3A_986 = vector.shape_cast %add3A_981 : vector<16xf32> to vector<1x16xf32>
        tpu.vector_store %arg10[%swap3A_982, %swap3A_983], %swap3A_986 {strides = array<i32>} : memref<32x1024xf32, #tpu.memory_space<vmem>>, vector<1x16xf32>,
        %get3A_987 = arith.index_cast %scan3A_35 : i32 to index
        %get3A_988 = arith.constant 944 : index
        %get3A_989 = tpu.vector_load %arg10[%get3A_987, %get3A_988] {strides = array<i32>} : memref<32x1024xf32, #tpu.memory_space<vmem>>, vector<1x16xf32>,
        %get3A_990 = vector.shape_cast %get3A_989 : vector<1x16xf32> to vector<16xf32>
        %mul3A_991 = arith.mulf %get3A_39, %get3A_990 : vector<16xf32>
        %get3A_992 = arith.index_cast %scan3A_35 : i32 to index
        %get3A_993 = arith.constant 944 : index
        %get3A_994 = tpu.vector_load %arg11[%get3A_992, %get3A_993] {strides = array<i32>} : memref<32x1024xf32, #tpu.memory_space<vmem>>, vector<1x16xf32>,
        %get3A_995 = vector.shape_cast %get3A_994 : vector<1x16xf32> to vector<16xf32>
        %mul3A_996 = arith.mulf %get3A_43, %get3A_995 : vector<16xf32>
        %add3A_997 = arith.addf %mul3A_991, %mul3A_996 : vector<16xf32>
        %swap3A_998 = arith.index_cast %scan3A_35 : i32 to index
        %swap3A_999 = arith.constant 944 : index
        %swap3A_1000 = tpu.vector_load %arg10[%swap3A_998, %swap3A_999] {strides = array<i32>} : memref<32x1024xf32, #tpu.memory_space<vmem>>, vector<1x16xf32>,
        %swap3A_1001 = vector.shape_cast %swap3A_1000 : vector<1x16xf32> to vector<16xf32>
        %swap3A_1002 = vector.shape_cast %add3A_997 : vector<16xf32> to vector<1x16xf32>
        tpu.vector_store %arg10[%swap3A_998, %swap3A_999], %swap3A_1002 {strides = array<i32>} : memref<32x1024xf32, #tpu.memory_space<vmem>>, vector<1x16xf32>,
        %get3A_1003 = arith.index_cast %scan3A_35 : i32 to index
        %get3A_1004 = arith.constant 960 : index
        %get3A_1005 = tpu.vector_load %arg10[%get3A_1003, %get3A_1004] {strides = array<i32>} : memref<32x1024xf32, #tpu.memory_space<vmem>>, vector<1x16xf32>,
        %get3A_1006 = vector.shape_cast %get3A_1005 : vector<1x16xf32> to vector<16xf32>
        %mul3A_1007 = arith.mulf %get3A_39, %get3A_1006 : vector<16xf32>
        %get3A_1008 = arith.index_cast %scan3A_35 : i32 to index
        %get3A_1009 = arith.constant 960 : index
        %get3A_1010 = tpu.vector_load %arg11[%get3A_1008, %get3A_1009] {strides = array<i32>} : memref<32x1024xf32, #tpu.memory_space<vmem>>, vector<1x16xf32>,
        %get3A_1011 = vector.shape_cast %get3A_1010 : vector<1x16xf32> to vector<16xf32>
        %mul3A_1012 = arith.mulf %get3A_43, %get3A_1011 : vector<16xf32>
        %add3A_1013 = arith.addf %mul3A_1007, %mul3A_1012 : vector<16xf32>
        %swap3A_1014 = arith.index_cast %scan3A_35 : i32 to index
        %swap3A_1015 = arith.constant 960 : index
        %swap3A_1016 = tpu.vector_load %arg10[%swap3A_1014, %swap3A_1015] {strides = array<i32>} : memref<32x1024xf32, #tpu.memory_space<vmem>>, vector<1x16xf32>,
        %swap3A_1017 = vector.shape_cast %swap3A_1016 : vector<1x16xf32> to vector<16xf32>
        %swap3A_1018 = vector.shape_cast %add3A_1013 : vector<16xf32> to vector<1x16xf32>
        tpu.vector_store %arg10[%swap3A_1014, %swap3A_1015], %swap3A_1018 {strides = array<i32>} : memref<32x1024xf32, #tpu.memory_space<vmem>>, vector<1x16xf32>,
        %get3A_1019 = arith.index_cast %scan3A_35 : i32 to index
        %get3A_1020 = arith.constant 976 : index
        %get3A_1021 = tpu.vector_load %arg10[%get3A_1019, %get3A_1020] {strides = array<i32>} : memref<32x1024xf32, #tpu.memory_space<vmem>>, vector<1x16xf32>,
        %get3A_1022 = vector.shape_cast %get3A_1021 : vector<1x16xf32> to vector<16xf32>
        %mul3A_1023 = arith.mulf %get3A_39, %get3A_1022 : vector<16xf32>
        %get3A_1024 = arith.index_cast %scan3A_35 : i32 to index
        %get3A_1025 = arith.constant 976 : index
        %get3A_1026 = tpu.vector_load %arg11[%get3A_1024, %get3A_1025] {strides = array<i32>} : memref<32x1024xf32, #tpu.memory_space<vmem>>, vector<1x16xf32>,
        %get3A_1027 = vector.shape_cast %get3A_1026 : vector<1x16xf32> to vector<16xf32>
        %mul3A_1028 = arith.mulf %get3A_43, %get3A_1027 : vector<16xf32>
        %add3A_1029 = arith.addf %mul3A_1023, %mul3A_1028 : vector<16xf32>
        %swap3A_1030 = arith.index_cast %scan3A_35 : i32 to index
        %swap3A_1031 = arith.constant 976 : index
        %swap3A_1032 = tpu.vector_load %arg10[%swap3A_1030, %swap3A_1031] {strides = array<i32>} : memref<32x1024xf32, #tpu.memory_space<vmem>>, vector<1x16xf32>,
        %swap3A_1033 = vector.shape_cast %swap3A_1032 : vector<1x16xf32> to vector<16xf32>
        %swap3A_1034 = vector.shape_cast %add3A_1029 : vector<16xf32> to vector<1x16xf32>
        tpu.vector_store %arg10[%swap3A_1030, %swap3A_1031], %swap3A_1034 {strides = array<i32>} : memref<32x1024xf32, #tpu.memory_space<vmem>>, vector<1x16xf32>,
        %get3A_1035 = arith.index_cast %scan3A_35 : i32 to index
        %get3A_1036 = arith.constant 992 : index
        %get3A_1037 = tpu.vector_load %arg10[%get3A_1035, %get3A_1036] {strides = array<i32>} : memref<32x1024xf32, #tpu.memory_space<vmem>>, vector<1x16xf32>,
        %get3A_1038 = vector.shape_cast %get3A_1037 : vector<1x16xf32> to vector<16xf32>
        %mul3A_1039 = arith.mulf %get3A_39, %get3A_1038 : vector<16xf32>
        %get3A_1040 = arith.index_cast %scan3A_35 : i32 to index
        %get3A_1041 = arith.constant 992 : index
        %get3A_1042 = tpu.vector_load %arg11[%get3A_1040, %get3A_1041] {strides = array<i32>} : memref<32x1024xf32, #tpu.memory_space<vmem>>, vector<1x16xf32>,
        %get3A_1043 = vector.shape_cast %get3A_1042 : vector<1x16xf32> to vector<16xf32>
        %mul3A_1044 = arith.mulf %get3A_43, %get3A_1043 : vector<16xf32>
        %add3A_1045 = arith.addf %mul3A_1039, %mul3A_1044 : vector<16xf32>
        %swap3A_1046 = arith.index_cast %scan3A_35 : i32 to index
        %swap3A_1047 = arith.constant 992 : index
        %swap3A_1048 = tpu.vector_load %arg10[%swap3A_1046, %swap3A_1047] {strides = array<i32>} : memref<32x1024xf32, #tpu.memory_space<vmem>>, vector<1x16xf32>,
        %swap3A_1049 = vector.shape_cast %swap3A_1048 : vector<1x16xf32> to vector<16xf32>
        %swap3A_1050 = vector.shape_cast %add3A_1045 : vector<16xf32> to vector<1x16xf32>
        tpu.vector_store %arg10[%swap3A_1046, %swap3A_1047], %swap3A_1050 {strides = array<i32>} : memref<32x1024xf32, #tpu.memory_space<vmem>>, vector<1x16xf32>,
        %get3A_1051 = arith.index_cast %scan3A_35 : i32 to index
        %get3A_1052 = arith.constant 1008 : index
        %get3A_1053 = tpu.vector_load %arg10[%get3A_1051, %get3A_1052] {strides = array<i32>} : memref<32x1024xf32, #tpu.memory_space<vmem>>, vector<1x16xf32>,
        %get3A_1054 = vector.shape_cast %get3A_1053 : vector<1x16xf32> to vector<16xf32>
        %mul3A_1055 = arith.mulf %get3A_39, %get3A_1054 : vector<16xf32>
        %get3A_1056 = arith.index_cast %scan3A_35 : i32 to index
        %get3A_1057 = arith.constant 1008 : index
        %get3A_1058 = tpu.vector_load %arg11[%get3A_1056, %get3A_1057] {strides = array<i32>} : memref<32x1024xf32, #tpu.memory_space<vmem>>, vector<1x16xf32>,
        %get3A_1059 = vector.shape_cast %get3A_1058 : vector<1x16xf32> to vector<16xf32>
        %mul3A_1060 = arith.mulf %get3A_43, %get3A_1059 : vector<16xf32>
        %add3A_1061 = arith.addf %mul3A_1055, %mul3A_1060 : vector<16xf32>
        %swap3A_1062 = arith.index_cast %scan3A_35 : i32 to index
        %swap3A_1063 = arith.constant 1008 : index
        %swap3A_1064 = tpu.vector_load %arg10[%swap3A_1062, %swap3A_1063] {strides = array<i32>} : memref<32x1024xf32, #tpu.memory_space<vmem>>, vector<1x16xf32>,
        %swap3A_1065 = vector.shape_cast %swap3A_1064 : vector<1x16xf32> to vector<16xf32>
        %swap3A_1066 = vector.shape_cast %add3A_1061 : vector<16xf32> to vector<1x16xf32>
        tpu.vector_store %arg10[%swap3A_1062, %swap3A_1063], %swap3A_1066 {strides = array<i32>} : memref<32x1024xf32, #tpu.memory_space<vmem>>, vector<1x16xf32>,
        %scan3A_1067 = arith.constant 0 : i32
        scf.yield %scan3A_1067 : i32
      }
      %scan3A_33 = arith.constant 32 : i32
      "tpu.region"() ({
        %run_scoped3A_35 = tpu.sem_alloc : memref<!tpu.dma_semaphore, #tpu.memory_space<semaphore_mem>>
        %dma_start3A_36 = arith.constant 0 : i32
        %dma_start3A_37 = tpu.memref_slice %arg5[%add3A_13, %dma_start3A_36] : memref<8192x1024xf32, #tpu.memory_space<hbm>> -> memref<32x1024xf32, #tpu.memory_space<hbm>>
        %dma_start3A_38 = arith.constant 0 : i32
        %dma_start3A_39 = tpu.memref_slice %arg5[%add3A_13, %dma_start3A_38] : memref<8192x1024xf32, #tpu.memory_space<hbm>> -> memref<32x1024xf32, #tpu.memory_space<hbm>>
        tpu.enqueue_dma source(%arg10 : memref<32x1024xf32, #tpu.memory_space<vmem>>) target(%dma_start3A_39 : memref<32x1024xf32, #tpu.memory_space<hbm>>) target_semaphore(%run_scoped3A_35 : memref<!tpu.dma_semaphore, #tpu.memory_space<semaphore_mem>>)
        %dma_wait3A_40 = arith.constant 0 : i32
        %dma_wait3A_41 = tpu.memref_slice %arg5[%add3A_13, %dma_wait3A_40] : memref<8192x1024xf32, #tpu.memory_space<hbm>> -> memref<32x1024xf32, #tpu.memory_space<hbm>>
        %dma_wait3A_42 = arith.constant 0 : i32
        %dma_wait3A_43 = tpu.memref_slice %arg5[%add3A_13, %dma_wait3A_42] : memref<8192x1024xf32, #tpu.memory_space<hbm>> -> memref<32x1024xf32, #tpu.memory_space<hbm>>
        tpu.wait_dma2 semaphore(%run_scoped3A_35 : memref<!tpu.dma_semaphore, #tpu.memory_space<semaphore_mem>>) src(%arg10 : memref<32x1024xf32, #tpu.memory_space<vmem>>) dst(%dma_wait3A_43 : memref<32x1024xf32, #tpu.memory_space<hbm>>)
        tpu.yield
      }) : () -> ()
      %scan3A_34 = arith.constant 0 : i32
      scf.yield %scan3A_34 : i32
    }
    %scan3A_6 = arith.constant 8 : i32
    return
  }
}

#map = affine_map<(d0, d1) -> (0, 0)>
module attributes {stable_mosaic.version = 14 : i64} {
  func.func @_reorder_body(%arg0: i32, %arg1: i32, %arg2: memref<8192x1024xf32, #tpu.memory_space<hbm>>, %arg3: memref<2x8192xi32, #tpu.memory_space<hbm>>, %arg4: memref<16384x1024xf32, #tpu.memory_space<hbm>>, %arg5: memref<64x1024xf32, #tpu.memory_space<vmem>>, %arg6: memref<64xi32, #tpu.memory_space<vmem>>, %arg7: memref<64xi32, #tpu.memory_space<vmem>>, %arg8: memref<!tpu.dma_semaphore, #tpu.memory_space<semaphore_mem>>) attributes {dimension_semantics = [#tpu.dimension_semantics<core_parallel>, #tpu.dimension_semantics<subcore_parallel>], iteration_bounds = array<i64: 2, 16>, scalar_prefetch = 0 : i64, scratch_operands = 4 : i64, tpu.core_type = #tpu.core_type<sc_vector_subcore>, window_params = [{transform_indices = #map}, {transform_indices = #map}, {transform_indices = #map}]} {
    %mul3A = arith.constant 2 : i32
    %mul3A_0 = arith.muli %arg1, %mul3A : i32
    %add3A = arith.addi %mul3A_0, %arg0 : i32
    %scan3A = arith.constant 0 : i32
    %scan3A_1 = arith.constant 0 : i32
    %scan3A_2 = arith.constant 4 : i32
    %scan3A_3 = arith.addi %scan3A_1, %scan3A_2 : i32
    %scan3A_4 = arith.constant 1 : i32
    %scan3A_5 = scf.for %scan3A_7 = %scan3A_1 to %scan3A_3 step %scan3A_4 iter_args(%scan3A_8 = %scan3A) -> (i32)  : i32 {
      %mul3A_9 = arith.constant 256 : i32
      %mul3A_10 = arith.muli %add3A, %mul3A_9 : i32
      %mul3A_11 = arith.constant 64 : i32
      %mul3A_12 = arith.muli %scan3A_7, %mul3A_11 : i32
      %add3A_13 = arith.addi %mul3A_10, %mul3A_12 : i32
      %run_scoped3A = arith.constant 0 : i32
      "tpu.region"() ({
        %run_scoped3A_26 = tpu.sem_alloc : memref<!tpu.dma_semaphore, #tpu.memory_space<semaphore_mem>>
        %dma_start3A_27 = tpu.memref_slice %arg3[%run_scoped3A, %add3A_13] : memref<2x8192xi32, #tpu.memory_space<hbm>> -> memref<1x64xi32, #tpu.memory_space<hbm>>
        %dma_start3A_28 = tpu.memref_squeeze %dma_start3A_27 : memref<1x64xi32, #tpu.memory_space<hbm>> -> memref<64xi32, #tpu.memory_space<hbm>>
        %dma_start3A_29 = tpu.memref_slice %arg3[%run_scoped3A, %add3A_13] : memref<2x8192xi32, #tpu.memory_space<hbm>> -> memref<1x64xi32, #tpu.memory_space<hbm>>
        %dma_start3A_30 = tpu.memref_squeeze %dma_start3A_29 : memref<1x64xi32, #tpu.memory_space<hbm>> -> memref<64xi32, #tpu.memory_space<hbm>>
        tpu.enqueue_dma source(%dma_start3A_30 : memref<64xi32, #tpu.memory_space<hbm>>) target(%arg6 : memref<64xi32, #tpu.memory_space<vmem>>) target_semaphore(%run_scoped3A_26 : memref<!tpu.dma_semaphore, #tpu.memory_space<semaphore_mem>>)
        %dma_wait3A_31 = tpu.memref_slice %arg3[%run_scoped3A, %add3A_13] : memref<2x8192xi32, #tpu.memory_space<hbm>> -> memref<1x64xi32, #tpu.memory_space<hbm>>
        %dma_wait3A_32 = tpu.memref_squeeze %dma_wait3A_31 : memref<1x64xi32, #tpu.memory_space<hbm>> -> memref<64xi32, #tpu.memory_space<hbm>>
        %dma_wait3A_33 = tpu.memref_slice %arg3[%run_scoped3A, %add3A_13] : memref<2x8192xi32, #tpu.memory_space<hbm>> -> memref<1x64xi32, #tpu.memory_space<hbm>>
        %dma_wait3A_34 = tpu.memref_squeeze %dma_wait3A_33 : memref<1x64xi32, #tpu.memory_space<hbm>> -> memref<64xi32, #tpu.memory_space<hbm>>
        tpu.wait_dma2 semaphore(%run_scoped3A_26 : memref<!tpu.dma_semaphore, #tpu.memory_space<semaphore_mem>>) src(%dma_wait3A_34 : memref<64xi32, #tpu.memory_space<hbm>>) dst(%arg6 : memref<64xi32, #tpu.memory_space<vmem>>)
        tpu.yield
      }) : () -> ()
      %run_scoped3A_14 = arith.constant 1 : i32
      "tpu.region"() ({
        %run_scoped3A_26 = tpu.sem_alloc : memref<!tpu.dma_semaphore, #tpu.memory_space<semaphore_mem>>
        %dma_start3A_27 = tpu.memref_slice %arg3[%run_scoped3A_14, %add3A_13] : memref<2x8192xi32, #tpu.memory_space<hbm>> -> memref<1x64xi32, #tpu.memory_space<hbm>>
        %dma_start3A_28 = tpu.memref_squeeze %dma_start3A_27 : memref<1x64xi32, #tpu.memory_space<hbm>> -> memref<64xi32, #tpu.memory_space<hbm>>
        %dma_start3A_29 = tpu.memref_slice %arg3[%run_scoped3A_14, %add3A_13] : memref<2x8192xi32, #tpu.memory_space<hbm>> -> memref<1x64xi32, #tpu.memory_space<hbm>>
        %dma_start3A_30 = tpu.memref_squeeze %dma_start3A_29 : memref<1x64xi32, #tpu.memory_space<hbm>> -> memref<64xi32, #tpu.memory_space<hbm>>
        tpu.enqueue_dma source(%dma_start3A_30 : memref<64xi32, #tpu.memory_space<hbm>>) target(%arg7 : memref<64xi32, #tpu.memory_space<vmem>>) target_semaphore(%run_scoped3A_26 : memref<!tpu.dma_semaphore, #tpu.memory_space<semaphore_mem>>)
        %dma_wait3A_31 = tpu.memref_slice %arg3[%run_scoped3A_14, %add3A_13] : memref<2x8192xi32, #tpu.memory_space<hbm>> -> memref<1x64xi32, #tpu.memory_space<hbm>>
        %dma_wait3A_32 = tpu.memref_squeeze %dma_wait3A_31 : memref<1x64xi32, #tpu.memory_space<hbm>> -> memref<64xi32, #tpu.memory_space<hbm>>
        %dma_wait3A_33 = tpu.memref_slice %arg3[%run_scoped3A_14, %add3A_13] : memref<2x8192xi32, #tpu.memory_space<hbm>> -> memref<1x64xi32, #tpu.memory_space<hbm>>
        %dma_wait3A_34 = tpu.memref_squeeze %dma_wait3A_33 : memref<1x64xi32, #tpu.memory_space<hbm>> -> memref<64xi32, #tpu.memory_space<hbm>>
        tpu.wait_dma2 semaphore(%run_scoped3A_26 : memref<!tpu.dma_semaphore, #tpu.memory_space<semaphore_mem>>) src(%dma_wait3A_34 : memref<64xi32, #tpu.memory_space<hbm>>) dst(%arg7 : memref<64xi32, #tpu.memory_space<vmem>>)
        tpu.yield
      }) : () -> ()
      "tpu.region"() ({
        %run_scoped3A_26 = tpu.sem_alloc : memref<!tpu.dma_semaphore, #tpu.memory_space<semaphore_mem>>
        %dma_start3A_27 = arith.constant 0 : i32
        %dma_start3A_28 = tpu.memref_slice %arg2[%add3A_13, %dma_start3A_27] : memref<8192x1024xf32, #tpu.memory_space<hbm>> -> memref<64x1024xf32, #tpu.memory_space<hbm>>
        %dma_start3A_29 = arith.constant 0 : i32
        %dma_start3A_30 = tpu.memref_slice %arg2[%add3A_13, %dma_start3A_29] : memref<8192x1024xf32, #tpu.memory_space<hbm>> -> memref<64x1024xf32, #tpu.memory_space<hbm>>
        tpu.enqueue_dma source(%dma_start3A_30 : memref<64x1024xf32, #tpu.memory_space<hbm>>) target(%arg5 : memref<64x1024xf32, #tpu.memory_space<vmem>>) target_semaphore(%run_scoped3A_26 : memref<!tpu.dma_semaphore, #tpu.memory_space<semaphore_mem>>)
        %dma_wait3A_31 = arith.constant 0 : i32
        %dma_wait3A_32 = tpu.memref_slice %arg2[%add3A_13, %dma_wait3A_31] : memref<8192x1024xf32, #tpu.memory_space<hbm>> -> memref<64x1024xf32, #tpu.memory_space<hbm>>
        %dma_wait3A_33 = arith.constant 0 : i32
        %dma_wait3A_34 = tpu.memref_slice %arg2[%add3A_13, %dma_wait3A_33] : memref<8192x1024xf32, #tpu.memory_space<hbm>> -> memref<64x1024xf32, #tpu.memory_space<hbm>>
        tpu.wait_dma2 semaphore(%run_scoped3A_26 : memref<!tpu.dma_semaphore, #tpu.memory_space<semaphore_mem>>) src(%dma_wait3A_34 : memref<64x1024xf32, #tpu.memory_space<hbm>>) dst(%arg5 : memref<64x1024xf32, #tpu.memory_space<vmem>>)
        tpu.yield
      }) : () -> ()
      %dma_start3A = arith.constant 0 : i32
      %dma_start3A_15 = arith.constant 0 : i32
      %dma_start3A_16 = tpu.memref_slice %arg4[%dma_start3A, %dma_start3A_15] : memref<16384x1024xf32, #tpu.memory_space<hbm>> -> memref<16384x1024xf32, #tpu.memory_space<hbm>>
      tpu.enqueue_indirect_dma source(%arg5 : memref<64x1024xf32, #tpu.memory_space<vmem>>) target(%dma_start3A_16 : memref<16384x1024xf32, #tpu.memory_space<hbm>>) offsets(%arg6 : memref<64xi32, #tpu.memory_space<vmem>>) semaphore(%arg8 : memref<!tpu.dma_semaphore, #tpu.memory_space<semaphore_mem>>)
      %dma_start3A_17 = arith.constant 0 : i32
      %dma_start3A_18 = arith.constant 0 : i32
      %dma_start3A_19 = tpu.memref_slice %arg4[%dma_start3A_17, %dma_start3A_18] : memref<16384x1024xf32, #tpu.memory_space<hbm>> -> memref<16384x1024xf32, #tpu.memory_space<hbm>>
      tpu.enqueue_indirect_dma source(%arg5 : memref<64x1024xf32, #tpu.memory_space<vmem>>) target(%dma_start3A_19 : memref<16384x1024xf32, #tpu.memory_space<hbm>>) offsets(%arg7 : memref<64xi32, #tpu.memory_space<vmem>>) semaphore(%arg8 : memref<!tpu.dma_semaphore, #tpu.memory_space<semaphore_mem>>)
      %dma_wait3A = arith.constant 0 : i32
      %dma_wait3A_20 = arith.constant 0 : i32
      %dma_wait3A_21 = tpu.memref_slice %arg4[%dma_wait3A, %dma_wait3A_20] : memref<16384x1024xf32, #tpu.memory_space<hbm>> -> memref<16384x1024xf32, #tpu.memory_space<hbm>>
      tpu.wait_indirect_dma semaphore(%arg8 : memref<!tpu.dma_semaphore, #tpu.memory_space<semaphore_mem>>) src(%arg5 : memref<64x1024xf32, #tpu.memory_space<vmem>>) dst(%dma_wait3A_21 : memref<16384x1024xf32, #tpu.memory_space<hbm>>)
      %dma_wait3A_22 = arith.constant 0 : i32
      %dma_wait3A_23 = arith.constant 0 : i32
      %dma_wait3A_24 = tpu.memref_slice %arg4[%dma_wait3A_22, %dma_wait3A_23] : memref<16384x1024xf32, #tpu.memory_space<hbm>> -> memref<16384x1024xf32, #tpu.memory_space<hbm>>
      tpu.wait_indirect_dma semaphore(%arg8 : memref<!tpu.dma_semaphore, #tpu.memory_space<semaphore_mem>>) src(%arg5 : memref<64x1024xf32, #tpu.memory_space<vmem>>) dst(%dma_wait3A_24 : memref<16384x1024xf32, #tpu.memory_space<hbm>>)
      %scan3A_25 = arith.constant 0 : i32
      scf.yield %scan3A_25 : i32
    }
    %scan3A_6 = arith.constant 4 : i32
    return
  }
}

module attributes {stable_mosaic.version = 14 : i64} {
  func.func @_group_body(%arg0: i32, %arg1: memref<5x39xi32, #tpu.memory_space<smem>>, %arg2: memref<512x1024xf32, #tpu.memory_space<vmem>>, %arg3: memref<1x1024x2048xf32, #tpu.memory_space<vmem>>, %arg4: memref<1x1024x2048xf32, #tpu.memory_space<vmem>>, %arg5: memref<1x2048x1024xf32, #tpu.memory_space<vmem>>, %arg6: memref<512x1024xf32, #tpu.memory_space<vmem>>) attributes {dimension_semantics = [#tpu.dimension_semantics<arbitrary>], iteration_bounds = array<i64: 39>, scalar_prefetch = 1 : i64, scratch_operands = 0 : i64, tpu.core_type = #tpu.core_type<tc>, window_params = [{transform_indices = @transform_0, window_bounds = array<i64: 512, 1024>}, {transform_indices = @transform_1, window_bounds = array<i64: 1, 1024, 2048>}, {transform_indices = @transform_2, window_bounds = array<i64: 1, 1024, 2048>}, {transform_indices = @transform_3, window_bounds = array<i64: 1, 2048, 1024>}, {transform_indices = @transform_4, window_bounds = array<i64: 512, 1024>}]} {
    %get3A = arith.constant 2 : index
    %get3A_0 = arith.index_cast %arg0 : i32 to index
    %get3A_1 = memref.load %arg1[%get3A, %get3A_0] : memref<5x39xi32, #tpu.memory_space<smem>>
    %get3A_2 = arith.constant 3 : index
    %get3A_3 = arith.index_cast %arg0 : i32 to index
    %get3A_4 = memref.load %arg1[%get3A_2, %get3A_3] : memref<5x39xi32, #tpu.memory_space<smem>>
    %get3A_5 = arith.constant 4 : index
    %get3A_6 = arith.index_cast %arg0 : i32 to index
    %get3A_7 = memref.load %arg1[%get3A_5, %get3A_6] : memref<5x39xi32, #tpu.memory_space<smem>>
    %get3A_8 = arith.constant 0 : index
    %get3A_9 = arith.index_cast %arg0 : i32 to index
    %get3A_10 = memref.load %arg1[%get3A_8, %get3A_9] : memref<5x39xi32, #tpu.memory_space<smem>>
    %gt3A = arith.cmpi sgt, %get3A_4, %get3A_1 : i32
    %convert_element_type3A = arith.extui %gt3A : i1 to i32
    %cond3A = arith.constant 0 : i32
    %cond3A_11 = arith.cmpi ne, %convert_element_type3A, %cond3A : i32
    scf.if %cond3A_11 {
      %get3A_12 = arith.constant 0 : index
      %get3A_13 = arith.constant 0 : index
      %get3A_14 = vector.load %arg2[%get3A_12, %get3A_13] : memref<512x1024xf32, #tpu.memory_space<vmem>>, vector<512x1024xf32>
      %get3A_15 = arith.constant 0 : index
      %get3A_16 = arith.constant 0 : index
      %get3A_17 = arith.constant 0 : index
      %get3A_18 = vector.load %arg3[%get3A_15, %get3A_16, %get3A_17] : memref<1x1024x2048xf32, #tpu.memory_space<vmem>>, vector<1x1024x2048xf32>
      %get3A_19 = vector.shape_cast %get3A_18 : vector<1x1024x2048xf32> to vector<1024x2048xf32>
      %dot_general3A = arith.constant dense<0.000000e+00> : vector<512x2048xf32>
      %dot_general3A_20 = tpu.matmul %get3A_14, %get3A_19, %dot_general3A {dimension_numbers = #tpu.dot_dimension_numbers<[1], [0], [0], [1], [0, 0, 1, 1], [], []>, transpose_lhs_hint = false} : vector<512x1024xf32>, vector<1024x2048xf32>, vector<512x2048xf32> -> vector<512x2048xf32>
      %get3A_21 = arith.constant 0 : index
      %get3A_22 = arith.constant 0 : index
      %get3A_23 = arith.constant 0 : index
      %get3A_24 = vector.load %arg4[%get3A_21, %get3A_22, %get3A_23] : memref<1x1024x2048xf32, #tpu.memory_space<vmem>>, vector<1x1024x2048xf32>
      %get3A_25 = vector.shape_cast %get3A_24 : vector<1x1024x2048xf32> to vector<1024x2048xf32>
      %dot_general3A_26 = arith.constant dense<0.000000e+00> : vector<512x2048xf32>
      %dot_general3A_27 = tpu.matmul %get3A_14, %get3A_25, %dot_general3A_26 {dimension_numbers = #tpu.dot_dimension_numbers<[1], [0], [0], [1], [0, 0, 1, 1], [], []>, transpose_lhs_hint = false} : vector<512x1024xf32>, vector<1024x2048xf32>, vector<512x2048xf32> -> vector<512x2048xf32>
      %logistic3A = arith.negf %dot_general3A_20 : vector<512x2048xf32>
      %logistic3A_28 = math.exp %logistic3A : vector<512x2048xf32>
      %logistic3A_29 = arith.constant 1.000000e+00 : f32
      %logistic3A_30 = vector.broadcast %logistic3A_29 : f32 to vector<512x2048xf32>
      %logistic3A_31 = arith.addf %logistic3A_30, %logistic3A_28 : vector<512x2048xf32>
      %logistic3A_32 = arith.divf %logistic3A_30, %logistic3A_31 : vector<512x2048xf32>
      %mul3A = arith.mulf %dot_general3A_20, %logistic3A_32 : vector<512x2048xf32>
      %mul3A_33 = arith.mulf %mul3A, %dot_general3A_27 : vector<512x2048xf32>
      %get3A_34 = arith.constant 0 : index
      %get3A_35 = arith.constant 0 : index
      %get3A_36 = arith.constant 0 : index
      %get3A_37 = vector.load %arg5[%get3A_34, %get3A_35, %get3A_36] : memref<1x2048x1024xf32, #tpu.memory_space<vmem>>, vector<1x2048x1024xf32>
      %get3A_38 = vector.shape_cast %get3A_37 : vector<1x2048x1024xf32> to vector<2048x1024xf32>
      %dot_general3A_39 = arith.constant dense<0.000000e+00> : vector<512x1024xf32>
      %dot_general3A_40 = tpu.matmul %mul3A_33, %get3A_38, %dot_general3A_39 {dimension_numbers = #tpu.dot_dimension_numbers<[1], [0], [0], [1], [0, 0, 1, 1], [], []>, transpose_lhs_hint = false} : vector<512x2048xf32>, vector<2048x1024xf32>, vector<512x1024xf32> -> vector<512x1024xf32>
      %mul3A_41 = arith.constant 512 : i32
      %mul3A_42 = arith.muli %get3A_10, %mul3A_41 : i32
      %iota3A = tpu.iota {dimensions = array<i32: 0>} : vector<512x1xi32>
      %add3A = vector.broadcast %mul3A_42 : i32 to vector<512x1xi32>
      %add3A_43 = arith.addi %add3A, %iota3A : vector<512x1xi32>
      %ge3A = vector.broadcast %get3A_1 : i32 to vector<512x1xi32>
      %ge3A_44 = arith.cmpi sge, %add3A_43, %ge3A : vector<512x1xi32>
      %lt3A = vector.broadcast %get3A_4 : i32 to vector<512x1xi32>
      %lt3A_45 = arith.cmpi slt, %add3A_43, %lt3A : vector<512x1xi32>
      %and3A = arith.andi %ge3A_44, %lt3A_45 : vector<512x1xi1>
      %jit3A = arith.constant 0.000000e+00 : f32
      %broadcast_in_dim3A = vector.shape_cast %and3A : vector<512x1xi1> to vector<512x1xi1>
      %broadcast_in_dim3A_46 = vector.broadcast %broadcast_in_dim3A : vector<512x1xi1> to vector<512x1024xi1>
      %broadcast_in_dim3A_47 = vector.broadcast %jit3A : f32 to vector<512x1024xf32>
      %select_n3A = arith.select %broadcast_in_dim3A_46, %dot_general3A_40, %broadcast_in_dim3A_47 : vector<512x1024xi1>, vector<512x1024xf32>
      %eq3A = arith.constant 1 : i32
      %eq3A_48 = arith.cmpi eq, %get3A_7, %eq3A : i32
      %convert_element_type3A_49 = arith.extui %eq3A_48 : i1 to i32
      %cond3A_50 = arith.constant 0 : i32
      %cond3A_51 = arith.cmpi ne, %convert_element_type3A_49, %cond3A_50 : i32
      scf.if %cond3A_51 {
        %swap3A = arith.constant 0 : index
        %swap3A_57 = arith.constant 0 : index
        %swap3A_58 = vector.load %arg6[%swap3A, %swap3A_57] : memref<512x1024xf32, #tpu.memory_space<vmem>>, vector<512x1024xf32>
        tpu.vector_store %arg6[%swap3A, %swap3A_57], %select_n3A {strides = array<i32>} : memref<512x1024xf32, #tpu.memory_space<vmem>>, vector<512x1024xf32>,
      } else {
      }
      %eq3A_52 = arith.constant 0 : i32
      %eq3A_53 = arith.cmpi eq, %get3A_7, %eq3A_52 : i32
      %convert_element_type3A_54 = arith.extui %eq3A_53 : i1 to i32
      %cond3A_55 = arith.constant 0 : i32
      %cond3A_56 = arith.cmpi ne, %convert_element_type3A_54, %cond3A_55 : i32
      scf.if %cond3A_56 {
        %get3A_57 = arith.constant 0 : index
        %get3A_58 = arith.constant 0 : index
        %get3A_59 = vector.load %arg6[%get3A_57, %get3A_58] : memref<512x1024xf32, #tpu.memory_space<vmem>>, vector<512x1024xf32>
        %add3A_60 = arith.addf %get3A_59, %select_n3A : vector<512x1024xf32>
        %swap3A = arith.constant 0 : index
        %swap3A_61 = arith.constant 0 : index
        %swap3A_62 = vector.load %arg6[%swap3A, %swap3A_61] : memref<512x1024xf32, #tpu.memory_space<vmem>>, vector<512x1024xf32>
        tpu.vector_store %arg6[%swap3A, %swap3A_61], %add3A_60 {strides = array<i32>} : memref<512x1024xf32, #tpu.memory_space<vmem>>, vector<512x1024xf32>,
      } else {
      }
    } else {
    }
    return
  }
  func.func @transform_0(%arg0: i32, %arg1: memref<5x39xi32, #tpu.memory_space<smem>>) -> (i32, i32) {
    %get3A = arith.constant 0 : index
    %get3A_0 = arith.index_cast %arg0 : i32 to index
    %get3A_1 = memref.load %arg1[%get3A, %get3A_0] : memref<5x39xi32, #tpu.memory_space<smem>>
    %c0_i32 = arith.constant 0 : i32
    %c0_i32_2 = arith.constant 0 : i32
    return %get3A_1, %c0_i32 : i32, i32
  }
  func.func @transform_1(%arg0: i32, %arg1: memref<5x39xi32, #tpu.memory_space<smem>>) -> (i32, i32, i32) {
    %get3A = arith.constant 1 : index
    %get3A_0 = arith.index_cast %arg0 : i32 to index
    %get3A_1 = memref.load %arg1[%get3A, %get3A_0] : memref<5x39xi32, #tpu.memory_space<smem>>
    %c0_i32 = arith.constant 0 : i32
    %c0_i32_2 = arith.constant 0 : i32
    %c0_i32_3 = arith.constant 0 : i32
    return %get3A_1, %c0_i32, %c0_i32_2 : i32, i32, i32
  }
  func.func @transform_2(%arg0: i32, %arg1: memref<5x39xi32, #tpu.memory_space<smem>>) -> (i32, i32, i32) {
    %get3A = arith.constant 1 : index
    %get3A_0 = arith.index_cast %arg0 : i32 to index
    %get3A_1 = memref.load %arg1[%get3A, %get3A_0] : memref<5x39xi32, #tpu.memory_space<smem>>
    %c0_i32 = arith.constant 0 : i32
    %c0_i32_2 = arith.constant 0 : i32
    %c0_i32_3 = arith.constant 0 : i32
    return %get3A_1, %c0_i32, %c0_i32_2 : i32, i32, i32
  }
  func.func @transform_3(%arg0: i32, %arg1: memref<5x39xi32, #tpu.memory_space<smem>>) -> (i32, i32, i32) {
    %get3A = arith.constant 1 : index
    %get3A_0 = arith.index_cast %arg0 : i32 to index
    %get3A_1 = memref.load %arg1[%get3A, %get3A_0] : memref<5x39xi32, #tpu.memory_space<smem>>
    %c0_i32 = arith.constant 0 : i32
    %c0_i32_2 = arith.constant 0 : i32
    %c0_i32_3 = arith.constant 0 : i32
    return %get3A_1, %c0_i32, %c0_i32_2 : i32, i32, i32
  }
  func.func @transform_4(%arg0: i32, %arg1: memref<5x39xi32, #tpu.memory_space<smem>>) -> (i32, i32) {
    %get3A = arith.constant 0 : index
    %get3A_0 = arith.index_cast %arg0 : i32 to index
    %get3A_1 = memref.load %arg1[%get3A, %get3A_0] : memref<5x39xi32, #tpu.memory_space<smem>>
    %c0_i32 = arith.constant 0 : i32
    %c0_i32_2 = arith.constant 0 : i32
    return %get3A_1, %c0_i32 : i32, i32
  }
}

</mosaic_0001>

<sc_bundles>
// kernel: kernel.5.cloned.1.call-start
scs
__scs_entry_jumppad:
0x0: {  	(pc) =	sbr.rel $0x88, $3  }
0x1: {  	(tag) =	ssettag $0x0;
	lr =	simm.s32 $0x1  }
0x2: {  	[smem:$0x3F9C] =	sst lr;
	_ =	strace $0xD0000000  }
0x3: {  	_ = 	snop  }
0x4: {  	_ = 	snop  }
0x5: {  	_ = 	snop  }
0x6: {  	_ = 	snop  }
0x7: {  	_ = 	snop  }
__scs_overlays_trampoline_lowered:
0x8: {  	[smem:$0x3FAB] =	sst s0  }
0x9: {  	[smem:$0x3FAC] =	sst s1  }
0xa: {  	[smem:$0x3FAD] =	sst s2  }
0xb: {  	[smem:$0x3FAE] =	sst s3  }
0xc: {  	[smem:$0x3FAF] =	sst s4  }
0xd: {  	[smem:$0x3FB0] =	sst s5  }
0xe: {  	[smem:$0x3FB1] =	sst s6  }
0xf: {  	[smem:$0x3FB2] =	sst s7  }
0x10: {  	[smem:$0x3FB3] =	sst s8  }
0x11: {  	[smem:$0x3FB4] =	sst s9;
	s0 =	simm.s32 @!p0 $0x0  }
0x12: {  	s1 =	sld [smem:$0x3F9A];
	s0 =	simm.s32 @p0 $0x1  }
0x13: {  	[smem:$0x3FB5] =	sst s0;
	s0 =	simm.s32 @!p1 $0x0  }
0x14: {  	s2 =	sld [smem:$0x3F99];
	s0 =	simm.s32 @p1 $0x1  }
0x15: {  	[smem:$0x3FB6] =	sst s0;
	s0 =	simm.s32 @!p2 $0x0  }
0x16: {  	s3 =	sld [smem:$0x3FDB];
	s0 =	simm.s32 @p2 $0x1  }
0x17: {  	s4 =	simm.s32 $0x1BF5;
	[smem:$0x3FB8] =	sst s0  }
0x18: {  	s0 =	sld [smem:$0x3F9B];
	_ =	swait.ge [sflag:s4], $0x0  }
0x19: {  	s7 =	sld [smem:$0x3F9C]  }
0x1a: {  	s8 =	sadd.s32 $0xFFFFE003, lr  }
0x1b: {  	s9 =	sadd.s32 $0xFFFFFEF7, lr;
	s5 =	simm.s32 $0xFFFFFFFF;
	p2 =	slt.u32 s8, $0xFFFFF086  }
0x1c: {  	p1 =	slt.u32 s9, $0xF7A;
	s5 =	simm.s32 @!p2 $0x0  }
0x1d: {  	s5 =	simm.s32 @p1 $0x1;
	p0 =	seq.s32 s7, s2  }
0x1e: {  	s7 =	smul.u32 @!p0 $0xF7A, s2;
	p2 =	seq.s32 @!p0 s5, $0x0  }
0x1f: {  	s9 =	smul.u32 $0xF7A, s1;
	s8 =	simm.s32 @!p0 $0x1BF5;
	p2 =	por !p2, p0  }
0x20: {  	[sflag:s8] =	ssyncset.s32 @!p0 $0xFFFFF086;
	s6 =	sadd.s32 @!p0 s3, s7;
	s7 =	simm.s32 @!p0 $0x108  }
0x21: {  	s3 =	sadd.s32 s3, s9;
	s6 =	sadd.s32 @!p0 $0x88, s6;
	s7 =	simm.s32 @p2 $0x1082  }
0x22: {  	[simem:s7], [sflag:s8] =	dma.local @!p0 [hbm:s6], $0xF7A  }
0x23: {  	s9 =	sor.u32 $0xD0000000, s2;
	s6 =	simm.s32 $0x108;
	_ =	swait.ge @!p0 [sflag:s8], $0x0  }
0x24: {  	s3 =	sadd.s32 $0x88, s3;
	s6 =	simm.s32 @!p1 $0x1082;
	[sflag:s4] =	ssyncset.s32 $0xFFFFF086  }
0x25: {  	[simem:s6], [sflag:s4] =	dma.local [hbm:s3], $0xF7A  }
0x26: {  	[smem:$0x3F9C] =	sst s1;
	(tag) =	ssettag s2;
	_ =	strace s9  }
0x27: {  	s1 =	sld [smem:$0x3FAC]  }
0x28: {  	s2 =	sld [smem:$0x3FAD]  }
0x29: {  	s4 =	sld [smem:$0x3FAF]  }
0x2a: {  	p0 =	seq.s32 s5, $0x0;
	s5 =	sld [smem:$0x3FB0]  }
0x2b: {  	s6 =	sld [smem:$0x3FB1]  }
0x2c: {  	s7 =	sld [smem:$0x3FB2]  }
0x2d: {  	s3 =	simm.s32 $0x108;
	s8 =	sld [smem:$0x3FB3]  }
0x2e: {  	s3 =	simm.s32 @!p0 $0x1082;
	s9 =	sld [smem:$0x3FB4]  }
0x2f: {  	lr =	sadd.s32 s0, s3;
	s0 =	sld [smem:$0x3FAB]  }
0x30: {  	s3 =	sld [smem:$0x3FAE]  }
0x31: {  	[smem:$0x3FB7] =	sst s10  }
0x32: {  	s10 =	sld [smem:$0x3FB5];
	_ =	sdelay $0x3  }
0x33: {  	p0 =	seq.s32 s10, $0x1;
	s10 =	sld [smem:$0x3FB7];
	_ =	sdelay $0x3  }
0x34: {  	[smem:$0x3FB7] =	sst s10  }
0x35: {  	s10 =	sld [smem:$0x3FB6];
	_ =	sdelay $0x3  }
0x36: {  	p1 =	seq.s32 s10, $0x1;
	s10 =	sld [smem:$0x3FB7];
	_ =	sdelay $0x3  }
0x37: {  	[smem:$0x3FB7] =	sst s10  }
0x38: {  	s10 =	sld [smem:$0x3FB8]  }
0x39: {  	_ = 	snop;
	(pc) =	sbr.ind lr, $3  }
0x3a: {  	_ = 	snop  }
0x3b: {  	_ = 	snop  }
0x3c: {  	p2 =	seq.s32 s10, $0x1;
	s10 =	sld [smem:$0x3FB7]  }
0x3d: {  	_ =	shalt  }
0x3e: {  	_ =	shalt  }
0x3f: {  	_ =	shalt  }
0x40: {  	_ =	shalt  }
0x41: {  	_ =	shalt  }
0x42: {  	_ =	shalt  }
0x43: {  	_ =	shalt  }
0x44: {  	_ =	shalt  }
0x45: {  	_ =	shalt  }
0x46: {  	_ =	shalt  }
0x47: {  	_ =	shalt  }
0x48: {  	_ =	shalt  }
0x49: {  	_ =	shalt  }
0x4a: {  	_ =	shalt  }
0x4b: {  	_ =	shalt  }
0x4c: {  	_ =	shalt  }
0x4d: {  	_ =	shalt  }
0x4e: {  	_ =	shalt  }
0x4f: {  	_ =	shalt  }
0x50: {  	_ =	shalt  }
0x51: {  	_ =	shalt  }
0x52: {  	_ =	shalt  }
0x53: {  	_ =	shalt  }
0x54: {  	_ =	shalt  }
0x55: {  	_ =	shalt  }
0x56: {  	_ =	shalt  }
0x57: {  	_ =	shalt  }
0x58: {  	_ =	shalt  }
0x59: {  	_ =	shalt  }
0x5a: {  	_ =	shalt  }
0x5b: {  	_ =	shalt  }
0x5c: {  	_ =	shalt  }
0x5d: {  	_ =	shalt  }
0x5e: {  	_ =	shalt  }
0x5f: {  	_ =	shalt  }
0x60: {  	_ =	shalt  }
0x61: {  	_ =	shalt  }
0x62: {  	_ =	shalt  }
0x63: {  	_ =	shalt  }
0x64: {  	_ =	shalt  }
0x65: {  	_ =	shalt  }
0x66: {  	_ =	shalt  }
0x67: {  	_ =	shalt  }
0x68: {  	_ =	shalt  }
0x69: {  	_ =	shalt  }
0x6a: {  	_ =	shalt  }
0x6b: {  	_ =	shalt  }
0x6c: {  	_ =	shalt  }
0x6d: {  	_ =	shalt  }
0x6e: {  	_ =	shalt  }
0x6f: {  	_ =	shalt  }
0x70: {  	_ =	shalt  }
0x71: {  	_ =	shalt  }
0x72: {  	_ =	shalt  }
0x73: {  	_ =	shalt  }
0x74: {  	_ =	shalt  }
0x75: {  	_ =	shalt  }
0x76: {  	_ =	shalt  }
0x77: {  	_ =	shalt  }
0x78: {  	_ =	shalt  }
0x79: {  	_ =	shalt  }
0x7a: {  	_ =	shalt  }
0x7b: {  	_ =	shalt  }
0x7c: {  	_ =	shalt  }
0x7d: {  	_ =	shalt  }
0x7e: {  	_ =	shalt  }
0x7f: {  	_ =	shalt  }
0x80: {  	_ =	shalt  }
0x81: {  	_ =	shalt  }
0x82: {  	_ =	shalt  }
0x83: {  	_ =	shalt  }
0x84: {  	_ =	shalt  }
0x85: {  	_ =	shalt  }
0x86: {  	_ =	shalt  }
0x87: {  	_ =	shalt  }
.Lfunc_end0:
.L_simem_size_0:
called_computation_lowered:
.L_overlay_start_0:
0x88: {  	s2 =	sld [smem:$0x3FD9]  }
0x89: {  	s3 =	sld [smem:$0x3FFE];
	_ =	sdelay $0x1  }
0x8a: {  	s1 =	srdreg.scid  }
0x8b: {  	s0 =	sand.u32 $0x1, s1  }
0x8c: {  	s17 =	sshll.u32 s0, $0xA;
	s2 =	sadd.s32 s3, s2  }
0x8d: {  	s2 =	sadd.s32 s2, s17  }
0x8e: {  	[smem:$0x3FC3] =	sst s2  }
0x8f: {  	_ = 	snop  }
0x90: {  	s2 =	sld [smem:$0x3FC9];
	(tm) =	ssettm $0x1  }
0x91: {  	s18 =	sld [smem:$0x3FFB];
	_ =	sdelay $0x3  }
0x92: {  	_ =	strace s18  }
0x93: {  	s3 =	sld [smem:$0x3FFC];
	_ =	sdelay $0x3  }
0x94: {  	_ =	strace s3  }
0x95: {  	s3 =	sld [smem:$0x3FFD];
	_ =	sdelay $0x3  }
0x96: {  	_ =	strace s3  }
0x97: {  	_ =	strace $0x8FFFFFFF  }
0x98: {  	s19 =	sld [smem:$0x3FDB];
	_ =	sdelay $0x1  }
0x99: {  	s4 =	simm.s32 $_scs_section_size  }
0x9a: {  	s5 =	simm.s32 $_size__tile_overlayer_lowered;
	s6 =	simm.s32 $_tile_overlayer_lowered  }
0x9b: {  	s22 =	simm.s32 $0x1BFF;
	s21 =	sshll.u32 s6, $0x1;
	s3 =	sadd.s32 s4, s19  }
0x9c: {  	s7 =	simm.s32 $0x0;
	s20 =	sshll.u32 s5, $0x1;
	s5 =	sadd.s32 s21, s3  }
0x9d: {  	[timem:s7], [sflag:s22] =	dma.local [hbm:s5], s20  }
0x9e: {  	_ =	swait.ge [sflag:s22], s20  }
0x9f: {  	s4 =	ssub.s32 $0x0, s20;
	[sflag:s22] =	ssyncset.done $0x0  }
0xa0: {  	[sflag:s22] =	ssyncadd.s32 s4;
	_ =	sdelay $0x1  }
0xa1: {  	s23 =	simm.s32 $0x1B8B  }
0xa2: {  	_ =	swait.ge [sflag:s23], $0x1  }
0xa3: {  	[sflag:s23] =	ssyncset.done $0x0  }
0xa4: {  	s25 =	simm.s32 $0x1B8E;
	s24 =	sld [smem:$0x3FFE];
	[sflag:s23] =	ssyncadd.s32 $0xFFFFFFFF  }
0xa5: {  	s26 =	simm.s32 $execute0_lowered;
	[smem:$0x3FD2] =	sst s25  }
0xa6: {  	s5 =	sshll.u32 s26, $0x1;
	_ =	strace $0x80000046;
	[dreg:$0x1] =	wrdreg $0xFFFFFFFF  }
0xa7: {  	s28 =	simm.s32 $_size_execute0_lowered;
	s3 =	sadd.s32 s3, s5;
	[dreg:$0x0] =	wrdreg $0x0  }
0xa8: {  	s5 =	sshll.u32 s28, $0x1;
	[dreg:$0x2] =	wrdreg s3  }
0xa9: {  	[dreg:$0x3] =	wrdreg s5  }
0xaa: {  	[dreg:$0x4] =	wrdreg $0xC0  }
0xab: {  	_ =	task [dreg:s7], $0x5FFFF  }
0xac: {  	[dreg:$0x1] =	wrdreg $0xFFFFFFFF  }
0xad: {  	[dreg:$0x0] =	wrdreg $0x60  }
0xae: {  	[dreg:$0x2] =	wrdreg s2  }
0xaf: {  	[dreg:$0x3] =	wrdreg s24  }
0xb0: {  	[dreg:$0x4] =	wrdreg $0x9  }
0xb1: {  	_ =	task.clear_ibuf [dreg:s7], $0x5FFFF;
	_ =	strace $0x90000046  }
0xb2: {  	s29 =	simm.s32 $0x9;
	_ =	strace $0x80000048  }
0xb3: {  	_ =	swait.ge [sflag:s29], $0x1  }
0xb4: {  	[sflag:s29] =	ssyncadd.s32 $0xFFFFFFFF  }
0xb5: {  	_ =	strace $0x90000048  }
0xb6: {  	_ =	sfence  }
0xb7: {  	s30 =	sld [smem:$0x0];
	_ =	sdelay $0x2  }
0xb8: {  	s31 =	sshll.u32 s1, $0xD;
	s1 =	sshrl.u32 s1, $0x2  }
0xb9: {  	s3 =	sand.u32 $0x4000, s31;
	s1 =	sadd.s32 s1, s30  }
0xba: {  	s0 =	sor.u32 s3, s0;
	s1 =	sshll.u32 s1, $0x11  }
0xbb: {  	s0 =	sor.u32 s1, s0  }
0xbc: {  	s0 =	sadd.s32 $0x8F2B, s0  }
0xbd: {  	[sflag:s0] =	ssyncadd.remote.s32 $0x1  }
0xbe: {  	_ =	sfence.sel $0xFFFF  }
0xbf: {  	[dreg:$0x0] =	wrdreg $0xFFFFFFFF;
	(pc) =	sbr.abs _section_cstart, $3  }
0xc0: {  	[dreg:$0x1] =	wrdreg $0xFFFFFFFF  }
0xc1: {  	_ =	task.clear_ibuf [dreg:s7], $0x2FFFF;
	_ =	strace $0x9FFFFFFF  }
0xc2: {  	(tm) =	ssettm $0x7FFFFFFF  }
0xc3: {  	_ =	shalt  }
tec
execute0_lowered:
.L_overlay_start_1:
0x0: {  	(tag) =	ssettag $0x1  }
0x1: {  	s0 =	rddreg [dreg:$0x0]  }
0x2: {  	s7 =	rddreg [dreg:$0x1];
	s1 =	srdreg.scid  }
0x3: {  	s2 =	simm.s32 $0x0;
	s9 =	stileid.u32;
	s30 =	simm.s32 $0x10000  }
0x4: {  	s31 =	simm.s32 $0x10080;
	s11 =	simm.s32 $0x2;
	s12 =	simm.s32 $0xD000  }
0x5: {  	s13 =	simm.s32 $0xD800;
	s14 =	simm.s32 $0xE000;
	s15 =	simm.s32 $0xE800  }
0x6: {  	s16 =	simm.s32 $0xF000;
	s17 =	simm.s32 $0xF800;
	s18 =	simm.s32 $0x1  }
0x7: {  	s1 =	sand.u32 $0x1, s1;
	[smem:$0x7FF] =	sst s2;
	s4 =	sadd.s32 $0x800, s7  }
0x8: {  	s6 =	sadd.s32 $0xA00, s7;
	s8 =	sshll.u32 s9, $0x10;
	s29 =	sshll.u32 s9, $0xA  }
0x9: {  	s3 =	ssub.s32 $0x2, s1;
	_ =	strace $0x80000047;
	s0 =	sadd.s32 s8, s0  }
0xa: {  	s28 =	sshll.u32 s1, $0xF;
	s1 =	sshll.u32 s1, $0x9;
	[dreg:$0x3] =	wrdreg s30  }
0xb: {  	[dreg:$0x4] =	wrdreg s31;
	s5 =	sshrl.u32 s3, $0x1;
	s0 =	sadd.s32 s28, s0  }
0xc: {  	v2 =	vlaneseq.u32;
	s3 =	ssub.s32 s3, s5;
	[dreg:$0x6] =	wrdreg s0;
	s0 =	sor.u32 s1, s29  }
0xd: {  	vm0 =	vmmov $0xffff;
	v1 =	vshrl.u32 v2, $0x3;
	s5 =	sadd.s32 $0x900, s7;
	s3 =	smax.u32 s3, $0x1;
	[dreg:$0x7] =	wrdreg s0  }
0xe: {  	v0 =	vand.u32 $0x7, v2;
	v2 =	vor.u32 $0x8, v2;
	v1 =	vmul.u32 $0x8, v1;
	s7 =	sadd.s32 $0xB00, s7;
	s0 =	simm.s32 $0x0;
	[dreg:$0x5] =	wrdreg s3  }
.LBB2_1:
0xf: {  	[dreg:$0x8] =	wrdreg s0  }
0x10: {  	s19 =	rddreg [dreg:$0x7]  }
0x11: {  	s20 =	rddreg [dreg:$0x6]  }
0x12: {  	s21 =	simm.s32 $0x0;
	s24 =	rddreg [dreg:$0x1]  }
.LBB2_2:
0x13: {  	s22 =	sand.u32 $0x3F00, s19;
	s23 =	sand.u32 $0x40, s21  }
0x14: {  	s22 =	sor.u32 s23, s22  }
0x15: {  	s22 =	sshrl.u32 s22, $0x3  }
0x16: {  	s23 =	rddreg [dreg:$0x3];
	s22 =	sadd.s32 s24, s22  }
0x17: {  	[tilespmem:s23], [sflag:$0x2] =	stream.linear.gather [hbm4b:s22+s2], $0x40, $0x38;
	[tilespmem:$0x10100] =	vst v63  }
0x18: {  	s23 =	sor.u32 s21, s19  }
0x19: {  	_ =	swait.ge [sflag:s11], $0x40;
	s22 =	sshrl.u32 s23, $0x3  }
0x1a: {  	[sflag:s11] =	ssyncset.done $0x0;
	s22 =	sor.u32 $0x10, s22  }
0x1b: {  	s23 =	rddreg [dreg:$0x4];
	[sflag:s11] =	ssyncadd.s32 $0xFFFFFFC0;
	s22 =	sadd.s32 s24, s22  }
0x1c: {  	[tilespmem:s23], [sflag:$0x2] =	stream.linear.gather [hbm4b:s22+s2], $0x40, $0x38;
	[tilespmem:$0x10100] =	vst v63  }
0x1d: {  	_ =	swait.ge [sflag:s11], $0x40  }
0x1e: {  	[sflag:s11] =	ssyncset.done $0x0  }
0x1f: {  	[sflag:s11] =	ssyncadd.s32 $0xFFFFFFC0  }
0x20: {  	[tilespmem:s2], [sflag:$0x2] =	stream.linear.gather [hbm4b:s20+s2], $0x10000, $0x38;
	[tilespmem:$0x10100] =	vst v63  }
0x21: {  	_ =	swait.ge [sflag:s11], $0x10000  }
0x22: {  	[sflag:s11] =	ssyncset.done $0x0  }
0x23: {  	[sflag:s11] =	ssyncadd.s32 $0xFFFF0000  }
0x24: {  	v3 =	vld [tilespmem:$0x10000];
	_ =	sdelay $0x4  }
0x25: {  	v4 =	vshll.u32 v3, $0x3  }
0x26: {  	v3 =	vand.u32 $0x7, v3;
	v4 =	vand.u32 $0xFFFFFFC0, v4  }
0x27: {  	v3 =	vor.u32 v3, v4  }
0x28: {  	v4 =	vperm.xlane v3, v0;
	_ =	sdelay $0x1  }
0x29: {  	v4 =	vadd.s32 v1, v4;
	_ =	sdelay $0x4  }
0x2a: {  	[hbm4b:s4+s2] =	stream.indirect_vreg.scatter [tilespmem:s2], [sflag:$0x1], $0x80, v4, vm0, $0xb8;
	[tilespmem:$0x10100] =	vst v63  }
0x2b: {  	s22 =	simm.s32 $0x800;
	v3 =	vperm.xlane v3, v2  }
0x2c: {  	[hbm4b:s5+s2] =	stream.indirect_vreg.scatter [tilespmem:s22], [sflag:$0x1], $0x80, v4, vm0, $0xb8;
	[tilespmem:$0x10100] =	vst v63  }
0x2d: {  	s23 =	simm.s32 $0x1000;
	v3 =	vadd.s32 v1, v3  }
0x2e: {  	[hbm4b:s6+s2] =	stream.indirect_vreg.scatter [tilespmem:s23], [sflag:$0x1], $0x80, v4, vm0, $0xb8;
	[tilespmem:$0x10100] =	vst v63  }
0x2f: {  	s25 =	simm.s32 $0x1800  }
0x30: {  	[hbm4b:s7+s2] =	stream.indirect_vreg.scatter [tilespmem:s25], [sflag:$0x1], $0x80, v4, vm0, $0xb8;
	[tilespmem:$0x10100] =	vst v63  }
0x31: {  	s25 =	simm.s32 $0x2000  }
0x32: {  	[hbm4b:s4+s2] =	stream.indirect_vreg.scatter [tilespmem:s25], [sflag:$0x1], $0x80, v3, vm0, $0xb8;
	[tilespmem:$0x10100] =	vst v63  }
0x33: {  	s26 =	simm.s32 $0x2800  }
0x34: {  	[hbm4b:s5+s2] =	stream.indirect_vreg.scatter [tilespmem:s26], [sflag:$0x1], $0x80, v3, vm0, $0xb8;
	[tilespmem:$0x10100] =	vst v63  }
0x35: {  	s26 =	simm.s32 $0x3000  }
0x36: {  	[hbm4b:s6+s2] =	stream.indirect_vreg.scatter [tilespmem:s26], [sflag:$0x1], $0x80, v3, vm0, $0xb8;
	[tilespmem:$0x10100] =	vst v63  }
0x37: {  	s28 =	simm.s32 $0x3800  }
0x38: {  	[hbm4b:s7+s2] =	stream.indirect_vreg.scatter [tilespmem:s28], [sflag:$0x1], $0x80, v3, vm0, $0xb8;
	[tilespmem:$0x10100] =	vst v63  }
0x39: {  	v3 =	vld [tilespmem:$0x10010];
	_ =	sdelay $0x4  }
0x3a: {  	v57 =	vshll.u32 v3, $0x3  }
0x3b: {  	v3 =	vand.u32 $0x7, v3;
	v4 =	vand.u32 $0xFFFFFFC0, v57  }
0x3c: {  	v3 =	vor.u32 v3, v4  }
0x3d: {  	v4 =	vperm.xlane v3, v0;
	_ =	sdelay $0x1  }
0x3e: {  	v4 =	vadd.s32 v1, v4;
	_ =	sdelay $0x3  }
0x3f: {  	s28 =	simm.s32 $0x4000  }
0x40: {  	[hbm4b:s4+s2] =	stream.indirect_vreg.scatter [tilespmem:s28], [sflag:$0x1], $0x80, v4, vm0, $0xb8;
	[tilespmem:$0x10100] =	vst v63  }
0x41: {  	s29 =	simm.s32 $0x4800;
	v3 =	vperm.xlane v3, v2  }
0x42: {  	[hbm4b:s5+s2] =	stream.indirect_vreg.scatter [tilespmem:s29], [sflag:$0x1], $0x80, v4, vm0, $0xb8;
	[tilespmem:$0x10100] =	vst v63  }
0x43: {  	v3 =	vadd.s32 v1, v3;
	s29 =	simm.s32 $0x5000  }
0x44: {  	[hbm4b:s6+s2] =	stream.indirect_vreg.scatter [tilespmem:s29], [sflag:$0x1], $0x80, v4, vm0, $0xb8;
	[tilespmem:$0x10100] =	vst v63  }
0x45: {  	s30 =	simm.s32 $0x5800  }
0x46: {  	[hbm4b:s7+s2] =	stream.indirect_vreg.scatter [tilespmem:s30], [sflag:$0x1], $0x80, v4, vm0, $0xb8;
	[tilespmem:$0x10100] =	vst v63  }
0x47: {  	s30 =	simm.s32 $0x6000  }
0x48: {  	[hbm4b:s4+s2] =	stream.indirect_vreg.scatter [tilespmem:s30], [sflag:$0x1], $0x80, v3, vm0, $0xb8;
	[tilespmem:$0x10100] =	vst v63  }
0x49: {  	s31 =	simm.s32 $0x6800  }
0x4a: {  	[hbm4b:s5+s2] =	stream.indirect_vreg.scatter [tilespmem:s31], [sflag:$0x1], $0x80, v3, vm0, $0xb8;
	[tilespmem:$0x10100] =	vst v63  }
0x4b: {  	s31 =	simm.s32 $0x7000  }
0x4c: {  	[hbm4b:s6+s2] =	stream.indirect_vreg.scatter [tilespmem:s31], [sflag:$0x1], $0x80, v3, vm0, $0xb8;
	[tilespmem:$0x10100] =	vst v63  }
0x4d: {  	s0 =	simm.s32 $0x7800  }
0x4e: {  	[hbm4b:s7+s2] =	stream.indirect_vreg.scatter [tilespmem:s0], [sflag:$0x1], $0x80, v3, vm0, $0xb8;
	[tilespmem:$0x10100] =	vst v63  }
0x4f: {  	v3 =	vld [tilespmem:$0x10020];
	_ =	sdelay $0x4  }
0x50: {  	v58 =	vshll.u32 v3, $0x3  }
0x51: {  	v3 =	vand.u32 $0x7, v3;
	v4 =	vand.u32 $0xFFFFFFC0, v58  }
0x52: {  	v3 =	vor.u32 v3, v4  }
0x53: {  	v4 =	vperm.xlane v3, v0;
	_ =	sdelay $0x1  }
0x54: {  	v4 =	vadd.s32 v1, v4;
	_ =	sdelay $0x3  }
0x55: {  	s3 =	simm.s32 $0x8000  }
0x56: {  	[hbm4b:s4+s2] =	stream.indirect_vreg.scatter [tilespmem:s3], [sflag:$0x1], $0x80, v4, vm0, $0xb8;
	[tilespmem:$0x10100] =	vst v63  }
0x57: {  	v3 =	vperm.xlane v3, v2;
	s3 =	simm.s32 $0x8800  }
0x58: {  	[hbm4b:s5+s2] =	stream.indirect_vreg.scatter [tilespmem:s3], [sflag:$0x1], $0x80, v4, vm0, $0xb8;
	[tilespmem:$0x10100] =	vst v63  }
0x59: {  	s8 =	simm.s32 $0x9000;
	v3 =	vadd.s32 v1, v3  }
0x5a: {  	[hbm4b:s6+s2] =	stream.indirect_vreg.scatter [tilespmem:s8], [sflag:$0x1], $0x80, v4, vm0, $0xb8;
	[tilespmem:$0x10100] =	vst v63  }
0x5b: {  	s8 =	simm.s32 $0x9800  }
0x5c: {  	[hbm4b:s7+s2] =	stream.indirect_vreg.scatter [tilespmem:s8], [sflag:$0x1], $0x80, v4, vm0, $0xb8;
	[tilespmem:$0x10100] =	vst v63  }
0x5d: {  	s9 =	simm.s32 $0xA000  }
0x5e: {  	[hbm4b:s4+s2] =	stream.indirect_vreg.scatter [tilespmem:s9], [sflag:$0x1], $0x80, v3, vm0, $0xb8;
	[tilespmem:$0x10100] =	vst v63  }
0x5f: {  	s9 =	simm.s32 $0xA800  }
0x60: {  	[hbm4b:s5+s2] =	stream.indirect_vreg.scatter [tilespmem:s9], [sflag:$0x1], $0x80, v3, vm0, $0xb8;
	[tilespmem:$0x10100] =	vst v63  }
0x61: {  	s10 =	simm.s32 $0xB000  }
0x62: {  	[hbm4b:s6+s2] =	stream.indirect_vreg.scatter [tilespmem:s10], [sflag:$0x1], $0x80, v3, vm0, $0xb8;
	[tilespmem:$0x10100] =	vst v63  }
0x63: {  	s10 =	simm.s32 $0xB800  }
0x64: {  	[hbm4b:s7+s2] =	stream.indirect_vreg.scatter [tilespmem:s10], [sflag:$0x1], $0x80, v3, vm0, $0xb8;
	[tilespmem:$0x10100] =	vst v63  }
0x65: {  	v3 =	vld [tilespmem:$0x10030];
	_ =	sdelay $0x4  }
0x66: {  	v59 =	vshll.u32 v3, $0x3  }
0x67: {  	v3 =	vand.u32 $0x7, v3;
	v4 =	vand.u32 $0xFFFFFFC0, v59  }
0x68: {  	v3 =	vor.u32 v3, v4  }
0x69: {  	v4 =	vperm.xlane v3, v0;
	_ =	sdelay $0x1  }
0x6a: {  	v4 =	vadd.s32 v1, v4;
	_ =	sdelay $0x3  }
0x6b: {  	s1 =	simm.s32 $0xC000  }
0x6c: {  	[hbm4b:s4+s2] =	stream.indirect_vreg.scatter [tilespmem:s1], [sflag:$0x1], $0x80, v4, vm0, $0xb8;
	[tilespmem:$0x10100] =	vst v63  }
0x6d: {  	v3 =	vperm.xlane v3, v2;
	s1 =	simm.s32 $0xC800  }
0x6e: {  	[hbm4b:s5+s2] =	stream.indirect_vreg.scatter [tilespmem:s1], [sflag:$0x1], $0x80, v4, vm0, $0xb8;
	[tilespmem:$0x10100] =	vst v63  }
0x6f: {  	v3 =	vadd.s32 v1, v3  }
0x70: {  	[hbm4b:s6+s2] =	stream.indirect_vreg.scatter [tilespmem:s12], [sflag:$0x1], $0x80, v4, vm0, $0xb8;
	[tilespmem:$0x10100] =	vst v63  }
0x71: {  	_ = 	snop  }
0x72: {  	[hbm4b:s7+s2] =	stream.indirect_vreg.scatter [tilespmem:s13], [sflag:$0x1], $0x80, v4, vm0, $0xb8;
	[tilespmem:$0x10100] =	vst v63  }
0x73: {  	_ = 	snop  }
0x74: {  	[hbm4b:s4+s2] =	stream.indirect_vreg.scatter [tilespmem:s14], [sflag:$0x1], $0x80, v3, vm0, $0xb8;
	[tilespmem:$0x10100] =	vst v63  }
0x75: {  	_ = 	snop  }
0x76: {  	[hbm4b:s5+s2] =	stream.indirect_vreg.scatter [tilespmem:s15], [sflag:$0x1], $0x80, v3, vm0, $0xb8;
	[tilespmem:$0x10100] =	vst v63  }
0x77: {  	_ = 	snop  }
0x78: {  	[hbm4b:s6+s2] =	stream.indirect_vreg.scatter [tilespmem:s16], [sflag:$0x1], $0x80, v3, vm0, $0xb8;
	[tilespmem:$0x10100] =	vst v63  }
0x79: {  	_ = 	snop  }
0x7a: {  	[hbm4b:s7+s2] =	stream.indirect_vreg.scatter [tilespmem:s17], [sflag:$0x1], $0x80, v3, vm0, $0xb8;
	[tilespmem:$0x10100] =	vst v63  }
0x7b: {  	v3 =	vld [tilespmem:$0x10080];
	_ =	sdelay $0x4  }
0x7c: {  	v60 =	vshll.u32 v3, $0x3  }
0x7d: {  	v3 =	vand.u32 $0x7, v3;
	v4 =	vand.u32 $0xFFFFFFC0, v60  }
0x7e: {  	v3 =	vor.u32 v3, v4  }
0x7f: {  	v4 =	vperm.xlane v3, v0;
	_ =	sdelay $0x1  }
0x80: {  	v4 =	vadd.s32 v1, v4;
	_ =	sdelay $0x4  }
0x81: {  	[hbm4b:s4+s2] =	stream.indirect_vreg.scatter [tilespmem:s2], [sflag:$0x1], $0x80, v4, vm0, $0xb8;
	[tilespmem:$0x10100] =	vst v63  }
0x82: {  	v3 =	vperm.xlane v3, v2  }
0x83: {  	[hbm4b:s5+s2] =	stream.indirect_vreg.scatter [tilespmem:s22], [sflag:$0x1], $0x80, v4, vm0, $0xb8;
	[tilespmem:$0x10100] =	vst v63  }
0x84: {  	v3 =	vadd.s32 v1, v3  }
0x85: {  	[hbm4b:s6+s2] =	stream.indirect_vreg.scatter [tilespmem:s23], [sflag:$0x1], $0x80, v4, vm0, $0xb8;
	[tilespmem:$0x10100] =	vst v63  }
0x86: {  	s0 =	simm.s32 $0x1800  }
0x87: {  	[hbm4b:s7+s2] =	stream.indirect_vreg.scatter [tilespmem:s0], [sflag:$0x1], $0x80, v4, vm0, $0xb8;
	[tilespmem:$0x10100] =	vst v63  }
0x88: {  	_ = 	snop  }
0x89: {  	[hbm4b:s4+s2] =	stream.indirect_vreg.scatter [tilespmem:s25], [sflag:$0x1], $0x80, v3, vm0, $0xb8;
	[tilespmem:$0x10100] =	vst v63  }
0x8a: {  	s23 =	simm.s32 $0x2800  }
0x8b: {  	[hbm4b:s5+s2] =	stream.indirect_vreg.scatter [tilespmem:s23], [sflag:$0x1], $0x80, v3, vm0, $0xb8;
	[tilespmem:$0x10100] =	vst v63  }
0x8c: {  	_ = 	snop  }
0x8d: {  	[hbm4b:s6+s2] =	stream.indirect_vreg.scatter [tilespmem:s26], [sflag:$0x1], $0x80, v3, vm0, $0xb8;
	[tilespmem:$0x10100] =	vst v63  }
0x8e: {  	s25 =	simm.s32 $0x3800  }
0x8f: {  	[hbm4b:s7+s2] =	stream.indirect_vreg.scatter [tilespmem:s25], [sflag:$0x1], $0x80, v3, vm0, $0xb8;
	[tilespmem:$0x10100] =	vst v63  }
0x90: {  	v3 =	vld [tilespmem:$0x10090];
	_ =	sdelay $0x4  }
0x91: {  	v61 =	vshll.u32 v3, $0x3  }
0x92: {  	v3 =	vand.u32 $0x7, v3;
	v4 =	vand.u32 $0xFFFFFFC0, v61  }
0x93: {  	v3 =	vor.u32 v3, v4  }
0x94: {  	v4 =	vperm.xlane v3, v0;
	_ =	sdelay $0x1  }
0x95: {  	v4 =	vadd.s32 v1, v4;
	_ =	sdelay $0x4  }
0x96: {  	[hbm4b:s4+s2] =	stream.indirect_vreg.scatter [tilespmem:s28], [sflag:$0x1], $0x80, v4, vm0, $0xb8;
	[tilespmem:$0x10100] =	vst v63  }
0x97: {  	s26 =	simm.s32 $0x4800;
	v3 =	vperm.xlane v3, v2  }
0x98: {  	[hbm4b:s5+s2] =	stream.indirect_vreg.scatter [tilespmem:s26], [sflag:$0x1], $0x80, v4, vm0, $0xb8;
	[tilespmem:$0x10100] =	vst v63  }
0x99: {  	v3 =	vadd.s32 v1, v3  }
0x9a: {  	[hbm4b:s6+s2] =	stream.indirect_vreg.scatter [tilespmem:s29], [sflag:$0x1], $0x80, v4, vm0, $0xb8;
	[tilespmem:$0x10100] =	vst v63  }
0x9b: {  	s0 =	simm.s32 $0x5800  }
0x9c: {  	[hbm4b:s7+s2] =	stream.indirect_vreg.scatter [tilespmem:s0], [sflag:$0x1], $0x80, v4, vm0, $0xb8;
	[tilespmem:$0x10100] =	vst v63  }
0x9d: {  	_ = 	snop  }
0x9e: {  	[hbm4b:s4+s2] =	stream.indirect_vreg.scatter [tilespmem:s30], [sflag:$0x1], $0x80, v3, vm0, $0xb8;
	[tilespmem:$0x10100] =	vst v63  }
0x9f: {  	s23 =	simm.s32 $0x6800  }
0xa0: {  	[hbm4b:s5+s2] =	stream.indirect_vreg.scatter [tilespmem:s23], [sflag:$0x1], $0x80, v3, vm0, $0xb8;
	[tilespmem:$0x10100] =	vst v63  }
0xa1: {  	_ = 	snop  }
0xa2: {  	[hbm4b:s6+s2] =	stream.indirect_vreg.scatter [tilespmem:s31], [sflag:$0x1], $0x80, v3, vm0, $0xb8;
	[tilespmem:$0x10100] =	vst v63  }
0xa3: {  	s25 =	simm.s32 $0x7800  }
0xa4: {  	[hbm4b:s7+s2] =	stream.indirect_vreg.scatter [tilespmem:s25], [sflag:$0x1], $0x80, v3, vm0, $0xb8;
	[tilespmem:$0x10100] =	vst v63  }
0xa5: {  	v3 =	vld [tilespmem:$0x100A0];
	_ =	sdelay $0x4  }
0xa6: {  	v62 =	vshll.u32 v3, $0x3  }
0xa7: {  	v3 =	vand.u32 $0x7, v3;
	v4 =	vand.u32 $0xFFFFFFC0, v62  }
0xa8: {  	v3 =	vor.u32 v3, v4  }
0xa9: {  	v4 =	vperm.xlane v3, v0;
	_ =	sdelay $0x1  }
0xaa: {  	v4 =	vadd.s32 v1, v4;
	_ =	sdelay $0x3  }
0xab: {  	s26 =	simm.s32 $0x8000  }
0xac: {  	[hbm4b:s4+s2] =	stream.indirect_vreg.scatter [tilespmem:s26], [sflag:$0x1], $0x80, v4, vm0, $0xb8;
	[tilespmem:$0x10100] =	vst v63  }
0xad: {  	v3 =	vperm.xlane v3, v2  }
0xae: {  	[hbm4b:s5+s2] =	stream.indirect_vreg.scatter [tilespmem:s3], [sflag:$0x1], $0x80, v4, vm0, $0xb8;
	[tilespmem:$0x10100] =	vst v63  }
0xaf: {  	s28 =	simm.s32 $0x9000;
	v3 =	vadd.s32 v1, v3  }
0xb0: {  	[hbm4b:s6+s2] =	stream.indirect_vreg.scatter [tilespmem:s28], [sflag:$0x1], $0x80, v4, vm0, $0xb8;
	[tilespmem:$0x10100] =	vst v63  }
0xb1: {  	_ = 	snop  }
0xb2: {  	[hbm4b:s7+s2] =	stream.indirect_vreg.scatter [tilespmem:s8], [sflag:$0x1], $0x80, v4, vm0, $0xb8;
	[tilespmem:$0x10100] =	vst v63  }
0xb3: {  	s29 =	simm.s32 $0xA000  }
0xb4: {  	[hbm4b:s4+s2] =	stream.indirect_vreg.scatter [tilespmem:s29], [sflag:$0x1], $0x80, v3, vm0, $0xb8;
	[tilespmem:$0x10100] =	vst v63  }
0xb5: {  	_ = 	snop  }
0xb6: {  	[hbm4b:s5+s2] =	stream.indirect_vreg.scatter [tilespmem:s9], [sflag:$0x1], $0x80, v3, vm0, $0xb8;
	[tilespmem:$0x10100] =	vst v63  }
0xb7: {  	s30 =	simm.s32 $0xB000  }
0xb8: {  	[hbm4b:s6+s2] =	stream.indirect_vreg.scatter [tilespmem:s30], [sflag:$0x1], $0x80, v3, vm0, $0xb8;
	[tilespmem:$0x10100] =	vst v63  }
0xb9: {  	_ = 	snop  }
0xba: {  	[hbm4b:s7+s2] =	stream.indirect_vreg.scatter [tilespmem:s10], [sflag:$0x1], $0x80, v3, vm0, $0xb8;
	[tilespmem:$0x10100] =	vst v63  }
0xbb: {  	v3 =	vld [tilespmem:$0x100B0];
	_ =	sdelay $0x4  }
0xbc: {  	v63 =	vshll.u32 v3, $0x3  }
0xbd: {  	v3 =	vand.u32 $0x7, v3;
	v4 =	vand.u32 $0xFFFFFFC0, v63  }
0xbe: {  	v3 =	vor.u32 v3, v4  }
0xbf: {  	v4 =	vperm.xlane v3, v0;
	_ =	sdelay $0x1  }
0xc0: {  	v4 =	vadd.s32 v1, v4;
	_ =	sdelay $0x3  }
0xc1: {  	s31 =	simm.s32 $0xC000  }
0xc2: {  	[hbm4b:s4+s2] =	stream.indirect_vreg.scatter [tilespmem:s31], [sflag:$0x1], $0x80, v4, vm0, $0xb8;
	[tilespmem:$0x10100] =	vst v63  }
0xc3: {  	v3 =	vperm.xlane v3, v2  }
0xc4: {  	[hbm4b:s5+s2] =	stream.indirect_vreg.scatter [tilespmem:s1], [sflag:$0x1], $0x80, v4, vm0, $0xb8;
	[tilespmem:$0x10100] =	vst v63  }
0xc5: {  	v3 =	vadd.s32 v1, v3  }
0xc6: {  	[hbm4b:s6+s2] =	stream.indirect_vreg.scatter [tilespmem:s12], [sflag:$0x1], $0x80, v4, vm0, $0xb8;
	[tilespmem:$0x10100] =	vst v63  }
0xc7: {  	_ = 	snop  }
0xc8: {  	[hbm4b:s7+s2] =	stream.indirect_vreg.scatter [tilespmem:s13], [sflag:$0x1], $0x80, v4, vm0, $0xb8;
	[tilespmem:$0x10100] =	vst v63  }
0xc9: {  	_ = 	snop  }
0xca: {  	[hbm4b:s4+s2] =	stream.indirect_vreg.scatter [tilespmem:s14], [sflag:$0x1], $0x80, v3, vm0, $0xb8;
	[tilespmem:$0x10100] =	vst v63  }
0xcb: {  	_ = 	snop  }
0xcc: {  	[hbm4b:s5+s2] =	stream.indirect_vreg.scatter [tilespmem:s15], [sflag:$0x1], $0x80, v3, vm0, $0xb8;
	[tilespmem:$0x10100] =	vst v63  }
0xcd: {  	_ = 	snop  }
0xce: {  	[hbm4b:s6+s2] =	stream.indirect_vreg.scatter [tilespmem:s16], [sflag:$0x1], $0x80, v3, vm0, $0xb8;
	[tilespmem:$0x10100] =	vst v63  }
0xcf: {  	_ = 	snop  }
0xd0: {  	[hbm4b:s7+s2] =	stream.indirect_vreg.scatter [tilespmem:s17], [sflag:$0x1], $0x80, v3, vm0, $0xb8;
	[tilespmem:$0x10100] =	vst v63  }
0xd1: {  	p0 =	sne.s32 s21, $0xC0;
	_ =	swait.ge [sflag:s18], $0x10000  }
.Ltmp0:
0xd2: {  	[sflag:s18] =	ssyncset.done $0x0;
	(pc) =	sbr.rel @p0 .LBB2_2-.Ltmp0, $4  }
0xd3: {  	[sflag:s18] =	ssyncadd.s32 $0xFFFF0000  }
0xd4: {  	_ =	swait.ge [sflag:s18], $0x10000  }
0xd5: {  	s19 =	sadd.s32 $0x80, s19;
	[sflag:s18] =	ssyncset.done $0x0  }
0xd6: {  	s21 =	sadd.s32 $0x40, s21;
	s20 =	sadd.s32 $0x2000, s20;
	[sflag:s18] =	ssyncadd.s32 $0xFFFF0000  }
0xd7: {  	s0 =	rddreg [dreg:$0x8]  }
0xd8: {  	s19 =	rddreg [dreg:$0x5];
	s0 =	sadd.s32 $0x1, s0  }
0xd9: {  	p0 =	sne.s32 s0, s19  }
.Ltmp1:
0xda: {  	_ = 	snop;
	(pc) =	sbr.rel @p0 .LBB2_1-.Ltmp1, $1  }
0xdb: {  	_ =	sdelay $0x3  }
0xdc: {  	_ =	sfence.sel $0x180000  }
0xdd: {  	[bflag:$0x0] =	sbarrier.arrive $0xFFFF  }
0xde: {  	_ =	strace $0x90000047  }
0xdf: {  	s0 =	stileid.u32;
	[bflag:$0x2] =	sbarrier.arrive $0xFFFF  }
0xe0: {  	p0 =	sne.s32 s0, $0x0;
	s0 =	rddreg [dreg:$0x2]  }
0xe1: {  	s0 =	sadd.s32 @!p0 $0x100000, s0  }
0xe2: {  	[sflag:s0] =	ssyncadd.tile.s32 @!p0 $0x1;
	_ =	shalt  }
.Lfunc_end2:
_tile_overlayer_lowered:
.L_overlay_start_2:
0xe3: {  	(tag) =	ssettag $0x2  }
0xe4: {  	s0 =	rddreg [dreg:$0x0];
	s2 =	stileid.u32  }
0xe5: {  	s1 =	rddreg [dreg:$0x1];
	p0 =	sne.s32 s2, $0x0  }
0xe6: {  	s3 =	rddreg [dreg:$0x2];
	[bflag:$0x3] =	sbarrier.arrive $0xFFFF;
	s2 =	simm.s32 @!p0 $0x1C02  }
0xe7: {  	[timem:s3], [sflag:s2] =	dma.local @!p0 [hbm:s0], s1  }
0xe8: {  	s0 =	simm.s32 @!p0 $0x2  }
0xe9: {  	_ =	swait.ge @!p0 [sflag:s0], s1  }
0xea: {  	s1 =	ssub.s32 @!p0 $0x0, s1;
	[sflag:s0] =	ssyncset.done @!p0 $0x0  }
0xeb: {  	[sflag:s0] =	ssyncadd.s32 @!p0 s1  }
0xec: {  	[bflag:$0x3] =	sbarrier.arrive $0xFFFF  }
0xed: {  	_ =	shalt  }

// kernel: kernel.8.cloned.1.call-start
scs
__scs_entry_jumppad:
0x0: {  	(pc) =	sbr.rel $0x88, $3  }
0x1: {  	(tag) =	ssettag $0x0;
	lr =	simm.s32 $0x1  }
0x2: {  	[smem:$0x3F9C] =	sst lr;
	_ =	strace $0xD0000000  }
0x3: {  	_ = 	snop  }
0x4: {  	_ = 	snop  }
0x5: {  	_ = 	snop  }
0x6: {  	_ = 	snop  }
0x7: {  	_ = 	snop  }
__scs_overlays_trampoline_lowered:
0x8: {  	[smem:$0x3FAB] =	sst s0  }
0x9: {  	[smem:$0x3FAC] =	sst s1  }
0xa: {  	[smem:$0x3FAD] =	sst s2  }
0xb: {  	[smem:$0x3FAE] =	sst s3  }
0xc: {  	[smem:$0x3FAF] =	sst s4  }
0xd: {  	[smem:$0x3FB0] =	sst s5  }
0xe: {  	[smem:$0x3FB1] =	sst s6  }
0xf: {  	[smem:$0x3FB2] =	sst s7  }
0x10: {  	[smem:$0x3FB3] =	sst s8  }
0x11: {  	[smem:$0x3FB4] =	sst s9;
	s0 =	simm.s32 @!p0 $0x0  }
0x12: {  	s1 =	sld [smem:$0x3F9A];
	s0 =	simm.s32 @p0 $0x1  }
0x13: {  	[smem:$0x3FB5] =	sst s0;
	s0 =	simm.s32 @!p1 $0x0  }
0x14: {  	s2 =	sld [smem:$0x3F99];
	s0 =	simm.s32 @p1 $0x1  }
0x15: {  	[smem:$0x3FB6] =	sst s0;
	s0 =	simm.s32 @!p2 $0x0  }
0x16: {  	s3 =	sld [smem:$0x3FDB];
	s0 =	simm.s32 @p2 $0x1  }
0x17: {  	s4 =	simm.s32 $0x1BF5;
	[smem:$0x3FB8] =	sst s0  }
0x18: {  	s0 =	sld [smem:$0x3F9B];
	_ =	swait.ge [sflag:s4], $0x0  }
0x19: {  	s7 =	sld [smem:$0x3F9C]  }
0x1a: {  	s8 =	sadd.s32 $0xFFFFE003, lr  }
0x1b: {  	s9 =	sadd.s32 $0xFFFFFEF7, lr;
	s5 =	simm.s32 $0xFFFFFFFF;
	p2 =	slt.u32 s8, $0xFFFFF086  }
0x1c: {  	p1 =	slt.u32 s9, $0xF7A;
	s5 =	simm.s32 @!p2 $0x0  }
0x1d: {  	s5 =	simm.s32 @p1 $0x1;
	p0 =	seq.s32 s7, s2  }
0x1e: {  	s7 =	smul.u32 @!p0 $0xF7A, s2;
	p2 =	seq.s32 @!p0 s5, $0x0  }
0x1f: {  	s9 =	smul.u32 $0xF7A, s1;
	s8 =	simm.s32 @!p0 $0x1BF5;
	p2 =	por !p2, p0  }
0x20: {  	[sflag:s8] =	ssyncset.s32 @!p0 $0xFFFFF086;
	s6 =	sadd.s32 @!p0 s3, s7;
	s7 =	simm.s32 @!p0 $0x108  }
0x21: {  	s3 =	sadd.s32 s3, s9;
	s6 =	sadd.s32 @!p0 $0x88, s6;
	s7 =	simm.s32 @p2 $0x1082  }
0x22: {  	[simem:s7], [sflag:s8] =	dma.local @!p0 [hbm:s6], $0xF7A  }
0x23: {  	s9 =	sor.u32 $0xD0000000, s2;
	s6 =	simm.s32 $0x108;
	_ =	swait.ge @!p0 [sflag:s8], $0x0  }
0x24: {  	s3 =	sadd.s32 $0x88, s3;
	s6 =	simm.s32 @!p1 $0x1082;
	[sflag:s4] =	ssyncset.s32 $0xFFFFF086  }
0x25: {  	[simem:s6], [sflag:s4] =	dma.local [hbm:s3], $0xF7A  }
0x26: {  	[smem:$0x3F9C] =	sst s1;
	(tag) =	ssettag s2;
	_ =	strace s9  }
0x27: {  	s1 =	sld [smem:$0x3FAC]  }
0x28: {  	s2 =	sld [smem:$0x3FAD]  }
0x29: {  	s4 =	sld [smem:$0x3FAF]  }
0x2a: {  	p0 =	seq.s32 s5, $0x0;
	s5 =	sld [smem:$0x3FB0]  }
0x2b: {  	s6 =	sld [smem:$0x3FB1]  }
0x2c: {  	s7 =	sld [smem:$0x3FB2]  }
0x2d: {  	s3 =	simm.s32 $0x108;
	s8 =	sld [smem:$0x3FB3]  }
0x2e: {  	s3 =	simm.s32 @!p0 $0x1082;
	s9 =	sld [smem:$0x3FB4]  }
0x2f: {  	lr =	sadd.s32 s0, s3;
	s0 =	sld [smem:$0x3FAB]  }
0x30: {  	s3 =	sld [smem:$0x3FAE]  }
0x31: {  	[smem:$0x3FB7] =	sst s10  }
0x32: {  	s10 =	sld [smem:$0x3FB5];
	_ =	sdelay $0x3  }
0x33: {  	p0 =	seq.s32 s10, $0x1;
	s10 =	sld [smem:$0x3FB7];
	_ =	sdelay $0x3  }
0x34: {  	[smem:$0x3FB7] =	sst s10  }
0x35: {  	s10 =	sld [smem:$0x3FB6];
	_ =	sdelay $0x3  }
0x36: {  	p1 =	seq.s32 s10, $0x1;
	s10 =	sld [smem:$0x3FB7];
	_ =	sdelay $0x3  }
0x37: {  	[smem:$0x3FB7] =	sst s10  }
0x38: {  	s10 =	sld [smem:$0x3FB8]  }
0x39: {  	_ = 	snop;
	(pc) =	sbr.ind lr, $3  }
0x3a: {  	_ = 	snop  }
0x3b: {  	_ = 	snop  }
0x3c: {  	p2 =	seq.s32 s10, $0x1;
	s10 =	sld [smem:$0x3FB7]  }
0x3d: {  	_ =	shalt  }
0x3e: {  	_ =	shalt  }
0x3f: {  	_ =	shalt  }
0x40: {  	_ =	shalt  }
0x41: {  	_ =	shalt  }
0x42: {  	_ =	shalt  }
0x43: {  	_ =	shalt  }
0x44: {  	_ =	shalt  }
0x45: {  	_ =	shalt  }
0x46: {  	_ =	shalt  }
0x47: {  	_ =	shalt  }
0x48: {  	_ =	shalt  }
0x49: {  	_ =	shalt  }
0x4a: {  	_ =	shalt  }
0x4b: {  	_ =	shalt  }
0x4c: {  	_ =	shalt  }
0x4d: {  	_ =	shalt  }
0x4e: {  	_ =	shalt  }
0x4f: {  	_ =	shalt  }
0x50: {  	_ =	shalt  }
0x51: {  	_ =	shalt  }
0x52: {  	_ =	shalt  }
0x53: {  	_ =	shalt  }
0x54: {  	_ =	shalt  }
0x55: {  	_ =	shalt  }
0x56: {  	_ =	shalt  }
0x57: {  	_ =	shalt  }
0x58: {  	_ =	shalt  }
0x59: {  	_ =	shalt  }
0x5a: {  	_ =	shalt  }
0x5b: {  	_ =	shalt  }
0x5c: {  	_ =	shalt  }
0x5d: {  	_ =	shalt  }
0x5e: {  	_ =	shalt  }
0x5f: {  	_ =	shalt  }
0x60: {  	_ =	shalt  }
0x61: {  	_ =	shalt  }
0x62: {  	_ =	shalt  }
0x63: {  	_ =	shalt  }
0x64: {  	_ =	shalt  }
0x65: {  	_ =	shalt  }
0x66: {  	_ =	shalt  }
0x67: {  	_ =	shalt  }
0x68: {  	_ =	shalt  }
0x69: {  	_ =	shalt  }
0x6a: {  	_ =	shalt  }
0x6b: {  	_ =	shalt  }
0x6c: {  	_ =	shalt  }
0x6d: {  	_ =	shalt  }
0x6e: {  	_ =	shalt  }
0x6f: {  	_ =	shalt  }
0x70: {  	_ =	shalt  }
0x71: {  	_ =	shalt  }
0x72: {  	_ =	shalt  }
0x73: {  	_ =	shalt  }
0x74: {  	_ =	shalt  }
0x75: {  	_ =	shalt  }
0x76: {  	_ =	shalt  }
0x77: {  	_ =	shalt  }
0x78: {  	_ =	shalt  }
0x79: {  	_ =	shalt  }
0x7a: {  	_ =	shalt  }
0x7b: {  	_ =	shalt  }
0x7c: {  	_ =	shalt  }
0x7d: {  	_ =	shalt  }
0x7e: {  	_ =	shalt  }
0x7f: {  	_ =	shalt  }
0x80: {  	_ =	shalt  }
0x81: {  	_ =	shalt  }
0x82: {  	_ =	shalt  }
0x83: {  	_ =	shalt  }
0x84: {  	_ =	shalt  }
0x85: {  	_ =	shalt  }
0x86: {  	_ =	shalt  }
0x87: {  	_ =	shalt  }
.Lfunc_end0:
.L_simem_size_0:
called_computation.1_lowered:
.L_overlay_start_0:
0x88: {  	s2 =	sld [smem:$0x3FD9]  }
0x89: {  	s3 =	sld [smem:$0x3FFE];
	_ =	sdelay $0x1  }
0x8a: {  	s1 =	srdreg.scid  }
0x8b: {  	s0 =	sand.u32 $0x1, s1  }
0x8c: {  	s17 =	sshll.u32 s0, $0xA;
	s2 =	sadd.s32 s3, s2  }
0x8d: {  	s2 =	sadd.s32 s2, s17  }
0x8e: {  	[smem:$0x3FC3] =	sst s2  }
0x8f: {  	_ = 	snop  }
0x90: {  	s2 =	sld [smem:$0x3FD0];
	(tm) =	ssettm $0x1  }
0x91: {  	s18 =	sld [smem:$0x3FFB];
	_ =	sdelay $0x3  }
0x92: {  	_ =	strace s18  }
0x93: {  	s3 =	sld [smem:$0x3FFC];
	_ =	sdelay $0x3  }
0x94: {  	_ =	strace s3  }
0x95: {  	s3 =	sld [smem:$0x3FFD];
	_ =	sdelay $0x3  }
0x96: {  	_ =	strace s3  }
0x97: {  	_ =	strace $0x8FFFFFFF  }
0x98: {  	s19 =	sld [smem:$0x3FDB];
	_ =	sdelay $0x1  }
0x99: {  	s4 =	simm.s32 $_scs_section_size  }
0x9a: {  	s5 =	simm.s32 $_size__tile_overlayer_lowered;
	s6 =	simm.s32 $_tile_overlayer_lowered  }
0x9b: {  	s22 =	simm.s32 $0x1BFF;
	s21 =	sshll.u32 s6, $0x1;
	s3 =	sadd.s32 s4, s19  }
0x9c: {  	s7 =	simm.s32 $0x0;
	s20 =	sshll.u32 s5, $0x1;
	s5 =	sadd.s32 s21, s3  }
0x9d: {  	[timem:s7], [sflag:s22] =	dma.local [hbm:s5], s20  }
0x9e: {  	_ =	swait.ge [sflag:s22], s20  }
0x9f: {  	s4 =	ssub.s32 $0x0, s20;
	[sflag:s22] =	ssyncset.done $0x0  }
0xa0: {  	[sflag:s22] =	ssyncadd.s32 s4;
	_ =	sdelay $0x1  }
0xa1: {  	s23 =	simm.s32 $0x1B8B  }
0xa2: {  	_ =	swait.ge [sflag:s23], $0x1  }
0xa3: {  	[sflag:s23] =	ssyncset.done $0x0  }
0xa4: {  	s25 =	simm.s32 $0x1B8E;
	s24 =	sld [smem:$0x3FFE];
	[sflag:s23] =	ssyncadd.s32 $0xFFFFFFFF  }
0xa5: {  	s26 =	simm.s32 $execute0_lowered;
	[smem:$0x3FD2] =	sst s25  }
0xa6: {  	s5 =	sshll.u32 s26, $0x1;
	_ =	strace $0x80000049;
	[dreg:$0x1] =	wrdreg $0xFFFFFFFF  }
0xa7: {  	s28 =	simm.s32 $_size_execute0_lowered;
	s3 =	sadd.s32 s3, s5;
	[dreg:$0x0] =	wrdreg $0x0  }
0xa8: {  	s5 =	sshll.u32 s28, $0x1;
	[dreg:$0x2] =	wrdreg s3  }
0xa9: {  	[dreg:$0x3] =	wrdreg s5  }
0xaa: {  	[dreg:$0x4] =	wrdreg $0xC0  }
0xab: {  	_ =	task [dreg:s7], $0x5FFFF  }
0xac: {  	[dreg:$0x1] =	wrdreg $0xFFFFFFFF  }
0xad: {  	[dreg:$0x0] =	wrdreg $0x60  }
0xae: {  	[dreg:$0x2] =	wrdreg s24  }
0xaf: {  	[dreg:$0x3] =	wrdreg s2  }
0xb0: {  	[dreg:$0x4] =	wrdreg $0x9  }
0xb1: {  	_ =	task.clear_ibuf [dreg:s7], $0x5FFFF;
	_ =	strace $0x90000049  }
0xb2: {  	s29 =	simm.s32 $0x9;
	_ =	strace $0x8000004B  }
0xb3: {  	_ =	swait.ge [sflag:s29], $0x1  }
0xb4: {  	[sflag:s29] =	ssyncadd.s32 $0xFFFFFFFF  }
0xb5: {  	_ =	strace $0x9000004B  }
0xb6: {  	_ =	sfence  }
0xb7: {  	s30 =	sld [smem:$0x0];
	_ =	sdelay $0x2  }
0xb8: {  	s31 =	sshll.u32 s1, $0xD;
	s1 =	sshrl.u32 s1, $0x2  }
0xb9: {  	s3 =	sand.u32 $0x4000, s31;
	s1 =	sadd.s32 s1, s30  }
0xba: {  	s0 =	sor.u32 s3, s0;
	s1 =	sshll.u32 s1, $0x11  }
0xbb: {  	s0 =	sor.u32 s1, s0  }
0xbc: {  	s0 =	sadd.s32 $0x8F2B, s0  }
0xbd: {  	[sflag:s0] =	ssyncadd.remote.s32 $0x1  }
0xbe: {  	_ =	sfence.sel $0xFFFF  }
0xbf: {  	[dreg:$0x0] =	wrdreg $0xFFFFFFFF;
	(pc) =	sbr.abs _section_cstart, $3  }
0xc0: {  	[dreg:$0x1] =	wrdreg $0xFFFFFFFF  }
0xc1: {  	_ =	task.clear_ibuf [dreg:s7], $0x2FFFF;
	_ =	strace $0x9FFFFFFF  }
0xc2: {  	(tm) =	ssettm $0x7FFFFFFF  }
0xc3: {  	_ =	shalt  }
tec
execute0_lowered:
.L_overlay_start_1:
0x0: {  	(tag) =	ssettag $0x1  }
0x1: {  	s1 =	rddreg [dreg:$0x0];
	s2 =	simm.s32 $0x0  }
0x2: {  	s0 =	srdreg.scid;
	s4 =	stileid.u32;
	s13 =	simm.s32 $0x2  }
0x3: {  	s15 =	simm.s32 $0x2100;
	s16 =	simm.s32 $0xD100;
	s17 =	simm.s32 $0xD900  }
0x4: {  	s18 =	simm.s32 $0xE100;
	s19 =	simm.s32 $0xE900;
	s20 =	simm.s32 $0xF100  }
0x5: {  	s21 =	simm.s32 $0xF900;
	s22 =	simm.s32 $0x10100;
	s23 =	simm.s32 $0x10900  }
0x6: {  	s24 =	simm.s32 $0x11100;
	s25 =	simm.s32 $0x11900;
	s26 =	simm.s32 $0x1  }
0x7: {  	[smem:$0x7FF] =	sst s2;
	s0 =	sand.u32 $0x1, s0;
	s5 =	sadd.s32 $0x200A00, s1  }
0x8: {  	v2 =	vlaneseq.u32;
	s6 =	sadd.s32 $0x800, s1;
	s30 =	sshll.u32 s4, $0x9;
	s29 =	ssub.s32 $0x2, s0  }
0x9: {  	s8 =	sadd.s32 $0x20800, s1;
	s9 =	sadd.s32 $0x200B00, s1;
	v0 =	vand.u32 $0x7, v2;
	v1 =	vshrl.u32 v2, $0x3;
	s3 =	sshrl.u32 s29, $0x1  }
0xa: {  	s10 =	sadd.s32 $0x200C00, s1;
	v63 =	vor.u32 $0x8, v2;
	_ =	strace $0x8000004A;
	[tilespmem:$0x1FFD0] =	vst v0;
	v62 =	vmul.u32 $0x8, v1;
	s2 =	ssub.s32 s29, s3  }
0xb: {  	s11 =	sadd.s32 $0x200D00, s1;
	s0 =	sshll.u32 s0, $0x8;
	[tilespmem:$0x1FFF0] =	vst v63;
	s31 =	smax.u32 s2, $0x1  }
0xc: {  	vm0 =	vmmov $0xffff;
	s7 =	sor.u32 s0, s30;
	[tilespmem:$0x1FFE0] =	vst v62;
	s2 =	simm.s32 $0x0;
	[dreg:$0x3] =	wrdreg s31  }
.LBB2_1:
0xd: {  	[dreg:$0x4] =	wrdreg s2;
	s28 =	simm.s32 $0x0  }
.LBB2_2:
0xe: {  	s0 =	sshll.u32 s28, $0x5  }
0xf: {  	s29 =	sadd.s32 s7, s0  }
0x10: {  	s2 =	sshll.u32 s29, $0x1  }
0x11: {  	s4 =	sand.u32 $0x60, s0;
	s2 =	sand.u32 $0x3F00, s2  }
0x12: {  	s4 =	sor.u32 s4, s2  }
0x13: {  	s4 =	sshrl.u32 s4, $0x3  }
0x14: {  	s30 =	simm.s32 $0x0;
	s0 =	sor.u32 s0, s2;
	s4 =	sadd.s32 s1, s4  }
0x15: {  	[tilespmem:s30], [sflag:$0x2] =	stream.linear.gather [hbm4b:s4+s30], $0x20, $0x38;
	[tilespmem:$0x12100] =	vst v63  }
0x16: {  	s0 =	sshrl.u32 s0, $0x3;
	_ =	swait.ge [sflag:s13], $0x20  }
0x17: {  	s0 =	sor.u32 $0x10, s0;
	[sflag:s13] =	ssyncset.done $0x0  }
0x18: {  	s14 =	simm.s32 $0x80;
	s0 =	sadd.s32 s1, s0;
	[sflag:s13] =	ssyncadd.s32 $0xFFFFFFE0  }
0x19: {  	[tilespmem:s14], [sflag:$0x2] =	stream.linear.gather [hbm4b:s0+s30], $0x20, $0x38;
	[tilespmem:$0x12100] =	vst v63  }
0x1a: {  	_ =	swait.ge [sflag:s13], $0x20  }
0x1b: {  	s3 =	sshll.u32 s29, $0x4;
	[sflag:s13] =	ssyncset.done $0x0  }
0x1c: {  	s31 =	simm.s32 $0x100;
	s4 =	sadd.s32 s6, s3;
	[sflag:s13] =	ssyncadd.s32 $0xFFFFFFE0  }
0x1d: {  	[tilespmem:s31], [sflag:$0x2] =	stream.linear.gather [hbm4b:s4+s30], $0x1000, $0x38;
	[tilespmem:$0x12100] =	vst v63  }
0x1e: {  	_ =	swait.ge [sflag:s13], $0x1000  }
0x1f: {  	[sflag:s13] =	ssyncset.done $0x0  }
0x20: {  	s12 =	sadd.s32 s3, s8;
	s0 =	simm.s32 $0x1100;
	[sflag:s13] =	ssyncadd.s32 $0xFFFFF000  }
0x21: {  	[tilespmem:s0], [sflag:$0x2] =	stream.linear.gather [hbm4b:s12+s30], $0x1000, $0x38;
	[tilespmem:$0x12100] =	vst v63  }
0x22: {  	_ =	swait.ge [sflag:s13], $0x1000  }
0x23: {  	[sflag:s13] =	ssyncset.done $0x0  }
0x24: {  	[sflag:s13] =	ssyncadd.s32 $0xFFFFF000  }
0x25: {  	v3 =	vld [tilespmem:$0x0];
	_ =	sdelay $0x2  }
0x26: {  	v0 =	vld [tilespmem:$0x1FFD0];
	_ =	sdelay $0x1  }
0x27: {  	v1 =	vld [tilespmem:$0x1FFE0];
	v4 =	vshll.u32 v3, $0x3  }
0x28: {  	v3 =	vand.u32 $0x7, v3;
	v4 =	vand.u32 $0xFFFFFFC0, v4  }
0x29: {  	v3 =	vor.u32 v3, v4  }
0x2a: {  	v4 =	vperm.xlane v3, v0;
	_ =	sdelay $0x1  }
0x2b: {  	v4 =	vadd.s32 v1, v4  }
0x2c: {  	v2 =	vld [tilespmem:$0x1FFF0];
	_ =	sdelay $0x3  }
0x2d: {  	[tilespmem:s15], [sflag:$0x1] =	stream.indirect_vreg.gather [hbm4b:s5+s30], $0x80, v4, vm0, $0xb8;
	[tilespmem:$0x12100] =	vst v63  }
0x2e: {  	s14 =	simm.s32 $0x2900;
	v3 =	vperm.xlane v3, v2  }
0x2f: {  	[tilespmem:s14], [sflag:$0x1] =	stream.indirect_vreg.gather [hbm4b:s9+s30], $0x80, v4, vm0, $0xb8;
	[tilespmem:$0x12100] =	vst v63  }
0x30: {  	s3 =	simm.s32 $0x3100;
	v3 =	vadd.s32 v1, v3  }
0x31: {  	[tilespmem:s3], [sflag:$0x1] =	stream.indirect_vreg.gather [hbm4b:s10+s30], $0x80, v4, vm0, $0xb8;
	[tilespmem:$0x12100] =	vst v63  }
0x32: {  	s4 =	simm.s32 $0x3900  }
0x33: {  	[tilespmem:s4], [sflag:$0x1] =	stream.indirect_vreg.gather [hbm4b:s11+s30], $0x80, v4, vm0, $0xb8;
	[tilespmem:$0x12100] =	vst v63  }
0x34: {  	s12 =	simm.s32 $0x4100  }
0x35: {  	[tilespmem:s12], [sflag:$0x1] =	stream.indirect_vreg.gather [hbm4b:s5+s30], $0x80, v3, vm0, $0xb8;
	[tilespmem:$0x12100] =	vst v63  }
0x36: {  	s14 =	simm.s32 $0x4900  }
0x37: {  	[tilespmem:s14], [sflag:$0x1] =	stream.indirect_vreg.gather [hbm4b:s9+s30], $0x80, v3, vm0, $0xb8;
	[tilespmem:$0x12100] =	vst v63  }
0x38: {  	s3 =	simm.s32 $0x5100  }
0x39: {  	[tilespmem:s3], [sflag:$0x1] =	stream.indirect_vreg.gather [hbm4b:s10+s30], $0x80, v3, vm0, $0xb8;
	[tilespmem:$0x12100] =	vst v63  }
0x3a: {  	s4 =	simm.s32 $0x5900  }
0x3b: {  	[tilespmem:s4], [sflag:$0x1] =	stream.indirect_vreg.gather [hbm4b:s11+s30], $0x80, v3, vm0, $0xb8;
	[tilespmem:$0x12100] =	vst v63  }
0x3c: {  	v3 =	vld [tilespmem:$0x10];
	_ =	sdelay $0x4  }
0x3d: {  	v61 =	vshll.u32 v3, $0x3  }
0x3e: {  	v3 =	vand.u32 $0x7, v3;
	v4 =	vand.u32 $0xFFFFFFC0, v61  }
0x3f: {  	v3 =	vor.u32 v3, v4  }
0x40: {  	v4 =	vperm.xlane v3, v0;
	_ =	sdelay $0x1  }
0x41: {  	v4 =	vadd.s32 v1, v4;
	_ =	sdelay $0x3  }
0x42: {  	s12 =	simm.s32 $0x6100  }
0x43: {  	[tilespmem:s12], [sflag:$0x1] =	stream.indirect_vreg.gather [hbm4b:s5+s30], $0x80, v4, vm0, $0xb8;
	[tilespmem:$0x12100] =	vst v63  }
0x44: {  	s14 =	simm.s32 $0x6900;
	v3 =	vperm.xlane v3, v2  }
0x45: {  	[tilespmem:s14], [sflag:$0x1] =	stream.indirect_vreg.gather [hbm4b:s9+s30], $0x80, v4, vm0, $0xb8;
	[tilespmem:$0x12100] =	vst v63  }
0x46: {  	s3 =	simm.s32 $0x7100;
	v3 =	vadd.s32 v1, v3  }
0x47: {  	[tilespmem:s3], [sflag:$0x1] =	stream.indirect_vreg.gather [hbm4b:s10+s30], $0x80, v4, vm0, $0xb8;
	[tilespmem:$0x12100] =	vst v63  }
0x48: {  	s4 =	simm.s32 $0x7900  }
0x49: {  	[tilespmem:s4], [sflag:$0x1] =	stream.indirect_vreg.gather [hbm4b:s11+s30], $0x80, v4, vm0, $0xb8;
	[tilespmem:$0x12100] =	vst v63  }
0x4a: {  	s12 =	simm.s32 $0x8100  }
0x4b: {  	[tilespmem:s12], [sflag:$0x1] =	stream.indirect_vreg.gather [hbm4b:s5+s30], $0x80, v3, vm0, $0xb8;
	[tilespmem:$0x12100] =	vst v63  }
0x4c: {  	s14 =	simm.s32 $0x8900  }
0x4d: {  	[tilespmem:s14], [sflag:$0x1] =	stream.indirect_vreg.gather [hbm4b:s9+s30], $0x80, v3, vm0, $0xb8;
	[tilespmem:$0x12100] =	vst v63  }
0x4e: {  	s3 =	simm.s32 $0x9100  }
0x4f: {  	[tilespmem:s3], [sflag:$0x1] =	stream.indirect_vreg.gather [hbm4b:s10+s30], $0x80, v3, vm0, $0xb8;
	[tilespmem:$0x12100] =	vst v63  }
0x50: {  	s4 =	simm.s32 $0x9900  }
0x51: {  	[tilespmem:s4], [sflag:$0x1] =	stream.indirect_vreg.gather [hbm4b:s11+s30], $0x80, v3, vm0, $0xb8;
	[tilespmem:$0x12100] =	vst v63  }
0x52: {  	v3 =	vld [tilespmem:$0x80];
	_ =	sdelay $0x4  }
0x53: {  	v62 =	vshll.u32 v3, $0x3  }
0x54: {  	v3 =	vand.u32 $0x7, v3;
	v4 =	vand.u32 $0xFFFFFFC0, v62  }
0x55: {  	v3 =	vor.u32 v3, v4  }
0x56: {  	v4 =	vperm.xlane v3, v0;
	_ =	sdelay $0x1  }
0x57: {  	v4 =	vadd.s32 v1, v4;
	_ =	sdelay $0x3  }
0x58: {  	s12 =	simm.s32 $0xA100  }
0x59: {  	[tilespmem:s12], [sflag:$0x1] =	stream.indirect_vreg.gather [hbm4b:s5+s30], $0x80, v4, vm0, $0xb8;
	[tilespmem:$0x12100] =	vst v63  }
0x5a: {  	s14 =	simm.s32 $0xA900;
	v3 =	vperm.xlane v3, v2  }
0x5b: {  	[tilespmem:s14], [sflag:$0x1] =	stream.indirect_vreg.gather [hbm4b:s9+s30], $0x80, v4, vm0, $0xb8;
	[tilespmem:$0x12100] =	vst v63  }
0x5c: {  	s3 =	simm.s32 $0xB100;
	v3 =	vadd.s32 v1, v3  }
0x5d: {  	[tilespmem:s3], [sflag:$0x1] =	stream.indirect_vreg.gather [hbm4b:s10+s30], $0x80, v4, vm0, $0xb8;
	[tilespmem:$0x12100] =	vst v63  }
0x5e: {  	s4 =	simm.s32 $0xB900  }
0x5f: {  	[tilespmem:s4], [sflag:$0x1] =	stream.indirect_vreg.gather [hbm4b:s11+s30], $0x80, v4, vm0, $0xb8;
	[tilespmem:$0x12100] =	vst v63  }
0x60: {  	s12 =	simm.s32 $0xC100  }
0x61: {  	[tilespmem:s12], [sflag:$0x1] =	stream.indirect_vreg.gather [hbm4b:s5+s30], $0x80, v3, vm0, $0xb8;
	[tilespmem:$0x12100] =	vst v63  }
0x62: {  	s14 =	simm.s32 $0xC900  }
0x63: {  	[tilespmem:s14], [sflag:$0x1] =	stream.indirect_vreg.gather [hbm4b:s9+s30], $0x80, v3, vm0, $0xb8;
	[tilespmem:$0x12100] =	vst v63  }
0x64: {  	_ = 	snop  }
0x65: {  	[tilespmem:s16], [sflag:$0x1] =	stream.indirect_vreg.gather [hbm4b:s10+s30], $0x80, v3, vm0, $0xb8;
	[tilespmem:$0x12100] =	vst v63  }
0x66: {  	_ = 	snop  }
0x67: {  	[tilespmem:s17], [sflag:$0x1] =	stream.indirect_vreg.gather [hbm4b:s11+s30], $0x80, v3, vm0, $0xb8;
	[tilespmem:$0x12100] =	vst v63  }
0x68: {  	v3 =	vld [tilespmem:$0x90];
	_ =	sdelay $0x4  }
0x69: {  	v63 =	vshll.u32 v3, $0x3  }
0x6a: {  	v3 =	vand.u32 $0x7, v3;
	v4 =	vand.u32 $0xFFFFFFC0, v63  }
0x6b: {  	v3 =	vor.u32 v3, v4  }
0x6c: {  	v4 =	vperm.xlane v3, v0;
	_ =	sdelay $0x1  }
0x6d: {  	v4 =	vadd.s32 v1, v4;
	_ =	sdelay $0x4  }
0x6e: {  	[tilespmem:s18], [sflag:$0x1] =	stream.indirect_vreg.gather [hbm4b:s5+s30], $0x80, v4, vm0, $0xb8;
	[tilespmem:$0x12100] =	vst v63  }
0x6f: {  	v3 =	vperm.xlane v3, v2  }
0x70: {  	[tilespmem:s19], [sflag:$0x1] =	stream.indirect_vreg.gather [hbm4b:s9+s30], $0x80, v4, vm0, $0xb8;
	[tilespmem:$0x12100] =	vst v63  }
0x71: {  	v3 =	vadd.s32 v1, v3  }
0x72: {  	[tilespmem:s20], [sflag:$0x1] =	stream.indirect_vreg.gather [hbm4b:s10+s30], $0x80, v4, vm0, $0xb8;
	[tilespmem:$0x12100] =	vst v63  }
0x73: {  	_ = 	snop  }
0x74: {  	[tilespmem:s21], [sflag:$0x1] =	stream.indirect_vreg.gather [hbm4b:s11+s30], $0x80, v4, vm0, $0xb8;
	[tilespmem:$0x12100] =	vst v63  }
0x75: {  	_ = 	snop  }
0x76: {  	[tilespmem:s22], [sflag:$0x1] =	stream.indirect_vreg.gather [hbm4b:s5+s30], $0x80, v3, vm0, $0xb8;
	[tilespmem:$0x12100] =	vst v63  }
0x77: {  	_ = 	snop  }
0x78: {  	[tilespmem:s23], [sflag:$0x1] =	stream.indirect_vreg.gather [hbm4b:s9+s30], $0x80, v3, vm0, $0xb8;
	[tilespmem:$0x12100] =	vst v63  }
0x79: {  	_ = 	snop  }
0x7a: {  	[tilespmem:s24], [sflag:$0x1] =	stream.indirect_vreg.gather [hbm4b:s10+s30], $0x80, v3, vm0, $0xb8;
	[tilespmem:$0x12100] =	vst v63  }
0x7b: {  	_ = 	snop  }
0x7c: {  	[tilespmem:s25], [sflag:$0x1] =	stream.indirect_vreg.gather [hbm4b:s11+s30], $0x80, v3, vm0, $0xb8;
	[tilespmem:$0x12100] =	vst v63  }
0x7d: {  	_ =	swait.ge [sflag:s26], $0x8000  }
0x7e: {  	[sflag:s26] =	ssyncset.done $0x0  }
0x7f: {  	[sflag:s26] =	ssyncadd.s32 $0xFFFF8000  }
0x80: {  	_ =	swait.ge [sflag:s26], $0x8000  }
0x81: {  	[sflag:s26] =	ssyncset.done $0x0  }
0x82: {  	s4 =	simm.s32 $0x0;
	s12 =	simm.s32 $0x0;
	[sflag:s26] =	ssyncadd.s32 $0xFFFF8000  }
.LBB2_3:
0x83: {  	v3 =	vld [tilespmem:s31+$0x0];
	s2 =	sand.u32 $0x6000, s4;
	s3 =	sand.u32 $0x380, s12  }
0x84: {  	v4 =	vld [tilespmem:s0+$0x0];
	s2 =	sor.u32 s3, s2  }
0x85: {  	v6 =	vld [tilespmem:s2+$0x2100]  }
0x86: {  	v7 =	vld [tilespmem:s2+$0xA100]  }
0x87: {  	v10 =	vld [tilespmem:s2+$0x2110]  }
0x88: {  	v11 =	vld [tilespmem:s2+$0xA110]  }
0x89: {  	v14 =	vld [tilespmem:s2+$0x2120]  }
0x8a: {  	v17 =	vld [tilespmem:s2+$0xA120]  }
0x8b: {  	v20 =	vld [tilespmem:s2+$0x2130]  }
0x8c: {  	v21 =	vld [tilespmem:s2+$0xA130]  }
0x8d: {  	v26 =	vld [tilespmem:s2+$0x2140]  }
0x8e: {  	v27 =	vld [tilespmem:s2+$0xA140]  }
0x8f: {  	v28 =	vld [tilespmem:s2+$0x2150]  }
0x90: {  	v29 =	vld [tilespmem:s2+$0xA150]  }
0x91: {  	v30 =	vld [tilespmem:s2+$0x2160]  }
0x92: {  	v31 =	vld [tilespmem:s2+$0xA160]  }
0x93: {  	v32 =	vld [tilespmem:s2+$0x2170]  }
0x94: {  	v33 =	vld [tilespmem:s2+$0xA170]  }
0x95: {  	v34 =	vld [tilespmem:s2+$0x2500]  }
0x96: {  	v35 =	vld [tilespmem:s2+$0xA500]  }
0x97: {  	v36 =	vld [tilespmem:s2+$0x2510]  }
0x98: {  	v37 =	vld [tilespmem:s2+$0xA510]  }
0x99: {  	v38 =	vld [tilespmem:s2+$0x2520]  }
0x9a: {  	v39 =	vld [tilespmem:s2+$0xA520]  }
0x9b: {  	v40 =	vld [tilespmem:s2+$0x2530]  }
0x9c: {  	v41 =	vld [tilespmem:s2+$0xA530]  }
0x9d: {  	v42 =	vld [tilespmem:s2+$0x2540]  }
0x9e: {  	v43 =	vld [tilespmem:s2+$0xA540]  }
0x9f: {  	v44 =	vld [tilespmem:s2+$0x2550]  }
0xa0: {  	v45 =	vld [tilespmem:s2+$0xA550]  }
0xa1: {  	v46 =	vld [tilespmem:s2+$0x2560]  }
0xa2: {  	v47 =	vld [tilespmem:s2+$0xA560]  }
0xa3: {  	v48 =	vld [tilespmem:s2+$0x2570]  }
0xa4: {  	v49 =	vld [tilespmem:s2+$0xA570]  }
0xa5: {  	v50 =	vld [tilespmem:s2+$0x2900]  }
0xa6: {  	v51 =	vld [tilespmem:s2+$0xA900]  }
0xa7: {  	v52 =	vld [tilespmem:s2+$0x2910]  }
0xa8: {  	v53 =	vld [tilespmem:s2+$0xA910]  }
0xa9: {  	v54 =	vld [tilespmem:s2+$0x2920]  }
0xaa: {  	v55 =	vld [tilespmem:s2+$0xA920]  }
0xab: {  	v56 =	vld [tilespmem:s2+$0x2930]  }
0xac: {  	v57 =	vld [tilespmem:s2+$0xA930]  }
0xad: {  	v58 =	vld [tilespmem:s2+$0x2940]  }
0xae: {  	v59 =	vld [tilespmem:s2+$0xA940]  }
0xaf: {  	v60 =	vld [tilespmem:s2+$0x2950]  }
0xb0: {  	v61 =	vld [tilespmem:s2+$0xA950]  }
0xb1: {  	v62 =	vld [tilespmem:s2+$0x2960]  }
0xb2: {  	v63 =	vld [tilespmem:s2+$0xA960]  }
0xb3: {  	v5 =	vld [tilespmem:s2+$0x2970]  }
0xb4: {  	v2 =	vld [tilespmem:s2+$0xA970]  }
0xb5: {  	v24 =	vld [tilespmem:s2+$0x2D00]  }
0xb6: {  	v25 =	vld [tilespmem:s2+$0xAD00]  }
0xb7: {  	v22 =	vld [tilespmem:s2+$0x2D10]  }
0xb8: {  	v23 =	vld [tilespmem:s2+$0xAD10]  }
0xb9: {  	v18 =	vld [tilespmem:s2+$0x2D20]  }
0xba: {  	v0 =	vld [tilespmem:s2+$0x2D60]  }
0xbb: {  	v19 =	vld [tilespmem:s2+$0xAD20]  }
0xbc: {  	v15 =	vld [tilespmem:s2+$0x2D30]  }
0xbd: {  	v16 =	vld [tilespmem:s2+$0xAD30]  }
0xbe: {  	v12 =	vld [tilespmem:s2+$0x2D40];
	v1 =	vmul.f32 v6, v3  }
0xbf: {  	v13 =	vld [tilespmem:s2+$0xAD40];
	[tilespmem:$0x1FFC0] =	vst v0;
	v0 =	vmul.f32 v7, v4;
	v10 =	vmul.f32 v10, v3  }
0xc0: {  	v8 =	vld [tilespmem:s2+$0x2D50];
	v11 =	vmul.f32 v11, v4;
	v14 =	vmul.f32 v14, v3  }
0xc1: {  	v9 =	vld [tilespmem:s2+$0xAD50];
	v17 =	vmul.f32 v17, v4;
	v20 =	vmul.f32 v20, v3  }
0xc2: {  	v7 =	vld [tilespmem:s2+$0xAD60];
	v21 =	vmul.f32 v21, v4;
	v26 =	vmul.f32 v26, v3  }
0xc3: {  	v6 =	vld [tilespmem:s2+$0x2D70];
	v27 =	vmul.f32 v27, v4;
	v34 =	vmul.f32 v34, v3  }
0xc4: {  	v35 =	vmul.f32 v35, v4;
	v38 =	vmul.f32 v38, v3;
	v1 =	vadd.f32 v0, v1;
	v0 =	vld [tilespmem:s2+$0xAD70]  }
0xc5: {  	v39 =	vmul.f32 v39, v4;
	v40 =	vmul.f32 v40, v3;
	v10 =	vadd.f32 v11, v10;
	v11 =	vld [tilespmem:s2+$0x3100]  }
0xc6: {  	v5 =	vmul.f32 v5, v3;
	v2 =	vmul.f32 v2, v4;
	[tilespmem:s2+$0x2100] =	vst v1;
	v1 =	vadd.f32 v17, v14;
	v14 =	vld [tilespmem:s2+$0xB100]  }
0xc7: {  	[tilespmem:s2+$0x2110] =	vst v10;
	v10 =	vadd.f32 v21, v20;
	v21 =	vmul.f32 v28, v3;
	v28 =	vmul.f32 v29, v4;
	v17 =	vld [tilespmem:s2+$0x3110]  }
0xc8: {  	v52 =	vmul.f32 v52, v3;
	v2 =	vadd.f32 v2, v5;
	v20 =	vld [tilespmem:s2+$0xB110];
	v29 =	vmul.f32 v33, v4;
	[tilespmem:s2+$0x2120] =	vst v1  }
0xc9: {  	v1 =	vadd.f32 v27, v26;
	v26 =	vmul.f32 v30, v3;
	[tilespmem:s2+$0x2130] =	vst v10;
	v10 =	vadd.f32 v28, v21;
	v21 =	vld [tilespmem:s2+$0x3120]  }
0xca: {  	v27 =	vmul.f32 v31, v4;
	v28 =	vmul.f32 v32, v3;
	v31 =	vld [tilespmem:s2+$0x3130]  }
0xcb: {  	v24 =	vmul.f32 v24, v3;
	v25 =	vmul.f32 v25, v4;
	[tilespmem:s2+$0x2970] =	vst v2;
	v32 =	vld [tilespmem:s2+$0xB130]  }
0xcc: {  	v18 =	vmul.f32 v18, v3;
	v33 =	vadd.f32 v27, v26;
	v26 =	vld [tilespmem:s2+$0xB120];
	[tilespmem:s2+$0x2150] =	vst v10;
	v10 =	vadd.f32 v29, v28  }
0xcd: {  	[tilespmem:s2+$0x2140] =	vst v1;
	v28 =	vmul.f32 v36, v3;
	v36 =	vmul.f32 v37, v4;
	v37 =	vadd.f32 v35, v34;
	v34 =	vld [tilespmem:s2+$0xB140]  }
0xce: {  	v19 =	vmul.f32 v19, v4;
	v12 =	vmul.f32 v12, v3;
	v35 =	vld [tilespmem:s2+$0x3150];
	[tilespmem:s2+$0x2160] =	vst v33  }
0xcf: {  	v13 =	vmul.f32 v13, v4;
	v27 =	vld [tilespmem:s2+$0xB520];
	v29 =	vadd.f32 v25, v24;
	[tilespmem:s2+$0x2170] =	vst v10;
	v10 =	vadd.f32 v36, v28  }
0xd0: {  	v36 =	vmul.f32 v41, v4;
	v33 =	vld [tilespmem:s2+$0x3140];
	[tilespmem:s2+$0x2500] =	vst v37;
	v37 =	vadd.f32 v39, v38;
	v38 =	vmul.f32 v42, v3  }
0xd1: {  	v39 =	vmul.f32 v43, v4;
	v41 =	vmul.f32 v45, v4;
	v28 =	vld [tilespmem:s2+$0x3520];
	[tilespmem:s2+$0x2D00] =	vst v29  }
0xd2: {  	v43 =	vmul.f32 v46, v3;
	[tilespmem:s2+$0x2510] =	vst v10;
	v10 =	vadd.f32 v36, v40;
	v40 =	vmul.f32 v44, v3;
	v36 =	vld [tilespmem:s2+$0xB150]  }
0xd3: {  	v46 =	vmul.f32 v48, v3;
	[tilespmem:s2+$0x2520] =	vst v37;
	v42 =	vadd.f32 v39, v38;
	v44 =	vmul.f32 v47, v4;
	v37 =	vld [tilespmem:s2+$0x3160]  }
0xd4: {  	v47 =	vmul.f32 v49, v4;
	v49 =	vmul.f32 v50, v3;
	v38 =	vld [tilespmem:s2+$0xB160];
	[tilespmem:s2+$0x2530] =	vst v10;
	v45 =	vadd.f32 v41, v40  }
0xd5: {  	v50 =	vmul.f32 v51, v4;
	v39 =	vld [tilespmem:s2+$0x3170];
	[tilespmem:s2+$0x2540] =	vst v42;
	v48 =	vadd.f32 v44, v43;
	v44 =	vmul.f32 v53, v4  }
0xd6: {  	v51 =	vadd.f32 v47, v46;
	v46 =	vmul.f32 v54, v3;
	v47 =	vmul.f32 v55, v4;
	v40 =	vld [tilespmem:s2+$0xB170];
	[tilespmem:s2+$0x2550] =	vst v45  }
0xd7: {  	v41 =	vld [tilespmem:s2+$0x3500];
	v53 =	vmul.f32 v59, v4;
	v55 =	vmul.f32 v60, v3;
	[tilespmem:s2+$0x2560] =	vst v48;
	v45 =	vadd.f32 v50, v49  }
0xd8: {  	v42 =	vld [tilespmem:s2+$0xB500];
	v59 =	vmul.f32 v63, v4;
	v63 =	vmul.f32 v23, v4;
	[tilespmem:s2+$0x2570] =	vst v51;
	v48 =	vadd.f32 v44, v52  }
0xd9: {  	v43 =	vld [tilespmem:s2+$0x3510];
	v49 =	vmul.f32 v56, v3;
	v50 =	vmul.f32 v57, v4;
	v51 =	vadd.f32 v47, v46;
	[tilespmem:s2+$0x2900] =	vst v45  }
0xda: {  	v23 =	vld [tilespmem:s2+$0xB530];
	v25 =	vmul.f32 v33, v3;
	v52 =	vmul.f32 v58, v3;
	v47 =	vadd.f32 v19, v18;
	[tilespmem:s2+$0x2910] =	vst v48  }
0xdb: {  	v56 =	vmul.f32 v61, v4;
	v58 =	vmul.f32 v62, v3;
	v44 =	vld [tilespmem:s2+$0xB510];
	v54 =	vadd.f32 v50, v49;
	[tilespmem:s2+$0x2920] =	vst v51  }
0xdc: {  	v62 =	vmul.f32 v22, v3;
	v22 =	vld [tilespmem:s2+$0x3530];
	v46 =	vmul.f32 v16, v4;
	v57 =	vadd.f32 v53, v52;
	[tilespmem:s2+$0x2D20] =	vst v47  }
0xdd: {  	v16 =	vld [tilespmem:s2+$0xB540];
	v33 =	vmul.f32 v37, v3;
	v60 =	vadd.f32 v56, v55;
	v45 =	vmul.f32 v15, v3;
	[tilespmem:s2+$0x2930] =	vst v54  }
0xde: {  	v18 =	vld [tilespmem:s2+$0x3910];
	v61 =	vadd.f32 v59, v58;
	v49 =	vmul.f32 v8, v3;
	v50 =	vmul.f32 v9, v4;
	[tilespmem:s2+$0x2940] =	vst v57  }
0xdf: {  	v19 =	vld [tilespmem:s2+$0xB910];
	v30 =	vadd.f32 v63, v62;
	v56 =	vmul.f32 v11, v3;
	v58 =	vmul.f32 v17, v3;
	[tilespmem:s2+$0x2950] =	vst v60  }
0xe0: {  	v15 =	vld [tilespmem:s2+$0x3540];
	v51 =	vadd.f32 v13, v12;
	v59 =	vmul.f32 v20, v4;
	v62 =	vmul.f32 v26, v4;
	[tilespmem:s2+$0x2960] =	vst v61  }
0xe1: {  	v9 =	vld [tilespmem:s2+$0x3550];
	v20 =	vmul.f32 v31, v3;
	v26 =	vmul.f32 v34, v4;
	[tilespmem:s2+$0x2D10] =	vst v30;
	v48 =	vadd.f32 v46, v45  }
0xe2: {  	v52 =	vld [tilespmem:$0x1FFC0];
	v31 =	vmul.f32 v36, v4;
	v34 =	vmul.f32 v38, v4;
	v53 =	vadd.f32 v50, v49;
	[tilespmem:s2+$0x2D40] =	vst v51  }
0xe3: {  	v12 =	vld [tilespmem:s2+$0xB550];
	v36 =	vmul.f32 v39, v3;
	v37 =	vmul.f32 v40, v4;
	v63 =	vadd.f32 v59, v58;
	[tilespmem:s2+$0x2D30] =	vst v48  }
0xe4: {  	v11 =	vld [tilespmem:s2+$0x3570];
	v61 =	vmul.f32 v21, v3;
	v21 =	vmul.f32 v32, v4;
	v32 =	vadd.f32 v26, v25;
	[tilespmem:s2+$0x2D50] =	vst v53  }
0xe5: {  	v13 =	vld [tilespmem:s2+$0xB570];
	v39 =	vmul.f32 v41, v3;
	v40 =	vmul.f32 v42, v4;
	v38 =	vadd.f32 v34, v33;
	[tilespmem:s2+$0x3110] =	vst v63  }
0xe6: {  	v0 =	vmul.f32 v0, v4;
	v17 =	vld [tilespmem:s2+$0xB900];
	v54 =	vmul.f32 v6, v3;
	v42 =	vadd.f32 v37, v36;
	[tilespmem:s2+$0x3140] =	vst v32  }
0xe7: {  	v41 =	vld [tilespmem:s2+$0xB920];
	v57 =	vmul.f32 v14, v4;
	v47 =	vadd.f32 v40, v39;
	[tilespmem:s2+$0x3160] =	vst v38  }
0xe8: {  	v6 =	vld [tilespmem:s2+$0x3560];
	v0 =	vadd.f32 v0, v54;
	[tilespmem:s2+$0x3170] =	vst v42  }
0xe9: {  	v14 =	vld [tilespmem:s2+$0x3900];
	v60 =	vadd.f32 v57, v56;
	[tilespmem:s2+$0x3500] =	vst v47  }
0xea: {  	v7 =	vmul.f32 v7, v4;
	v30 =	vmul.f32 v35, v3;
	v46 =	vld [tilespmem:s2+$0x3930];
	v24 =	vadd.f32 v62, v61;
	[tilespmem:s2+$0x2D70] =	vst v0  }
0xeb: {  	v43 =	vmul.f32 v43, v3;
	v50 =	vld [tilespmem:s2+$0xB930];
	v45 =	vmul.f32 v44, v4;
	v29 =	vadd.f32 v21, v20;
	[tilespmem:s2+$0x3100] =	vst v60  }
0xec: {  	v49 =	vmul.f32 v27, v4;
	v58 =	vld [tilespmem:s2+$0x3950];
	v35 =	vadd.f32 v31, v30;
	v10 =	vmul.f32 v52, v3;
	[tilespmem:s2+$0x3120] =	vst v24  }
0xed: {  	v36 =	vld [tilespmem:s2+$0xB970];
	v53 =	vmul.f32 v23, v4;
	v51 =	vadd.f32 v45, v43;
	v52 =	vmul.f32 v22, v3;
	[tilespmem:s2+$0x3130] =	vst v29  }
0xee: {  	v40 =	vld [tilespmem:s2+$0xB940];
	v57 =	vmul.f32 v16, v4;
	v56 =	vmul.f32 v15, v3;
	[tilespmem:s2+$0x3150] =	vst v35;
	v55 =	vadd.f32 v7, v10  }
0xef: {  	v20 =	vld [tilespmem:s2+$0x3920];
	v26 =	vmul.f32 v11, v3;
	v27 =	vmul.f32 v13, v4;
	[tilespmem:s2+$0x3510] =	vst v51;
	v59 =	vadd.f32 v53, v52  }
0xf0: {  	v62 =	vld [tilespmem:s2+$0xB950];
	v61 =	vmul.f32 v12, v4;
	v60 =	vmul.f32 v9, v3;
	v63 =	vadd.f32 v57, v56;
	[tilespmem:s2+$0x2D60] =	vst v55  }
0xf1: {  	v34 =	vmul.f32 v18, v3;
	v16 =	vld [tilespmem:s2+$0x3960];
	v35 =	vmul.f32 v19, v4;
	v33 =	vadd.f32 v27, v26;
	[tilespmem:s2+$0x3530] =	vst v59  }
0xf2: {  	v48 =	vmul.f32 v28, v3;
	v28 =	vld [tilespmem:s2+$0xB960];
	v31 =	vmul.f32 v17, v4;
	v23 =	vadd.f32 v61, v60;
	[tilespmem:s2+$0x3540] =	vst v63  }
0xf3: {  	v32 =	vld [tilespmem:s2+$0x3970];
	v39 =	vmul.f32 v41, v4;
	v30 =	vmul.f32 v14, v3;
	v41 =	vadd.f32 v35, v34;
	[tilespmem:s2+$0x3570] =	vst v33  }
0xf4: {  	v10 =	vld [tilespmem:s2+$0xB560];
	v42 =	vmul.f32 v46, v3;
	v43 =	vmul.f32 v50, v4;
	v55 =	vadd.f32 v49, v48;
	[tilespmem:s2+$0x3550] =	vst v23  }
0xf5: {  	v54 =	vld [tilespmem:s2+$0x3940];
	v37 =	vadd.f32 v31, v30;
	v38 =	vmul.f32 v20, v3;
	[tilespmem:s2+$0x3910] =	vst v41  }
0xf6: {  	v45 =	vmul.f32 v58, v3;
	v46 =	vmul.f32 v62, v4;
	v47 =	vadd.f32 v43, v42;
	[tilespmem:s2+$0x3520] =	vst v55  }
0xf7: {  	v48 =	vmul.f32 v16, v3;
	v49 =	vmul.f32 v28, v4;
	[tilespmem:s2+$0x3900] =	vst v37;
	v44 =	vadd.f32 v39, v38  }
0xf8: {  	v52 =	vmul.f32 v36, v4;
	v51 =	vmul.f32 v32, v3;
	v50 =	vadd.f32 v46, v45;
	[tilespmem:s2+$0x3930] =	vst v47  }
0xf9: {  	v6 =	vmul.f32 v6, v3;
	v53 =	vadd.f32 v49, v48;
	v12 =	vmul.f32 v10, v4;
	[tilespmem:s2+$0x3920] =	vst v44  }
0xfa: {  	s14 =	sand.u32 $0x7, s30;
	v54 =	vmul.f32 v54, v3;
	v55 =	vmul.f32 v40, v4;
	v56 =	vadd.f32 v52, v51;
	[tilespmem:s2+$0x3950] =	vst v50  }
0xfb: {  	s3 =	sshll.u32 s14, $0x7;
	[tilespmem:s2+$0x3960] =	vst v53;
	v29 =	vadd.f32 v12, v6  }
0xfc: {  	s3 =	sadd.s32 s3, s4;
	v2 =	vadd.f32 v55, v54;
	[tilespmem:s2+$0x3970] =	vst v56  }
0xfd: {  	s14 =	sor.u32 $0x1C00, s3;
	[tilespmem:s2+$0x3560] =	vst v29  }
0xfe: {  	[tilespmem:s2+$0x3940] =	vst v2;
	v0 =	vld [tilespmem:s14+$0x2100]  }
0xff: {  	v1 =	vld [tilespmem:s14+$0xA100];
	_ =	sdelay $0x4  }
0x100: {  	v0 =	vmul.f32 v0, v3;
	v1 =	vmul.f32 v1, v4;
	_ =	sdelay $0x1  }
0x101: {  	v0 =	vadd.f32 v1, v0;
	_ =	sdelay $0x1  }
0x102: {  	[tilespmem:s14+$0x2100] =	vst v0;
	s14 =	sor.u32 $0x1C10, s3  }
0x103: {  	v0 =	vld [tilespmem:s14+$0x2100]  }
0x104: {  	v57 =	vld [tilespmem:s14+$0xA100];
	_ =	sdelay $0x4  }
0x105: {  	v0 =	vmul.f32 v0, v3;
	v1 =	vmul.f32 v57, v4;
	_ =	sdelay $0x1  }
0x106: {  	v0 =	vadd.f32 v1, v0;
	_ =	sdelay $0x1  }
0x107: {  	[tilespmem:s14+$0x2100] =	vst v0;
	s14 =	sor.u32 $0x1C20, s3  }
0x108: {  	v0 =	vld [tilespmem:s14+$0x2100]  }
0x109: {  	v58 =	vld [tilespmem:s14+$0xA100];
	_ =	sdelay $0x4  }
0x10a: {  	v0 =	vmul.f32 v0, v3;
	v1 =	vmul.f32 v58, v4;
	_ =	sdelay $0x1  }
0x10b: {  	v0 =	vadd.f32 v1, v0;
	_ =	sdelay $0x1  }
0x10c: {  	[tilespmem:s14+$0x2100] =	vst v0;
	s14 =	sor.u32 $0x1C30, s3  }
0x10d: {  	v0 =	vld [tilespmem:s14+$0x2100]  }
0x10e: {  	v59 =	vld [tilespmem:s14+$0xA100];
	_ =	sdelay $0x4  }
0x10f: {  	v0 =	vmul.f32 v0, v3;
	v1 =	vmul.f32 v59, v4;
	_ =	sdelay $0x1  }
0x110: {  	v0 =	vadd.f32 v1, v0;
	_ =	sdelay $0x1  }
0x111: {  	[tilespmem:s14+$0x2100] =	vst v0;
	s14 =	sor.u32 $0x1C40, s3  }
0x112: {  	v0 =	vld [tilespmem:s14+$0x2100]  }
0x113: {  	v60 =	vld [tilespmem:s14+$0xA100];
	_ =	sdelay $0x4  }
0x114: {  	v0 =	vmul.f32 v0, v3;
	v1 =	vmul.f32 v60, v4;
	_ =	sdelay $0x1  }
0x115: {  	v0 =	vadd.f32 v1, v0;
	_ =	sdelay $0x1  }
0x116: {  	[tilespmem:s14+$0x2100] =	vst v0;
	s14 =	sor.u32 $0x1C50, s3  }
0x117: {  	v0 =	vld [tilespmem:s14+$0x2100]  }
0x118: {  	v61 =	vld [tilespmem:s14+$0xA100];
	_ =	sdelay $0x4  }
0x119: {  	v0 =	vmul.f32 v0, v3;
	v1 =	vmul.f32 v61, v4;
	_ =	sdelay $0x1  }
0x11a: {  	v0 =	vadd.f32 v1, v0;
	_ =	sdelay $0x1  }
0x11b: {  	[tilespmem:s14+$0x2100] =	vst v0;
	s14 =	sor.u32 $0x1C60, s3  }
0x11c: {  	v0 =	vld [tilespmem:s14+$0x2100]  }
0x11d: {  	v62 =	vld [tilespmem:s14+$0xA100];
	_ =	sdelay $0x4  }
0x11e: {  	v0 =	vmul.f32 v0, v3;
	v1 =	vmul.f32 v62, v4;
	_ =	sdelay $0x1  }
0x11f: {  	v0 =	vadd.f32 v1, v0;
	_ =	sdelay $0x1  }
0x120: {  	[tilespmem:s14+$0x2100] =	vst v0;
	s14 =	sor.u32 $0x1C70, s3  }
0x121: {  	v0 =	vld [tilespmem:s14+$0x2100]  }
0x122: {  	v63 =	vld [tilespmem:s14+$0xA100];
	_ =	sdelay $0x3  }
0x123: {  	p0 =	sne.s32 s12, $0xF80  }
.Ltmp0:
0x124: {  	v0 =	vmul.f32 v0, v3;
	v1 =	vmul.f32 v63, v4;
	(pc) =	sbr.rel @p0 .LBB2_3-.Ltmp0, $4  }
0x125: {  	_ = 	snop  }
0x126: {  	v0 =	vadd.f32 v1, v0  }
0x127: {  	s30 =	sadd.s32 $0x1, s30;
	s31 =	sadd.s32 $0x80, s31  }
0x128: {  	s0 =	sadd.s32 $0x80, s0;
	s12 =	sadd.s32 $0x80, s12;
	s4 =	sadd.s32 $0x400, s4;
	[tilespmem:s14+$0x2100] =	vst v0  }
0x129: {  	s28 =	sadd.s32 $0x1, s28  }
0x12a: {  	s0 =	sshll.u32 s29, $0x7;
	s2 =	rddreg [dreg:$0x1];
	p0 =	sne.s32 s28, $0x8  }
.Ltmp1:
0x12b: {  	s31 =	simm.s32 $0x0;
	s0 =	sadd.s32 s2, s0;
	(pc) =	sbr.rel @p0 .LBB2_2-.Ltmp1, $4  }
0x12c: {  	[hbm4b:s0+s31] =	stream.linear.scatter [tilespmem:s15], [sflag:$0x2], $0x8000, $0x38;
	[tilespmem:$0x12100] =	vst v63  }
0x12d: {  	_ =	swait.ge [sflag:s13], $0x8000  }
0x12e: {  	[sflag:s13] =	ssyncset.done $0x0  }
0x12f: {  	[sflag:s13] =	ssyncadd.s32 $0xFFFF8000  }
0x130: {  	s2 =	rddreg [dreg:$0x4]  }
0x131: {  	s0 =	rddreg [dreg:$0x3];
	s2 =	sadd.s32 $0x1, s2  }
0x132: {  	p0 =	sne.s32 s2, s0  }
.Ltmp2:
0x133: {  	_ = 	snop;
	(pc) =	sbr.rel @p0 .LBB2_1-.Ltmp2, $1  }
0x134: {  	_ =	sdelay $0x3  }
0x135: {  	_ =	sfence.sel $0x180000  }
0x136: {  	[bflag:$0x0] =	sbarrier.arrive $0xFFFF  }
0x137: {  	_ =	strace $0x9000004A  }
0x138: {  	s0 =	stileid.u32;
	[bflag:$0x2] =	sbarrier.arrive $0xFFFF  }
0x139: {  	p0 =	sne.s32 s0, $0x0;
	s0 =	rddreg [dreg:$0x2]  }
0x13a: {  	s0 =	sadd.s32 @!p0 $0x100000, s0  }
0x13b: {  	[sflag:s0] =	ssyncadd.tile.s32 @!p0 $0x1;
	_ =	shalt  }
.Lfunc_end2:
_tile_overlayer_lowered:
.L_overlay_start_2:
0x13c: {  	(tag) =	ssettag $0x2  }
0x13d: {  	s0 =	rddreg [dreg:$0x0];
	s2 =	stileid.u32  }
0x13e: {  	s1 =	rddreg [dreg:$0x1];
	p0 =	sne.s32 s2, $0x0  }
0x13f: {  	s3 =	rddreg [dreg:$0x2];
	[bflag:$0x3] =	sbarrier.arrive $0xFFFF;
	s2 =	simm.s32 @!p0 $0x1C02  }
0x140: {  	[timem:s3], [sflag:s2] =	dma.local @!p0 [hbm:s0], s1  }
0x141: {  	s0 =	simm.s32 @!p0 $0x2  }
0x142: {  	_ =	swait.ge @!p0 [sflag:s0], s1  }
0x143: {  	s1 =	ssub.s32 @!p0 $0x0, s1;
	[sflag:s0] =	ssyncset.done @!p0 $0x0  }
0x144: {  	[sflag:s0] =	ssyncadd.s32 @!p0 s1  }
0x145: {  	[bflag:$0x3] =	sbarrier.arrive $0xFFFF  }
0x146: {  	_ =	shalt  }

</sc_bundles>
